<compile_context>
chip_gen: v7x
topology: tpu7x:2x2x1
jax: 0.10.2.dev20260603
libtpu: 0.0.44.dev20260713+nightly
codegen_flags: <defaults>
</compile_context>

<pallas_src>
import jax
import jax.numpy as jnp
from jax import lax
from jax.experimental import pallas as pl
from jax.experimental.pallas import tpu as pltpu
from jax.experimental.pallas import tpu_sc as plsc

F_IN = 128
K = 8
F_OUT = 16
KF = K * F_OUT
KP = 16

NC = 2
NS = 16
NW = NC * NS
L = 16

N_PAD = 10240
EB = 128
BPT = 82
EB4 = 64
BPT4 = 164
C0 = 182
C1 = 2 * BPT4 - C0
SLOP = 2
CHUNK = BPT * EB
E_PAD = NW * CHUNK
E_EXPE = E_PAD + SLOP * EB4
RPT = N_PAD // NS


def _k1_body(x_ref, wt_ref, b_ref, asrc_ref, atrg_ref,
             hp_ref, hs_ref, ht_ref, bound_ref, ms_ref, mt_ref):
    i = pl.program_id(0)
    hp = jnp.dot(x_ref[...], wt_ref[...],
                 preferred_element_type=jnp.float32) + b_ref[...]
    hp_ref[...] = hp
    hs = jnp.dot(hp, asrc_ref[...], preferred_element_type=jnp.float32)
    ht = jnp.dot(hp, atrg_ref[...], preferred_element_type=jnp.float32)
    hs_ref[...] = hs
    ht_ref[...] = ht
    ms = jnp.max(hs)
    mt = jnp.max(ht)

    @pl.when(i == 0)
    def _():
        ms_ref[0] = ms
        mt_ref[0] = mt

    @pl.when(i > 0)
    def _():
        ms_ref[0] = jnp.maximum(ms_ref[0], ms)
        mt_ref[0] = jnp.maximum(mt_ref[0], mt)

    bound_ref[...] = jnp.full((8, 128),
                              jnp.maximum(ms_ref[0] + mt_ref[0], 0.0),
                              dtype=jnp.float32)


def _k1(x_pad, Wt, b2, A_src, A_trg):
    grid = N_PAD // 1024
    return pl.pallas_call(
        _k1_body,
        grid=(grid,),
        in_specs=[
            pl.BlockSpec((1024, F_IN), lambda i: (i, 0)),
            pl.BlockSpec((F_IN, KF), lambda i: (0, 0)),
            pl.BlockSpec((1, KF), lambda i: (0, 0)),
            pl.BlockSpec((KF, KP), lambda i: (0, 0)),
            pl.BlockSpec((KF, KP), lambda i: (0, 0)),
        ],
        out_specs=[
            pl.BlockSpec((1024, KF), lambda i: (i, 0)),
            pl.BlockSpec((1024, KP), lambda i: (i, 0)),
            pl.BlockSpec((1024, KP), lambda i: (i, 0)),
            pl.BlockSpec((8, 128), lambda i: (0, 0)),
        ],
        out_shape=[
            jax.ShapeDtypeStruct((N_PAD, KF), jnp.float32),
            jax.ShapeDtypeStruct((N_PAD, KP), jnp.float32),
            jax.ShapeDtypeStruct((N_PAD, KP), jnp.float32),
            jax.ShapeDtypeStruct((8, 128), jnp.float32),
        ],
        scratch_shapes=[pltpu.SMEM((1,), jnp.float32),
                        pltpu.SMEM((1,), jnp.float32)],
    )(x_pad, Wt, b2, A_src, A_trg)


def _k2_body(src2, trg2, hs_hbm, ht_hbm, bound_hbm,
             expe_hbm, norm_hbm,
             src_v, trg_v, s0, s1, t0, t1, e0, e1, bound_v,
             norm_acc, sem0, sem1):
    cid = lax.axis_index("c")
    sid = lax.axis_index("s")
    wid = cid * NS + sid
    sbuf, tbuf, ebuf, sems = [s0, s1], [t0, t1], [e0, e1], [sem0, sem1]

    @pl.loop(0, EB)
    def _(r):
        e0[r, :] = jnp.zeros((KP,), jnp.float32)

    @pl.loop(0, RPT // EB)
    def _(r):
        pltpu.sync_copy(e0, norm_acc.at[pl.ds(sid * RPT + r * EB, EB), :])

    pltpu.sync_copy(bound_hbm.at[0, pl.ds(0, L)], bound_v)
    pltpu.sync_copy(src2.at[wid], src_v)
    pltpu.sync_copy(trg2.at[wid], trg_v)
    plsc.subcore_barrier()

    def issue(blk, b):
        pltpu.async_copy(hs_hbm.at[src_v.at[blk]], sbuf[b], sems[b])
        pltpu.async_copy(ht_hbm.at[trg_v.at[blk]], tbuf[b], sems[b])

    def wait_pair(b):
        pltpu.make_async_copy(hs_hbm.at[pl.ds(0, EB), :], sbuf[b],
                              sems[b]).wait()
        pltpu.make_async_copy(ht_hbm.at[pl.ds(0, EB), :], tbuf[b],
                              sems[b]).wait()

    issue(0, 0)
    issue(1, 1)
    bound = bound_v[...]

    @pl.loop(0, BPT, step=2)
    def _(blk0):
        for b in range(2):
            blk = blk0 + b
            wait_pair(b)
            sb, tb, eb = sbuf[b], tbuf[b], ebuf[b]

            @pl.loop(0, EB)
            def _(ei):
                e = sb[ei, :] + tb[ei, :]
                e = jnp.where(e > 0, e, 0.2 * e) - bound
                eb[ei, :] = jnp.exp(e)

            off = wid * CHUNK + blk * EB
            pltpu.sync_copy(eb, expe_hbm.at[pl.ds(off, EB), :])
            pltpu.sync_copy(eb, norm_acc.at[trg_v.at[blk]], add=True)
            issue(blk + 2, b)

    for b in range(2):
        wait_pair(b)
    plsc.subcore_barrier()
    pltpu.sync_copy(norm_acc.at[pl.ds(sid * RPT, RPT), :],
                    norm_hbm.at[cid, pl.ds(sid * RPT, RPT), :])


def _k2(src2, trg2, hs, ht, bound):
    mesh = plsc.VectorSubcoreMesh(core_axis_name="c", subcore_axis_name="s")
    f = pl.kernel(
        _k2_body,
        out_type=[
            jax.ShapeDtypeStruct((E_EXPE, KP), jnp.float32),
            jax.ShapeDtypeStruct((NC, N_PAD, KP), jnp.float32),
        ],
        mesh=mesh,
        compiler_params=pltpu.CompilerParams(use_tc_tiling_on_sc=False),
        scratch_types=[
            pltpu.VMEM((BPT + SLOP, EB), jnp.int32),
            pltpu.VMEM((BPT + SLOP, EB), jnp.int32),
            pltpu.VMEM((EB, KP), jnp.float32),
            pltpu.VMEM((EB, KP), jnp.float32),
            pltpu.VMEM((EB, KP), jnp.float32),
            pltpu.VMEM((EB, KP), jnp.float32),
            pltpu.VMEM((EB, KP), jnp.float32),
            pltpu.VMEM((EB, KP), jnp.float32),
            pltpu.VMEM((L,), jnp.float32),
            pltpu.VMEM_SHARED((N_PAD, KP), jnp.float32),
            pltpu.SemaphoreType.DMA,
            pltpu.SemaphoreType.DMA,
        ],
    )
    return f(src2, trg2, hs, ht, bound)


def _k3_body(n_ref, out_ref):
    out_ref[...] = 1.0 / (n_ref[0] + n_ref[1] + 1e-10)


def _k3(norm_part):
    return pl.pallas_call(
        _k3_body,
        out_shape=jax.ShapeDtypeStruct((N_PAD, KP), jnp.float32),
    )(norm_part)


def _k4_body(src2, trg2, expe_hbm, rnorm_hbm, hp_hbm,
             out_hbm,
             src_v, trg_v, rn0, rn1, e0, e1, h0, h1,
             out_acc, sem0, sem1):
    cid = lax.axis_index("c")
    sid = lax.axis_index("s")
    wid = cid * NS + sid
    nblk = jnp.where(cid == 0, C0, C1)
    eblk = jnp.where(cid == 0, sid * C0, NS * C0 + sid * C1)
    rnbuf, ebuf, sems = [rn0, rn1], [e0, e1], [sem0, sem1]
    hbuf = [h0, h1]

    @pl.loop(0, EB4)
    def _(r):
        for j in range(KF // L):
            h0[r, pl.ds(j * L, L)] = jnp.zeros((L,), jnp.float32)

    @pl.loop(0, RPT // EB4)
    def _(r):
        pltpu.sync_copy(h0, out_acc.at[pl.ds(sid * RPT + r * EB4, EB4), :])

    pltpu.sync_copy(src2.at[wid], src_v)
    pltpu.sync_copy(trg2.at[wid], trg_v)
    plsc.subcore_barrier()

    def issue(blk, b):
        off = (eblk + blk) * EB4
        pltpu.async_copy(rnorm_hbm.at[trg_v.at[blk]], rnbuf[b], sems[b])
        pltpu.async_copy(expe_hbm.at[pl.ds(off, EB4), :], ebuf[b], sems[b])
        pltpu.async_copy(hp_hbm.at[src_v.at[blk]], hbuf[b], sems[b])

    def wait_three(b):
        pltpu.make_async_copy(rnorm_hbm.at[pl.ds(0, EB4), :], rnbuf[b],
                              sems[b]).wait()
        pltpu.make_async_copy(expe_hbm.at[pl.ds(0, EB4), :], ebuf[b],
                              sems[b]).wait()
        pltpu.make_async_copy(hp_hbm.at[pl.ds(0, EB4), :], hbuf[b],
                              sems[b]).wait()

    issue(0, 0)
    issue(1, 1)
    splat_idx = [jnp.full((L,), k, jnp.int32) for k in range(K)]

    @pl.loop(0, nblk, step=2)
    def _(blk0):
        for b in range(2):
            blk = blk0 + b
            wait_three(b)
            rnb, eb, hb = rnbuf[b], ebuf[b], hbuf[b]

            @pl.loop(0, EB4)
            def _(ei):
                av = rnb[ei, :] * eb[ei, :]
                for k in range(K):
                    seg = pl.ds(k * F_OUT, F_OUT)
                    aspl = av.at[splat_idx[k]].get(
                        mode="promise_in_bounds")
                    hb[ei, seg] = hb[ei, seg] * aspl

            pltpu.sync_copy(hb, out_acc.at[trg_v.at[blk]], add=True)
            issue(blk + 2, b)

    for b in range(2):
        wait_three(b)
    plsc.subcore_barrier()
    pltpu.sync_copy(out_acc.at[pl.ds(sid * RPT, RPT), :],
                    out_hbm.at[cid, pl.ds(sid * RPT, RPT), :])


def _k4(src2, trg2, expe, rnorm, hp):
    mesh = plsc.VectorSubcoreMesh(core_axis_name="c", subcore_axis_name="s")
    f = pl.kernel(
        _k4_body,
        out_type=[
            jax.ShapeDtypeStruct((NC, N_PAD, KF), jnp.float32),
        ],
        mesh=mesh,
        compiler_params=pltpu.CompilerParams(use_tc_tiling_on_sc=False),
        scratch_types=[
            pltpu.VMEM((C0 + SLOP, EB4), jnp.int32),
            pltpu.VMEM((C0 + SLOP, EB4), jnp.int32),
            pltpu.VMEM((EB4, KP), jnp.float32),
            pltpu.VMEM((EB4, KP), jnp.float32),
            pltpu.VMEM((EB4, KP), jnp.float32),
            pltpu.VMEM((EB4, KP), jnp.float32),
            pltpu.VMEM((EB4, KF), jnp.float32),
            pltpu.VMEM((EB4, KF), jnp.float32),
            pltpu.VMEM_SHARED((N_PAD, KF), jnp.float32),
            pltpu.SemaphoreType.DMA,
            pltpu.SemaphoreType.DMA,
        ],
    )
    return f(src2, trg2, expe, rnorm, hp)


def _k5_body(p_ref, out_ref):
    out_ref[...] = p_ref[0] + p_ref[1]


def _k5(out_part):
    grid = N_PAD // 1024
    return pl.pallas_call(
        _k5_body,
        grid=(grid,),
        in_specs=[pl.BlockSpec((2, 1024, KF), lambda i: (0, i, 0))],
        out_specs=pl.BlockSpec((1024, KF), lambda i: (i, 0)),
        out_shape=jax.ShapeDtypeStruct((N_PAD, KF), jnp.float32),
    )(out_part)


def kernel(x, edge_index, W, b, a_src, a_trg):
    n = x.shape[0]
    e = edge_index.shape[1]
    e_tot = e + n
    self_loop = jnp.arange(n, dtype=edge_index.dtype)
    pad_idx = jnp.full((E_PAD - e_tot,), n, dtype=edge_index.dtype)
    src = jnp.concatenate([edge_index[0], self_loop, pad_idx])
    trg = jnp.concatenate([edge_index[1], self_loop, pad_idx])
    src2 = jnp.pad(src.reshape(NW, BPT, EB), ((0, 0), (0, SLOP), (0, 0)))
    trg2 = jnp.pad(trg.reshape(NW, BPT, EB), ((0, 0), (0, SLOP), (0, 0)))
    def _asym_pages(v):
        cut = NS * C0 * EB4
        p0 = v[:cut].reshape(NS, C0, EB4)
        p1 = v[cut:].reshape(NS, C1, EB4)
        p0 = jnp.pad(p0, ((0, 0), (0, SLOP), (0, 0)))
        p1 = jnp.pad(p1, ((0, 0), (0, C0 - C1 + SLOP), (0, 0)))
        return jnp.concatenate([p0, p1], axis=0)

    src4 = _asym_pages(src)
    trg4 = _asym_pages(trg)

    x_pad = jnp.pad(x, ((0, N_PAD - n), (0, 0)))
    Wt = W.T
    b2 = b.reshape(1, KF)
    rows = jnp.arange(KF)
    cols = rows // F_OUT
    A_src = jnp.zeros((KF, KP), jnp.float32).at[rows, cols].set(
        a_src.reshape(KF))
    A_trg = jnp.zeros((KF, KP), jnp.float32).at[rows, cols].set(
        a_trg.reshape(KF))

    hp, hs, ht, bound = _k1(x_pad, Wt, b2, A_src, A_trg)
    expe, norm_part = _k2(src2, trg2, hs, ht, bound)
    rnorm = _k3(norm_part)
    (out_part,) = _k4(src4, trg4, expe, rnorm, hp)
    out = _k5(out_part)
    return out[:n]

# --- scband reference (transcript-rebuilt; emitter-appended) ---
"""Pipeline reference for scband-gat-layer-54700703481984 (READ-ONLY COPY).

The authoritative reference and input builder live on the scoring server;
editing this copy changes nothing except your own understanding.
"""

import jax, jax.numpy as jnp
import numpy as np

N = 10000
E = 320000
F_IN = 128
K = 8
F_OUT = 16


def setup_inputs(seed: int = 0) -> dict:
    key = jax.random.key(seed)
    k1, k2, k3, k4, k5, k6 = jax.random.split(key, 6)
    x = jax.random.normal(k1, (N, F_IN), dtype=jnp.float32)
    edge_index = jax.random.randint(k2, (2, E), 0, N, dtype=jnp.int32)
    # Linear layer params: torch nn.Linear(F_IN, K*F_OUT) -> weight (K*F_OUT, F_IN), bias (K*F_OUT,)
    bound = float(np.sqrt(6.0 / (F_IN + K * F_OUT)))
    W = jax.random.uniform(k3, (K * F_OUT, F_IN), dtype=jnp.float32, minval=-bound, maxval=bound)
    b = jax.random.uniform(k4, (K * F_OUT,), dtype=jnp.float32)
    bound_a = float(np.sqrt(6.0 / (1 + F_OUT)))
    a_src = jax.random.uniform(k5, (1, K, F_OUT), dtype=jnp.float32, minval=-bound_a, maxval=bound_a)
    a_trg = jax.random.uniform(k6, (1, K, F_OUT), dtype=jnp.float32, minval=-bound_a, maxval=bound_a)
    return {"x": x, "edge_index": edge_index, "W": W, "b": b, "a_src": a_src, "a_trg": a_trg}


def reference(x, edge_index, W, b, a_src, a_trg):
    # Dropout is identity (eval mode / deterministic reference).
    n = x.shape[0]
    self_loop = jnp.arange(n, dtype=edge_index.dtype)
    ei = jnp.concatenate([edge_index, jnp.stack([self_loop, self_loop], axis=0)], axis=1)
    src, trg = ei[0], ei[1]
    h_prime = (x @ W.T + b).reshape(n, K, F_OUT)
    h_src = (h_prime * a_src).sum(axis=2)  # (N, K)
    h_trg = (h_prime * a_trg).sum(axis=2)  # (N, K)
    e = h_src[src] + h_trg[trg]  # (E+N, K) gather
    e = jax.nn.leaky_relu(e, negative_slope=0.2)
    e = e - e.max()
    exp_e = jnp.exp(e)
    trg_normalization = jax.ops.segment_sum(exp_e, trg, num_segments=n)  # (N, K) scatter-add
    alpha = exp_e / (trg_normalization[trg] + 1e-10)  # (E+N, K)
    msgs = h_prime[src] * alpha[:, :, None]  # (E+N, K, F_OUT) gather
    out = jax.ops.segment_sum(msgs, trg, num_segments=n)  # (N, K, F_OUT) scatter-add
    # concat=True
    return out.reshape(n, -1)

if __name__ == "__main__":
    import jax
    _d = setup_inputs()
    print(jax.jit(kernel)(*tuple(_d.values())))

</pallas_src>

<mosaic_0001>
#map = affine_map<(d0, d1) -> (0, 0, 0)>
#map1 = affine_map<(d0, d1) -> (0, 0)>
module attributes {stable_mosaic.version = 14 : i64} {
  func.func @_k4_body(%arg0: i32, %arg1: i32, %arg2: memref<32x184x64xi32, #tpu.memory_space<hbm>>, %arg3: memref<32x184x64xi32, #tpu.memory_space<hbm>>, %arg4: memref<336000x16xf32, #tpu.memory_space<hbm>>, %arg5: memref<10240x16xf32, #tpu.memory_space<hbm>>, %arg6: memref<10240x128xf32, #tpu.memory_space<hbm>>, %arg7: memref<2x10240x128xf32, #tpu.memory_space<hbm>>, %arg8: memref<184x64xi32, #tpu.memory_space<vmem>>, %arg9: memref<184x64xi32, #tpu.memory_space<vmem>>, %arg10: memref<64x16xf32, #tpu.memory_space<vmem>>, %arg11: memref<64x16xf32, #tpu.memory_space<vmem>>, %arg12: memref<64x16xf32, #tpu.memory_space<vmem>>, %arg13: memref<64x16xf32, #tpu.memory_space<vmem>>, %arg14: memref<64x128xf32, #tpu.memory_space<vmem>>, %arg15: memref<64x128xf32, #tpu.memory_space<vmem>>, %arg16: memref<10240x128xf32, #tpu.memory_space<vmem_shared>>, %arg17: memref<!tpu.dma_semaphore, #tpu.memory_space<semaphore_mem>>, %arg18: memref<!tpu.dma_semaphore, #tpu.memory_space<semaphore_mem>>) attributes {dimension_semantics = [#tpu.dimension_semantics<core_parallel>, #tpu.dimension_semantics<subcore_parallel>], iteration_bounds = array<i64: 2, 16>, scalar_prefetch = 0 : i64, scratch_operands = 11 : i64, tpu.core_type = #tpu.core_type<sc_vector_subcore>, window_params = [{transform_indices = #map}, {transform_indices = #map}, {transform_indices = #map1}, {transform_indices = #map1}, {transform_indices = #map1}, {transform_indices = #map}]} {
    %mul3A = arith.constant 16 : i32
    %mul3A_0 = arith.muli %arg0, %mul3A : i32
    %add3A = arith.addi %mul3A_0, %arg1 : i32
    %eq3A = arith.constant 0 : i32
    %eq3A_1 = arith.cmpi eq, %arg0, %eq3A : i32
    %jit3A = arith.constant 182 : i32
    %jit3A_2 = arith.constant 146 : i32
    %select_n3A = arith.select %eq3A_1, %jit3A, %jit3A_2 : i32
    %eq3A_3 = arith.constant 0 : i32
    %eq3A_4 = arith.cmpi eq, %arg0, %eq3A_3 : i32
    %mul3A_5 = arith.constant 182 : i32
    %mul3A_6 = arith.muli %arg1, %mul3A_5 : i32
    %mul3A_7 = arith.constant 146 : i32
    %mul3A_8 = arith.muli %arg1, %mul3A_7 : i32
    %add3A_9 = arith.constant 2912 : i32
    %add3A_10 = arith.addi %add3A_9, %mul3A_8 : i32
    %select_n3A_11 = arith.select %eq3A_4, %mul3A_6, %add3A_10 : i32
    %scan3A = arith.constant 0 : i32
    %scan3A_12 = arith.constant 64 : i32
    %scan3A_13 = arith.addi %scan3A, %scan3A_12 : i32
    %scan3A_14 = arith.constant 1 : i32
    scf.for %scan3A_135 = %scan3A to %scan3A_13 step %scan3A_14  : i32 {
      %mul3A_136 = arith.constant 1 : i32
      %mul3A_137 = arith.muli %scan3A_135, %mul3A_136 : i32
      %add3A_138 = arith.constant 0 : i32
      %add3A_139 = arith.addi %add3A_138, %mul3A_137 : i32
      %broadcast_in_dim3A_140 = arith.constant 0.000000e+00 : f32
      %broadcast_in_dim3A_141 = vector.broadcast %broadcast_in_dim3A_140 : f32 to vector<16xf32>
      %swap3A = arith.index_cast %add3A_139 : i32 to index
      %swap3A_142 = arith.constant 0 : index
      %swap3A_143 = tpu.vector_load %arg14[%swap3A, %swap3A_142] {strides = array<i32>} : memref<64x128xf32, #tpu.memory_space<vmem>>, vector<1x16xf32>,
      %swap3A_144 = vector.shape_cast %swap3A_143 : vector<1x16xf32> to vector<16xf32>
      %swap3A_145 = vector.shape_cast %broadcast_in_dim3A_141 : vector<16xf32> to vector<1x16xf32>
      tpu.vector_store %arg14[%swap3A, %swap3A_142], %swap3A_145 {strides = array<i32>} : memref<64x128xf32, #tpu.memory_space<vmem>>, vector<1x16xf32>,
      %broadcast_in_dim3A_146 = arith.constant 0.000000e+00 : f32
      %broadcast_in_dim3A_147 = vector.broadcast %broadcast_in_dim3A_146 : f32 to vector<16xf32>
      %swap3A_148 = arith.index_cast %add3A_139 : i32 to index
      %swap3A_149 = arith.constant 16 : index
      %swap3A_150 = tpu.vector_load %arg14[%swap3A_148, %swap3A_149] {strides = array<i32>} : memref<64x128xf32, #tpu.memory_space<vmem>>, vector<1x16xf32>,
      %swap3A_151 = vector.shape_cast %swap3A_150 : vector<1x16xf32> to vector<16xf32>
      %swap3A_152 = vector.shape_cast %broadcast_in_dim3A_147 : vector<16xf32> to vector<1x16xf32>
      tpu.vector_store %arg14[%swap3A_148, %swap3A_149], %swap3A_152 {strides = array<i32>} : memref<64x128xf32, #tpu.memory_space<vmem>>, vector<1x16xf32>,
      %broadcast_in_dim3A_153 = arith.constant 0.000000e+00 : f32
      %broadcast_in_dim3A_154 = vector.broadcast %broadcast_in_dim3A_153 : f32 to vector<16xf32>
      %swap3A_155 = arith.index_cast %add3A_139 : i32 to index
      %swap3A_156 = arith.constant 32 : index
      %swap3A_157 = tpu.vector_load %arg14[%swap3A_155, %swap3A_156] {strides = array<i32>} : memref<64x128xf32, #tpu.memory_space<vmem>>, vector<1x16xf32>,
      %swap3A_158 = vector.shape_cast %swap3A_157 : vector<1x16xf32> to vector<16xf32>
      %swap3A_159 = vector.shape_cast %broadcast_in_dim3A_154 : vector<16xf32> to vector<1x16xf32>
      tpu.vector_store %arg14[%swap3A_155, %swap3A_156], %swap3A_159 {strides = array<i32>} : memref<64x128xf32, #tpu.memory_space<vmem>>, vector<1x16xf32>,
      %broadcast_in_dim3A_160 = arith.constant 0.000000e+00 : f32
      %broadcast_in_dim3A_161 = vector.broadcast %broadcast_in_dim3A_160 : f32 to vector<16xf32>
      %swap3A_162 = arith.index_cast %add3A_139 : i32 to index
      %swap3A_163 = arith.constant 48 : index
      %swap3A_164 = tpu.vector_load %arg14[%swap3A_162, %swap3A_163] {strides = array<i32>} : memref<64x128xf32, #tpu.memory_space<vmem>>, vector<1x16xf32>,
      %swap3A_165 = vector.shape_cast %swap3A_164 : vector<1x16xf32> to vector<16xf32>
      %swap3A_166 = vector.shape_cast %broadcast_in_dim3A_161 : vector<16xf32> to vector<1x16xf32>
      tpu.vector_store %arg14[%swap3A_162, %swap3A_163], %swap3A_166 {strides = array<i32>} : memref<64x128xf32, #tpu.memory_space<vmem>>, vector<1x16xf32>,
      %broadcast_in_dim3A_167 = arith.constant 0.000000e+00 : f32
      %broadcast_in_dim3A_168 = vector.broadcast %broadcast_in_dim3A_167 : f32 to vector<16xf32>
      %swap3A_169 = arith.index_cast %add3A_139 : i32 to index
      %swap3A_170 = arith.constant 64 : index
      %swap3A_171 = tpu.vector_load %arg14[%swap3A_169, %swap3A_170] {strides = array<i32>} : memref<64x128xf32, #tpu.memory_space<vmem>>, vector<1x16xf32>,
      %swap3A_172 = vector.shape_cast %swap3A_171 : vector<1x16xf32> to vector<16xf32>
      %swap3A_173 = vector.shape_cast %broadcast_in_dim3A_168 : vector<16xf32> to vector<1x16xf32>
      tpu.vector_store %arg14[%swap3A_169, %swap3A_170], %swap3A_173 {strides = array<i32>} : memref<64x128xf32, #tpu.memory_space<vmem>>, vector<1x16xf32>,
      %broadcast_in_dim3A_174 = arith.constant 0.000000e+00 : f32
      %broadcast_in_dim3A_175 = vector.broadcast %broadcast_in_dim3A_174 : f32 to vector<16xf32>
      %swap3A_176 = arith.index_cast %add3A_139 : i32 to index
      %swap3A_177 = arith.constant 80 : index
      %swap3A_178 = tpu.vector_load %arg14[%swap3A_176, %swap3A_177] {strides = array<i32>} : memref<64x128xf32, #tpu.memory_space<vmem>>, vector<1x16xf32>,
      %swap3A_179 = vector.shape_cast %swap3A_178 : vector<1x16xf32> to vector<16xf32>
      %swap3A_180 = vector.shape_cast %broadcast_in_dim3A_175 : vector<16xf32> to vector<1x16xf32>
      tpu.vector_store %arg14[%swap3A_176, %swap3A_177], %swap3A_180 {strides = array<i32>} : memref<64x128xf32, #tpu.memory_space<vmem>>, vector<1x16xf32>,
      %broadcast_in_dim3A_181 = arith.constant 0.000000e+00 : f32
      %broadcast_in_dim3A_182 = vector.broadcast %broadcast_in_dim3A_181 : f32 to vector<16xf32>
      %swap3A_183 = arith.index_cast %add3A_139 : i32 to index
      %swap3A_184 = arith.constant 96 : index
      %swap3A_185 = tpu.vector_load %arg14[%swap3A_183, %swap3A_184] {strides = array<i32>} : memref<64x128xf32, #tpu.memory_space<vmem>>, vector<1x16xf32>,
      %swap3A_186 = vector.shape_cast %swap3A_185 : vector<1x16xf32> to vector<16xf32>
      %swap3A_187 = vector.shape_cast %broadcast_in_dim3A_182 : vector<16xf32> to vector<1x16xf32>
      tpu.vector_store %arg14[%swap3A_183, %swap3A_184], %swap3A_187 {strides = array<i32>} : memref<64x128xf32, #tpu.memory_space<vmem>>, vector<1x16xf32>,
      %broadcast_in_dim3A_188 = arith.constant 0.000000e+00 : f32
      %broadcast_in_dim3A_189 = vector.broadcast %broadcast_in_dim3A_188 : f32 to vector<16xf32>
      %swap3A_190 = arith.index_cast %add3A_139 : i32 to index
      %swap3A_191 = arith.constant 112 : index
      %swap3A_192 = tpu.vector_load %arg14[%swap3A_190, %swap3A_191] {strides = array<i32>} : memref<64x128xf32, #tpu.memory_space<vmem>>, vector<1x16xf32>,
      %swap3A_193 = vector.shape_cast %swap3A_192 : vector<1x16xf32> to vector<16xf32>
      %swap3A_194 = vector.shape_cast %broadcast_in_dim3A_189 : vector<16xf32> to vector<1x16xf32>
      tpu.vector_store %arg14[%swap3A_190, %swap3A_191], %swap3A_194 {strides = array<i32>} : memref<64x128xf32, #tpu.memory_space<vmem>>, vector<1x16xf32>,
    }
    %scan3A_15 = arith.constant 64 : i32
    %scan3A_16 = arith.constant 0 : i32
    %scan3A_17 = arith.constant 10 : i32
    %scan3A_18 = arith.addi %scan3A_16, %scan3A_17 : i32
    %scan3A_19 = arith.constant 1 : i32
    scf.for %scan3A_135 = %scan3A_16 to %scan3A_18 step %scan3A_19  : i32 {
      %mul3A_136 = arith.constant 1 : i32
      %mul3A_137 = arith.muli %scan3A_135, %mul3A_136 : i32
      %add3A_138 = arith.constant 0 : i32
      %add3A_139 = arith.addi %add3A_138, %mul3A_137 : i32
      %mul3A_140 = arith.constant 640 : i32
      %mul3A_141 = arith.muli %arg1, %mul3A_140 : i32
      %mul3A_142 = arith.constant 64 : i32
      %mul3A_143 = arith.muli %add3A_139, %mul3A_142 : i32
      %add3A_144 = arith.addi %mul3A_141, %mul3A_143 : i32
      "tpu.region"() ({
        %run_scoped3A = tpu.sem_alloc : memref<!tpu.dma_semaphore, #tpu.memory_space<semaphore_mem>>
        %dma_start3A_145 = arith.constant 0 : i32
        %dma_start3A_146 = tpu.memref_slice %arg16[%add3A_144, %dma_start3A_145] : memref<10240x128xf32, #tpu.memory_space<vmem_shared>> -> memref<64x128xf32, #tpu.memory_space<vmem_shared>>
        %dma_start3A_147 = arith.constant 0 : i32
        %dma_start3A_148 = tpu.memref_slice %arg16[%add3A_144, %dma_start3A_147] : memref<10240x128xf32, #tpu.memory_space<vmem_shared>> -> memref<64x128xf32, #tpu.memory_space<vmem_shared>>
        tpu.enqueue_dma source(%arg14 : memref<64x128xf32, #tpu.memory_space<vmem>>) target(%dma_start3A_148 : memref<64x128xf32, #tpu.memory_space<vmem_shared>>) target_semaphore(%run_scoped3A : memref<!tpu.dma_semaphore, #tpu.memory_space<semaphore_mem>>)
        %dma_wait3A_149 = arith.constant 0 : i32
        %dma_wait3A_150 = tpu.memref_slice %arg16[%add3A_144, %dma_wait3A_149] : memref<10240x128xf32, #tpu.memory_space<vmem_shared>> -> memref<64x128xf32, #tpu.memory_space<vmem_shared>>
        %dma_wait3A_151 = arith.constant 0 : i32
        %dma_wait3A_152 = tpu.memref_slice %arg16[%add3A_144, %dma_wait3A_151] : memref<10240x128xf32, #tpu.memory_space<vmem_shared>> -> memref<64x128xf32, #tpu.memory_space<vmem_shared>>
        tpu.wait_dma2 semaphore(%run_scoped3A : memref<!tpu.dma_semaphore, #tpu.memory_space<semaphore_mem>>) src(%arg14 : memref<64x128xf32, #tpu.memory_space<vmem>>) dst(%dma_wait3A_152 : memref<64x128xf32, #tpu.memory_space<vmem_shared>>)
        tpu.yield
      }) : () -> ()
    }
    %scan3A_20 = arith.constant 10 : i32
    "tpu.region"() ({
      %run_scoped3A = tpu.sem_alloc : memref<!tpu.dma_semaphore, #tpu.memory_space<semaphore_mem>>
      %dma_start3A_135 = arith.constant 0 : i32
      %dma_start3A_136 = arith.constant 0 : i32
      %dma_start3A_137 = tpu.memref_slice %arg2[%add3A, %dma_start3A_135, %dma_start3A_136] : memref<32x184x64xi32, #tpu.memory_space<hbm>> -> memref<1x184x64xi32, #tpu.memory_space<hbm>>
      %dma_start3A_138 = tpu.memref_squeeze %dma_start3A_137 : memref<1x184x64xi32, #tpu.memory_space<hbm>> -> memref<184x64xi32, #tpu.memory_space<hbm>>
      %dma_start3A_139 = arith.constant 0 : i32
      %dma_start3A_140 = arith.constant 0 : i32
      %dma_start3A_141 = tpu.memref_slice %arg2[%add3A, %dma_start3A_139, %dma_start3A_140] : memref<32x184x64xi32, #tpu.memory_space<hbm>> -> memref<1x184x64xi32, #tpu.memory_space<hbm>>
      %dma_start3A_142 = tpu.memref_squeeze %dma_start3A_141 : memref<1x184x64xi32, #tpu.memory_space<hbm>> -> memref<184x64xi32, #tpu.memory_space<hbm>>
      tpu.enqueue_dma source(%dma_start3A_142 : memref<184x64xi32, #tpu.memory_space<hbm>>) target(%arg8 : memref<184x64xi32, #tpu.memory_space<vmem>>) target_semaphore(%run_scoped3A : memref<!tpu.dma_semaphore, #tpu.memory_space<semaphore_mem>>)
      %dma_wait3A_143 = arith.constant 0 : i32
      %dma_wait3A_144 = arith.constant 0 : i32
      %dma_wait3A_145 = tpu.memref_slice %arg2[%add3A, %dma_wait3A_143, %dma_wait3A_144] : memref<32x184x64xi32, #tpu.memory_space<hbm>> -> memref<1x184x64xi32, #tpu.memory_space<hbm>>
      %dma_wait3A_146 = tpu.memref_squeeze %dma_wait3A_145 : memref<1x184x64xi32, #tpu.memory_space<hbm>> -> memref<184x64xi32, #tpu.memory_space<hbm>>
      %dma_wait3A_147 = arith.constant 0 : i32
      %dma_wait3A_148 = arith.constant 0 : i32
      %dma_wait3A_149 = tpu.memref_slice %arg2[%add3A, %dma_wait3A_147, %dma_wait3A_148] : memref<32x184x64xi32, #tpu.memory_space<hbm>> -> memref<1x184x64xi32, #tpu.memory_space<hbm>>
      %dma_wait3A_150 = tpu.memref_squeeze %dma_wait3A_149 : memref<1x184x64xi32, #tpu.memory_space<hbm>> -> memref<184x64xi32, #tpu.memory_space<hbm>>
      tpu.wait_dma2 semaphore(%run_scoped3A : memref<!tpu.dma_semaphore, #tpu.memory_space<semaphore_mem>>) src(%dma_wait3A_150 : memref<184x64xi32, #tpu.memory_space<hbm>>) dst(%arg8 : memref<184x64xi32, #tpu.memory_space<vmem>>)
      tpu.yield
    }) : () -> ()
    "tpu.region"() ({
      %run_scoped3A = tpu.sem_alloc : memref<!tpu.dma_semaphore, #tpu.memory_space<semaphore_mem>>
      %dma_start3A_135 = arith.constant 0 : i32
      %dma_start3A_136 = arith.constant 0 : i32
      %dma_start3A_137 = tpu.memref_slice %arg3[%add3A, %dma_start3A_135, %dma_start3A_136] : memref<32x184x64xi32, #tpu.memory_space<hbm>> -> memref<1x184x64xi32, #tpu.memory_space<hbm>>
      %dma_start3A_138 = tpu.memref_squeeze %dma_start3A_137 : memref<1x184x64xi32, #tpu.memory_space<hbm>> -> memref<184x64xi32, #tpu.memory_space<hbm>>
      %dma_start3A_139 = arith.constant 0 : i32
      %dma_start3A_140 = arith.constant 0 : i32
      %dma_start3A_141 = tpu.memref_slice %arg3[%add3A, %dma_start3A_139, %dma_start3A_140] : memref<32x184x64xi32, #tpu.memory_space<hbm>> -> memref<1x184x64xi32, #tpu.memory_space<hbm>>
      %dma_start3A_142 = tpu.memref_squeeze %dma_start3A_141 : memref<1x184x64xi32, #tpu.memory_space<hbm>> -> memref<184x64xi32, #tpu.memory_space<hbm>>
      tpu.enqueue_dma source(%dma_start3A_142 : memref<184x64xi32, #tpu.memory_space<hbm>>) target(%arg9 : memref<184x64xi32, #tpu.memory_space<vmem>>) target_semaphore(%run_scoped3A : memref<!tpu.dma_semaphore, #tpu.memory_space<semaphore_mem>>)
      %dma_wait3A_143 = arith.constant 0 : i32
      %dma_wait3A_144 = arith.constant 0 : i32
      %dma_wait3A_145 = tpu.memref_slice %arg3[%add3A, %dma_wait3A_143, %dma_wait3A_144] : memref<32x184x64xi32, #tpu.memory_space<hbm>> -> memref<1x184x64xi32, #tpu.memory_space<hbm>>
      %dma_wait3A_146 = tpu.memref_squeeze %dma_wait3A_145 : memref<1x184x64xi32, #tpu.memory_space<hbm>> -> memref<184x64xi32, #tpu.memory_space<hbm>>
      %dma_wait3A_147 = arith.constant 0 : i32
      %dma_wait3A_148 = arith.constant 0 : i32
      %dma_wait3A_149 = tpu.memref_slice %arg3[%add3A, %dma_wait3A_147, %dma_wait3A_148] : memref<32x184x64xi32, #tpu.memory_space<hbm>> -> memref<1x184x64xi32, #tpu.memory_space<hbm>>
      %dma_wait3A_150 = tpu.memref_squeeze %dma_wait3A_149 : memref<1x184x64xi32, #tpu.memory_space<hbm>> -> memref<184x64xi32, #tpu.memory_space<hbm>>
      tpu.wait_dma2 semaphore(%run_scoped3A : memref<!tpu.dma_semaphore, #tpu.memory_space<semaphore_mem>>) src(%dma_wait3A_150 : memref<184x64xi32, #tpu.memory_space<hbm>>) dst(%arg9 : memref<184x64xi32, #tpu.memory_space<vmem>>)
      tpu.yield
    }) : () -> ()
    %barrier3A = arith.constant 0 : index
    tpu.barrier barrier_id(%barrier3A)
    %add3A_21 = arith.constant 0 : i32
    %add3A_22 = arith.addi %select_n3A_11, %add3A_21 : i32
    %mul3A_23 = arith.constant 64 : i32
    %mul3A_24 = arith.muli %add3A_22, %mul3A_23 : i32
    %dma_start3A = arith.constant 0 : i32
    %dma_start3A_25 = arith.constant 0 : i32
    %dma_start3A_26 = tpu.memref_slice %arg9[%dma_start3A, %dma_start3A_25] : memref<184x64xi32, #tpu.memory_space<vmem>> -> memref<1x64xi32, #tpu.memory_space<vmem>>
    %dma_start3A_27 = tpu.memref_squeeze %dma_start3A_26 : memref<1x64xi32, #tpu.memory_space<vmem>> -> memref<64xi32, #tpu.memory_space<vmem>>
    %dma_start3A_28 = arith.constant 0 : i32
    %dma_start3A_29 = arith.constant 0 : i32
    %dma_start3A_30 = tpu.memref_slice %arg5[%dma_start3A_28, %dma_start3A_29] : memref<10240x16xf32, #tpu.memory_space<hbm>> -> memref<10240x16xf32, #tpu.memory_space<hbm>>
    tpu.enqueue_indirect_dma source(%dma_start3A_30 : memref<10240x16xf32, #tpu.memory_space<hbm>>) target(%arg10 : memref<64x16xf32, #tpu.memory_space<vmem>>) offsets(%dma_start3A_27 : memref<64xi32, #tpu.memory_space<vmem>>) semaphore(%arg17 : memref<!tpu.dma_semaphore, #tpu.memory_space<semaphore_mem>>)
    %dma_start3A_31 = arith.constant 0 : i32
    %dma_start3A_32 = tpu.memref_slice %arg4[%mul3A_24, %dma_start3A_31] : memref<336000x16xf32, #tpu.memory_space<hbm>> -> memref<64x16xf32, #tpu.memory_space<hbm>>
    %dma_start3A_33 = arith.constant 0 : i32
    %dma_start3A_34 = tpu.memref_slice %arg4[%mul3A_24, %dma_start3A_33] : memref<336000x16xf32, #tpu.memory_space<hbm>> -> memref<64x16xf32, #tpu.memory_space<hbm>>
    tpu.enqueue_dma source(%dma_start3A_34 : memref<64x16xf32, #tpu.memory_space<hbm>>) target(%arg12 : memref<64x16xf32, #tpu.memory_space<vmem>>) target_semaphore(%arg17 : memref<!tpu.dma_semaphore, #tpu.memory_space<semaphore_mem>>)
    %dma_start3A_35 = arith.constant 0 : i32
    %dma_start3A_36 = arith.constant 0 : i32
    %dma_start3A_37 = tpu.memref_slice %arg8[%dma_start3A_35, %dma_start3A_36] : memref<184x64xi32, #tpu.memory_space<vmem>> -> memref<1x64xi32, #tpu.memory_space<vmem>>
    %dma_start3A_38 = tpu.memref_squeeze %dma_start3A_37 : memref<1x64xi32, #tpu.memory_space<vmem>> -> memref<64xi32, #tpu.memory_space<vmem>>
    %dma_start3A_39 = arith.constant 0 : i32
    %dma_start3A_40 = arith.constant 0 : i32
    %dma_start3A_41 = tpu.memref_slice %arg6[%dma_start3A_39, %dma_start3A_40] : memref<10240x128xf32, #tpu.memory_space<hbm>> -> memref<10240x128xf32, #tpu.memory_space<hbm>>
    tpu.enqueue_indirect_dma source(%dma_start3A_41 : memref<10240x128xf32, #tpu.memory_space<hbm>>) target(%arg14 : memref<64x128xf32, #tpu.memory_space<vmem>>) offsets(%dma_start3A_38 : memref<64xi32, #tpu.memory_space<vmem>>) semaphore(%arg17 : memref<!tpu.dma_semaphore, #tpu.memory_space<semaphore_mem>>)
    %add3A_42 = arith.constant 1 : i32
    %add3A_43 = arith.addi %select_n3A_11, %add3A_42 : i32
    %mul3A_44 = arith.constant 64 : i32
    %mul3A_45 = arith.muli %add3A_43, %mul3A_44 : i32
    %dma_start3A_46 = arith.constant 1 : i32
    %dma_start3A_47 = arith.constant 0 : i32
    %dma_start3A_48 = tpu.memref_slice %arg9[%dma_start3A_46, %dma_start3A_47] : memref<184x64xi32, #tpu.memory_space<vmem>> -> memref<1x64xi32, #tpu.memory_space<vmem>>
    %dma_start3A_49 = tpu.memref_squeeze %dma_start3A_48 : memref<1x64xi32, #tpu.memory_space<vmem>> -> memref<64xi32, #tpu.memory_space<vmem>>
    %dma_start3A_50 = arith.constant 0 : i32
    %dma_start3A_51 = arith.constant 0 : i32
    %dma_start3A_52 = tpu.memref_slice %arg5[%dma_start3A_50, %dma_start3A_51] : memref<10240x16xf32, #tpu.memory_space<hbm>> -> memref<10240x16xf32, #tpu.memory_space<hbm>>
    tpu.enqueue_indirect_dma source(%dma_start3A_52 : memref<10240x16xf32, #tpu.memory_space<hbm>>) target(%arg11 : memref<64x16xf32, #tpu.memory_space<vmem>>) offsets(%dma_start3A_49 : memref<64xi32, #tpu.memory_space<vmem>>) semaphore(%arg18 : memref<!tpu.dma_semaphore, #tpu.memory_space<semaphore_mem>>)
    %dma_start3A_53 = arith.constant 0 : i32
    %dma_start3A_54 = tpu.memref_slice %arg4[%mul3A_45, %dma_start3A_53] : memref<336000x16xf32, #tpu.memory_space<hbm>> -> memref<64x16xf32, #tpu.memory_space<hbm>>
    %dma_start3A_55 = arith.constant 0 : i32
    %dma_start3A_56 = tpu.memref_slice %arg4[%mul3A_45, %dma_start3A_55] : memref<336000x16xf32, #tpu.memory_space<hbm>> -> memref<64x16xf32, #tpu.memory_space<hbm>>
    tpu.enqueue_dma source(%dma_start3A_56 : memref<64x16xf32, #tpu.memory_space<hbm>>) target(%arg13 : memref<64x16xf32, #tpu.memory_space<vmem>>) target_semaphore(%arg18 : memref<!tpu.dma_semaphore, #tpu.memory_space<semaphore_mem>>)
    %dma_start3A_57 = arith.constant 1 : i32
    %dma_start3A_58 = arith.constant 0 : i32
    %dma_start3A_59 = tpu.memref_slice %arg8[%dma_start3A_57, %dma_start3A_58] : memref<184x64xi32, #tpu.memory_space<vmem>> -> memref<1x64xi32, #tpu.memory_space<vmem>>
    %dma_start3A_60 = tpu.memref_squeeze %dma_start3A_59 : memref<1x64xi32, #tpu.memory_space<vmem>> -> memref<64xi32, #tpu.memory_space<vmem>>
    %dma_start3A_61 = arith.constant 0 : i32
    %dma_start3A_62 = arith.constant 0 : i32
    %dma_start3A_63 = tpu.memref_slice %arg6[%dma_start3A_61, %dma_start3A_62] : memref<10240x128xf32, #tpu.memory_space<hbm>> -> memref<10240x128xf32, #tpu.memory_space<hbm>>
    tpu.enqueue_indirect_dma source(%dma_start3A_63 : memref<10240x128xf32, #tpu.memory_space<hbm>>) target(%arg15 : memref<64x128xf32, #tpu.memory_space<vmem>>) offsets(%dma_start3A_60 : memref<64xi32, #tpu.memory_space<vmem>>) semaphore(%arg18 : memref<!tpu.dma_semaphore, #tpu.memory_space<semaphore_mem>>)
    %broadcast_in_dim3A = arith.constant 0 : i32
    %broadcast_in_dim3A_64 = vector.broadcast %broadcast_in_dim3A : i32 to vector<16xi32>
    %broadcast_in_dim3A_65 = arith.constant 1 : i32
    %broadcast_in_dim3A_66 = vector.broadcast %broadcast_in_dim3A_65 : i32 to vector<16xi32>
    %broadcast_in_dim3A_67 = arith.constant 2 : i32
    %broadcast_in_dim3A_68 = vector.broadcast %broadcast_in_dim3A_67 : i32 to vector<16xi32>
    %broadcast_in_dim3A_69 = arith.constant 3 : i32
    %broadcast_in_dim3A_70 = vector.broadcast %broadcast_in_dim3A_69 : i32 to vector<16xi32>
    %broadcast_in_dim3A_71 = arith.constant 4 : i32
    %broadcast_in_dim3A_72 = vector.broadcast %broadcast_in_dim3A_71 : i32 to vector<16xi32>
    %broadcast_in_dim3A_73 = arith.constant 5 : i32
    %broadcast_in_dim3A_74 = vector.broadcast %broadcast_in_dim3A_73 : i32 to vector<16xi32>
    %broadcast_in_dim3A_75 = arith.constant 6 : i32
    %broadcast_in_dim3A_76 = vector.broadcast %broadcast_in_dim3A_75 : i32 to vector<16xi32>
    %broadcast_in_dim3A_77 = arith.constant 7 : i32
    %broadcast_in_dim3A_78 = vector.broadcast %broadcast_in_dim3A_77 : i32 to vector<16xi32>
    %sub3A = arith.constant 0 : i32
    %sub3A_79 = arith.subi %select_n3A, %sub3A : i32
    %sub3A_80 = arith.constant 2 : i32
    %sub3A_81 = arith.constant 1 : i32
    %sub3A_82 = arith.subi %sub3A_80, %sub3A_81 : i32
    %add3A_83 = arith.addi %sub3A_79, %sub3A_82 : i32
    %div3A = arith.constant 2 : i32
    %div3A_84 = arith.divsi %add3A_83, %div3A : i32
    %while3A = arith.constant 2 : i32
    %while3A_85 = arith.constant 0 : i32
    %while3A_86 = arith.constant 0 : i32
    %while3A_87 = arith.subi %div3A_84, %while3A_86 : i32
    %while3A_88 = arith.addi %while3A_86, %while3A_87 : i32
    %while3A_89 = arith.constant 1 : i32
    %while3A_90 = arith.divsi %while3A_87, %while3A_89 : i32
    %while3A_91 = arith.muli %while3A_90, %while3A_89 : i32
    %while3A_92 = arith.addi %while3A_86, %while3A_91 : i32
    %while3A_93 = arith.constant 1 : i32
    scf.for %while3A_135 = %while3A_86 to %while3A_92 step %while3A_93  : i32 {
      %mul3A_136 = arith.muli %while3A_135, %while3A : i32
      %add3A_137 = arith.addi %while3A_85, %mul3A_136 : i32
      %add3A_138 = arith.constant 0 : i32
      %add3A_139 = arith.addi %add3A_137, %add3A_138 : i32
      %dma_wait3A_140 = arith.constant 0 : i32
      %dma_wait3A_141 = arith.constant 0 : i32
      %dma_wait3A_142 = tpu.memref_slice %arg5[%dma_wait3A_140, %dma_wait3A_141] : memref<10240x16xf32, #tpu.memory_space<hbm>> -> memref<64x16xf32, #tpu.memory_space<hbm>>
      %dma_wait3A_143 = arith.constant 0 : i32
      %dma_wait3A_144 = arith.constant 0 : i32
      %dma_wait3A_145 = tpu.memref_slice %arg5[%dma_wait3A_143, %dma_wait3A_144] : memref<10240x16xf32, #tpu.memory_space<hbm>> -> memref<64x16xf32, #tpu.memory_space<hbm>>
      tpu.wait_dma2 semaphore(%arg17 : memref<!tpu.dma_semaphore, #tpu.memory_space<semaphore_mem>>) src(%dma_wait3A_145 : memref<64x16xf32, #tpu.memory_space<hbm>>) dst(%arg10 : memref<64x16xf32, #tpu.memory_space<vmem>>)
      %dma_wait3A_146 = arith.constant 0 : i32
      %dma_wait3A_147 = arith.constant 0 : i32
      %dma_wait3A_148 = tpu.memref_slice %arg4[%dma_wait3A_146, %dma_wait3A_147] : memref<336000x16xf32, #tpu.memory_space<hbm>> -> memref<64x16xf32, #tpu.memory_space<hbm>>
      %dma_wait3A_149 = arith.constant 0 : i32
      %dma_wait3A_150 = arith.constant 0 : i32
      %dma_wait3A_151 = tpu.memref_slice %arg4[%dma_wait3A_149, %dma_wait3A_150] : memref<336000x16xf32, #tpu.memory_space<hbm>> -> memref<64x16xf32, #tpu.memory_space<hbm>>
      tpu.wait_dma2 semaphore(%arg17 : memref<!tpu.dma_semaphore, #tpu.memory_space<semaphore_mem>>) src(%dma_wait3A_151 : memref<64x16xf32, #tpu.memory_space<hbm>>) dst(%arg12 : memref<64x16xf32, #tpu.memory_space<vmem>>)
      %dma_wait3A_152 = arith.constant 0 : i32
      %dma_wait3A_153 = arith.constant 0 : i32
      %dma_wait3A_154 = tpu.memref_slice %arg6[%dma_wait3A_152, %dma_wait3A_153] : memref<10240x128xf32, #tpu.memory_space<hbm>> -> memref<64x128xf32, #tpu.memory_space<hbm>>
      %dma_wait3A_155 = arith.constant 0 : i32
      %dma_wait3A_156 = arith.constant 0 : i32
      %dma_wait3A_157 = tpu.memref_slice %arg6[%dma_wait3A_155, %dma_wait3A_156] : memref<10240x128xf32, #tpu.memory_space<hbm>> -> memref<64x128xf32, #tpu.memory_space<hbm>>
      tpu.wait_dma2 semaphore(%arg17 : memref<!tpu.dma_semaphore, #tpu.memory_space<semaphore_mem>>) src(%dma_wait3A_157 : memref<64x128xf32, #tpu.memory_space<hbm>>) dst(%arg14 : memref<64x128xf32, #tpu.memory_space<vmem>>)
      %scan3A_158 = arith.constant 0 : i32
      %scan3A_159 = arith.constant 64 : i32
      %scan3A_160 = arith.addi %scan3A_158, %scan3A_159 : i32
      %scan3A_161 = arith.constant 1 : i32
      scf.for %scan3A_230 = %scan3A_158 to %scan3A_160 step %scan3A_161  : i32 {
        %mul3A_231 = arith.constant 1 : i32
        %mul3A_232 = arith.muli %scan3A_230, %mul3A_231 : i32
        %add3A_233 = arith.constant 0 : i32
        %add3A_234 = arith.addi %add3A_233, %mul3A_232 : i32
        %get3A = arith.index_cast %add3A_234 : i32 to index
        %get3A_235 = arith.constant 0 : index
        %get3A_236 = tpu.vector_load %arg10[%get3A, %get3A_235] {strides = array<i32>} : memref<64x16xf32, #tpu.memory_space<vmem>>, vector<1x16xf32>,
        %get3A_237 = vector.shape_cast %get3A_236 : vector<1x16xf32> to vector<16xf32>
        %get3A_238 = arith.index_cast %add3A_234 : i32 to index
        %get3A_239 = arith.constant 0 : index
        %get3A_240 = tpu.vector_load %arg12[%get3A_238, %get3A_239] {strides = array<i32>} : memref<64x16xf32, #tpu.memory_space<vmem>>, vector<1x16xf32>,
        %get3A_241 = vector.shape_cast %get3A_240 : vector<1x16xf32> to vector<16xf32>
        %mul3A_242 = arith.mulf %get3A_237, %get3A_241 : vector<16xf32>
        %lt3A = arith.constant 0 : i32
        %lt3A_243 = vector.broadcast %lt3A : i32 to vector<16xi32>
        %lt3A_244 = arith.cmpi slt, %broadcast_in_dim3A_64, %lt3A_243 : vector<16xi32>
        %add3A_245 = arith.constant 16 : i32
        %add3A_246 = vector.broadcast %add3A_245 : i32 to vector<16xi32>
        %add3A_247 = arith.addi %broadcast_in_dim3A_64, %add3A_246 : vector<16xi32>
        %select_n3A_248 = arith.select %lt3A_244, %add3A_247, %broadcast_in_dim3A_64 : vector<16xi1>, vector<16xi32>
        %broadcast_in_dim3A_249 = vector.shape_cast %select_n3A_248 : vector<16xi32> to vector<16x1xi32>
        %gather3A = vector.shape_cast %broadcast_in_dim3A_249 : vector<16x1xi32> to vector<16xi32>
        %gather3A_250 = tpu.dynamic_gather %mul3A_242[%gather3A] in [0] : vector<16xf32>, vector<16xi32> -> vector<16xf32>
        %get3A_251 = arith.index_cast %add3A_234 : i32 to index
        %get3A_252 = arith.constant 0 : index
        %get3A_253 = tpu.vector_load %arg14[%get3A_251, %get3A_252] {strides = array<i32>} : memref<64x128xf32, #tpu.memory_space<vmem>>, vector<1x16xf32>,
        %get3A_254 = vector.shape_cast %get3A_253 : vector<1x16xf32> to vector<16xf32>
        %mul3A_255 = arith.mulf %get3A_254, %gather3A_250 : vector<16xf32>
        %swap3A = arith.index_cast %add3A_234 : i32 to index
        %swap3A_256 = arith.constant 0 : index
        %swap3A_257 = tpu.vector_load %arg14[%swap3A, %swap3A_256] {strides = array<i32>} : memref<64x128xf32, #tpu.memory_space<vmem>>, vector<1x16xf32>,
        %swap3A_258 = vector.shape_cast %swap3A_257 : vector<1x16xf32> to vector<16xf32>
        %swap3A_259 = vector.shape_cast %mul3A_255 : vector<16xf32> to vector<1x16xf32>
        tpu.vector_store %arg14[%swap3A, %swap3A_256], %swap3A_259 {strides = array<i32>} : memref<64x128xf32, #tpu.memory_space<vmem>>, vector<1x16xf32>,
        %lt3A_260 = arith.constant 0 : i32
        %lt3A_261 = vector.broadcast %lt3A_260 : i32 to vector<16xi32>
        %lt3A_262 = arith.cmpi slt, %broadcast_in_dim3A_66, %lt3A_261 : vector<16xi32>
        %add3A_263 = arith.constant 16 : i32
        %add3A_264 = vector.broadcast %add3A_263 : i32 to vector<16xi32>
        %add3A_265 = arith.addi %broadcast_in_dim3A_66, %add3A_264 : vector<16xi32>
        %select_n3A_266 = arith.select %lt3A_262, %add3A_265, %broadcast_in_dim3A_66 : vector<16xi1>, vector<16xi32>
        %broadcast_in_dim3A_267 = vector.shape_cast %select_n3A_266 : vector<16xi32> to vector<16x1xi32>
        %gather3A_268 = vector.shape_cast %broadcast_in_dim3A_267 : vector<16x1xi32> to vector<16xi32>
        %gather3A_269 = tpu.dynamic_gather %mul3A_242[%gather3A_268] in [0] : vector<16xf32>, vector<16xi32> -> vector<16xf32>
        %get3A_270 = arith.index_cast %add3A_234 : i32 to index
        %get3A_271 = arith.constant 16 : index
        %get3A_272 = tpu.vector_load %arg14[%get3A_270, %get3A_271] {strides = array<i32>} : memref<64x128xf32, #tpu.memory_space<vmem>>, vector<1x16xf32>,
        %get3A_273 = vector.shape_cast %get3A_272 : vector<1x16xf32> to vector<16xf32>
        %mul3A_274 = arith.mulf %get3A_273, %gather3A_269 : vector<16xf32>
        %swap3A_275 = arith.index_cast %add3A_234 : i32 to index
        %swap3A_276 = arith.constant 16 : index
        %swap3A_277 = tpu.vector_load %arg14[%swap3A_275, %swap3A_276] {strides = array<i32>} : memref<64x128xf32, #tpu.memory_space<vmem>>, vector<1x16xf32>,
        %swap3A_278 = vector.shape_cast %swap3A_277 : vector<1x16xf32> to vector<16xf32>
        %swap3A_279 = vector.shape_cast %mul3A_274 : vector<16xf32> to vector<1x16xf32>
        tpu.vector_store %arg14[%swap3A_275, %swap3A_276], %swap3A_279 {strides = array<i32>} : memref<64x128xf32, #tpu.memory_space<vmem>>, vector<1x16xf32>,
        %lt3A_280 = arith.constant 0 : i32
        %lt3A_281 = vector.broadcast %lt3A_280 : i32 to vector<16xi32>
        %lt3A_282 = arith.cmpi slt, %broadcast_in_dim3A_68, %lt3A_281 : vector<16xi32>
        %add3A_283 = arith.constant 16 : i32
        %add3A_284 = vector.broadcast %add3A_283 : i32 to vector<16xi32>
        %add3A_285 = arith.addi %broadcast_in_dim3A_68, %add3A_284 : vector<16xi32>
        %select_n3A_286 = arith.select %lt3A_282, %add3A_285, %broadcast_in_dim3A_68 : vector<16xi1>, vector<16xi32>
        %broadcast_in_dim3A_287 = vector.shape_cast %select_n3A_286 : vector<16xi32> to vector<16x1xi32>
        %gather3A_288 = vector.shape_cast %broadcast_in_dim3A_287 : vector<16x1xi32> to vector<16xi32>
        %gather3A_289 = tpu.dynamic_gather %mul3A_242[%gather3A_288] in [0] : vector<16xf32>, vector<16xi32> -> vector<16xf32>
        %get3A_290 = arith.index_cast %add3A_234 : i32 to index
        %get3A_291 = arith.constant 32 : index
        %get3A_292 = tpu.vector_load %arg14[%get3A_290, %get3A_291] {strides = array<i32>} : memref<64x128xf32, #tpu.memory_space<vmem>>, vector<1x16xf32>,
        %get3A_293 = vector.shape_cast %get3A_292 : vector<1x16xf32> to vector<16xf32>
        %mul3A_294 = arith.mulf %get3A_293, %gather3A_289 : vector<16xf32>
        %swap3A_295 = arith.index_cast %add3A_234 : i32 to index
        %swap3A_296 = arith.constant 32 : index
        %swap3A_297 = tpu.vector_load %arg14[%swap3A_295, %swap3A_296] {strides = array<i32>} : memref<64x128xf32, #tpu.memory_space<vmem>>, vector<1x16xf32>,
        %swap3A_298 = vector.shape_cast %swap3A_297 : vector<1x16xf32> to vector<16xf32>
        %swap3A_299 = vector.shape_cast %mul3A_294 : vector<16xf32> to vector<1x16xf32>
        tpu.vector_store %arg14[%swap3A_295, %swap3A_296], %swap3A_299 {strides = array<i32>} : memref<64x128xf32, #tpu.memory_space<vmem>>, vector<1x16xf32>,
        %lt3A_300 = arith.constant 0 : i32
        %lt3A_301 = vector.broadcast %lt3A_300 : i32 to vector<16xi32>
        %lt3A_302 = arith.cmpi slt, %broadcast_in_dim3A_70, %lt3A_301 : vector<16xi32>
        %add3A_303 = arith.constant 16 : i32
        %add3A_304 = vector.broadcast %add3A_303 : i32 to vector<16xi32>
        %add3A_305 = arith.addi %broadcast_in_dim3A_70, %add3A_304 : vector<16xi32>
        %select_n3A_306 = arith.select %lt3A_302, %add3A_305, %broadcast_in_dim3A_70 : vector<16xi1>, vector<16xi32>
        %broadcast_in_dim3A_307 = vector.shape_cast %select_n3A_306 : vector<16xi32> to vector<16x1xi32>
        %gather3A_308 = vector.shape_cast %broadcast_in_dim3A_307 : vector<16x1xi32> to vector<16xi32>
        %gather3A_309 = tpu.dynamic_gather %mul3A_242[%gather3A_308] in [0] : vector<16xf32>, vector<16xi32> -> vector<16xf32>
        %get3A_310 = arith.index_cast %add3A_234 : i32 to index
        %get3A_311 = arith.constant 48 : index
        %get3A_312 = tpu.vector_load %arg14[%get3A_310, %get3A_311] {strides = array<i32>} : memref<64x128xf32, #tpu.memory_space<vmem>>, vector<1x16xf32>,
        %get3A_313 = vector.shape_cast %get3A_312 : vector<1x16xf32> to vector<16xf32>
        %mul3A_314 = arith.mulf %get3A_313, %gather3A_309 : vector<16xf32>
        %swap3A_315 = arith.index_cast %add3A_234 : i32 to index
        %swap3A_316 = arith.constant 48 : index
        %swap3A_317 = tpu.vector_load %arg14[%swap3A_315, %swap3A_316] {strides = array<i32>} : memref<64x128xf32, #tpu.memory_space<vmem>>, vector<1x16xf32>,
        %swap3A_318 = vector.shape_cast %swap3A_317 : vector<1x16xf32> to vector<16xf32>
        %swap3A_319 = vector.shape_cast %mul3A_314 : vector<16xf32> to vector<1x16xf32>
        tpu.vector_store %arg14[%swap3A_315, %swap3A_316], %swap3A_319 {strides = array<i32>} : memref<64x128xf32, #tpu.memory_space<vmem>>, vector<1x16xf32>,
        %lt3A_320 = arith.constant 0 : i32
        %lt3A_321 = vector.broadcast %lt3A_320 : i32 to vector<16xi32>
        %lt3A_322 = arith.cmpi slt, %broadcast_in_dim3A_72, %lt3A_321 : vector<16xi32>
        %add3A_323 = arith.constant 16 : i32
        %add3A_324 = vector.broadcast %add3A_323 : i32 to vector<16xi32>
        %add3A_325 = arith.addi %broadcast_in_dim3A_72, %add3A_324 : vector<16xi32>
        %select_n3A_326 = arith.select %lt3A_322, %add3A_325, %broadcast_in_dim3A_72 : vector<16xi1>, vector<16xi32>
        %broadcast_in_dim3A_327 = vector.shape_cast %select_n3A_326 : vector<16xi32> to vector<16x1xi32>
        %gather3A_328 = vector.shape_cast %broadcast_in_dim3A_327 : vector<16x1xi32> to vector<16xi32>
        %gather3A_329 = tpu.dynamic_gather %mul3A_242[%gather3A_328] in [0] : vector<16xf32>, vector<16xi32> -> vector<16xf32>
        %get3A_330 = arith.index_cast %add3A_234 : i32 to index
        %get3A_331 = arith.constant 64 : index
        %get3A_332 = tpu.vector_load %arg14[%get3A_330, %get3A_331] {strides = array<i32>} : memref<64x128xf32, #tpu.memory_space<vmem>>, vector<1x16xf32>,
        %get3A_333 = vector.shape_cast %get3A_332 : vector<1x16xf32> to vector<16xf32>
        %mul3A_334 = arith.mulf %get3A_333, %gather3A_329 : vector<16xf32>
        %swap3A_335 = arith.index_cast %add3A_234 : i32 to index
        %swap3A_336 = arith.constant 64 : index
        %swap3A_337 = tpu.vector_load %arg14[%swap3A_335, %swap3A_336] {strides = array<i32>} : memref<64x128xf32, #tpu.memory_space<vmem>>, vector<1x16xf32>,
        %swap3A_338 = vector.shape_cast %swap3A_337 : vector<1x16xf32> to vector<16xf32>
        %swap3A_339 = vector.shape_cast %mul3A_334 : vector<16xf32> to vector<1x16xf32>
        tpu.vector_store %arg14[%swap3A_335, %swap3A_336], %swap3A_339 {strides = array<i32>} : memref<64x128xf32, #tpu.memory_space<vmem>>, vector<1x16xf32>,
        %lt3A_340 = arith.constant 0 : i32
        %lt3A_341 = vector.broadcast %lt3A_340 : i32 to vector<16xi32>
        %lt3A_342 = arith.cmpi slt, %broadcast_in_dim3A_74, %lt3A_341 : vector<16xi32>
        %add3A_343 = arith.constant 16 : i32
        %add3A_344 = vector.broadcast %add3A_343 : i32 to vector<16xi32>
        %add3A_345 = arith.addi %broadcast_in_dim3A_74, %add3A_344 : vector<16xi32>
        %select_n3A_346 = arith.select %lt3A_342, %add3A_345, %broadcast_in_dim3A_74 : vector<16xi1>, vector<16xi32>
        %broadcast_in_dim3A_347 = vector.shape_cast %select_n3A_346 : vector<16xi32> to vector<16x1xi32>
        %gather3A_348 = vector.shape_cast %broadcast_in_dim3A_347 : vector<16x1xi32> to vector<16xi32>
        %gather3A_349 = tpu.dynamic_gather %mul3A_242[%gather3A_348] in [0] : vector<16xf32>, vector<16xi32> -> vector<16xf32>
        %get3A_350 = arith.index_cast %add3A_234 : i32 to index
        %get3A_351 = arith.constant 80 : index
        %get3A_352 = tpu.vector_load %arg14[%get3A_350, %get3A_351] {strides = array<i32>} : memref<64x128xf32, #tpu.memory_space<vmem>>, vector<1x16xf32>,
        %get3A_353 = vector.shape_cast %get3A_352 : vector<1x16xf32> to vector<16xf32>
        %mul3A_354 = arith.mulf %get3A_353, %gather3A_349 : vector<16xf32>
        %swap3A_355 = arith.index_cast %add3A_234 : i32 to index
        %swap3A_356 = arith.constant 80 : index
        %swap3A_357 = tpu.vector_load %arg14[%swap3A_355, %swap3A_356] {strides = array<i32>} : memref<64x128xf32, #tpu.memory_space<vmem>>, vector<1x16xf32>,
        %swap3A_358 = vector.shape_cast %swap3A_357 : vector<1x16xf32> to vector<16xf32>
        %swap3A_359 = vector.shape_cast %mul3A_354 : vector<16xf32> to vector<1x16xf32>
        tpu.vector_store %arg14[%swap3A_355, %swap3A_356], %swap3A_359 {strides = array<i32>} : memref<64x128xf32, #tpu.memory_space<vmem>>, vector<1x16xf32>,
        %lt3A_360 = arith.constant 0 : i32
        %lt3A_361 = vector.broadcast %lt3A_360 : i32 to vector<16xi32>
        %lt3A_362 = arith.cmpi slt, %broadcast_in_dim3A_76, %lt3A_361 : vector<16xi32>
        %add3A_363 = arith.constant 16 : i32
        %add3A_364 = vector.broadcast %add3A_363 : i32 to vector<16xi32>
        %add3A_365 = arith.addi %broadcast_in_dim3A_76, %add3A_364 : vector<16xi32>
        %select_n3A_366 = arith.select %lt3A_362, %add3A_365, %broadcast_in_dim3A_76 : vector<16xi1>, vector<16xi32>
        %broadcast_in_dim3A_367 = vector.shape_cast %select_n3A_366 : vector<16xi32> to vector<16x1xi32>
        %gather3A_368 = vector.shape_cast %broadcast_in_dim3A_367 : vector<16x1xi32> to vector<16xi32>
        %gather3A_369 = tpu.dynamic_gather %mul3A_242[%gather3A_368] in [0] : vector<16xf32>, vector<16xi32> -> vector<16xf32>
        %get3A_370 = arith.index_cast %add3A_234 : i32 to index
        %get3A_371 = arith.constant 96 : index
        %get3A_372 = tpu.vector_load %arg14[%get3A_370, %get3A_371] {strides = array<i32>} : memref<64x128xf32, #tpu.memory_space<vmem>>, vector<1x16xf32>,
        %get3A_373 = vector.shape_cast %get3A_372 : vector<1x16xf32> to vector<16xf32>
        %mul3A_374 = arith.mulf %get3A_373, %gather3A_369 : vector<16xf32>
        %swap3A_375 = arith.index_cast %add3A_234 : i32 to index
        %swap3A_376 = arith.constant 96 : index
        %swap3A_377 = tpu.vector_load %arg14[%swap3A_375, %swap3A_376] {strides = array<i32>} : memref<64x128xf32, #tpu.memory_space<vmem>>, vector<1x16xf32>,
        %swap3A_378 = vector.shape_cast %swap3A_377 : vector<1x16xf32> to vector<16xf32>
        %swap3A_379 = vector.shape_cast %mul3A_374 : vector<16xf32> to vector<1x16xf32>
        tpu.vector_store %arg14[%swap3A_375, %swap3A_376], %swap3A_379 {strides = array<i32>} : memref<64x128xf32, #tpu.memory_space<vmem>>, vector<1x16xf32>,
        %lt3A_380 = arith.constant 0 : i32
        %lt3A_381 = vector.broadcast %lt3A_380 : i32 to vector<16xi32>
        %lt3A_382 = arith.cmpi slt, %broadcast_in_dim3A_78, %lt3A_381 : vector<16xi32>
        %add3A_383 = arith.constant 16 : i32
        %add3A_384 = vector.broadcast %add3A_383 : i32 to vector<16xi32>
        %add3A_385 = arith.addi %broadcast_in_dim3A_78, %add3A_384 : vector<16xi32>
        %select_n3A_386 = arith.select %lt3A_382, %add3A_385, %broadcast_in_dim3A_78 : vector<16xi1>, vector<16xi32>
        %broadcast_in_dim3A_387 = vector.shape_cast %select_n3A_386 : vector<16xi32> to vector<16x1xi32>
        %gather3A_388 = vector.shape_cast %broadcast_in_dim3A_387 : vector<16x1xi32> to vector<16xi32>
        %gather3A_389 = tpu.dynamic_gather %mul3A_242[%gather3A_388] in [0] : vector<16xf32>, vector<16xi32> -> vector<16xf32>
        %get3A_390 = arith.index_cast %add3A_234 : i32 to index
        %get3A_391 = arith.constant 112 : index
        %get3A_392 = tpu.vector_load %arg14[%get3A_390, %get3A_391] {strides = array<i32>} : memref<64x128xf32, #tpu.memory_space<vmem>>, vector<1x16xf32>,
        %get3A_393 = vector.shape_cast %get3A_392 : vector<1x16xf32> to vector<16xf32>
        %mul3A_394 = arith.mulf %get3A_393, %gather3A_389 : vector<16xf32>
        %swap3A_395 = arith.index_cast %add3A_234 : i32 to index
        %swap3A_396 = arith.constant 112 : index
        %swap3A_397 = tpu.vector_load %arg14[%swap3A_395, %swap3A_396] {strides = array<i32>} : memref<64x128xf32, #tpu.memory_space<vmem>>, vector<1x16xf32>,
        %swap3A_398 = vector.shape_cast %swap3A_397 : vector<1x16xf32> to vector<16xf32>
        %swap3A_399 = vector.shape_cast %mul3A_394 : vector<16xf32> to vector<1x16xf32>
        tpu.vector_store %arg14[%swap3A_395, %swap3A_396], %swap3A_399 {strides = array<i32>} : memref<64x128xf32, #tpu.memory_space<vmem>>, vector<1x16xf32>,
      }
      %scan3A_162 = arith.constant 64 : i32
      "tpu.region"() ({
        %run_scoped3A = tpu.sem_alloc : memref<!tpu.dma_semaphore, #tpu.memory_space<semaphore_mem>>
        %dma_start3A_230 = arith.constant 0 : i32
        %dma_start3A_231 = tpu.memref_slice %arg9[%add3A_139, %dma_start3A_230] : memref<184x64xi32, #tpu.memory_space<vmem>> -> memref<1x64xi32, #tpu.memory_space<vmem>>
        %dma_start3A_232 = tpu.memref_squeeze %dma_start3A_231 : memref<1x64xi32, #tpu.memory_space<vmem>> -> memref<64xi32, #tpu.memory_space<vmem>>
        %dma_start3A_233 = arith.constant 0 : i32
        %dma_start3A_234 = arith.constant 0 : i32
        %dma_start3A_235 = tpu.memref_slice %arg16[%dma_start3A_233, %dma_start3A_234] : memref<10240x128xf32, #tpu.memory_space<vmem_shared>> -> memref<10240x128xf32, #tpu.memory_space<vmem_shared>>
        tpu.enqueue_indirect_dma source(%arg14 : memref<64x128xf32, #tpu.memory_space<vmem>>) target(%dma_start3A_235 : memref<10240x128xf32, #tpu.memory_space<vmem_shared>>) offsets(%dma_start3A_232 : memref<64xi32, #tpu.memory_space<vmem>>) semaphore(%run_scoped3A : memref<!tpu.dma_semaphore, #tpu.memory_space<semaphore_mem>>) {add = true}
        %dma_wait3A_236 = arith.constant 0 : i32
        %dma_wait3A_237 = tpu.memref_slice %arg9[%add3A_139, %dma_wait3A_236] : memref<184x64xi32, #tpu.memory_space<vmem>> -> memref<1x64xi32, #tpu.memory_space<vmem>>
        %dma_wait3A_238 = tpu.memref_squeeze %dma_wait3A_237 : memref<1x64xi32, #tpu.memory_space<vmem>> -> memref<64xi32, #tpu.memory_space<vmem>>
        %dma_wait3A_239 = arith.constant 0 : i32
        %dma_wait3A_240 = arith.constant 0 : i32
        %dma_wait3A_241 = tpu.memref_slice %arg16[%dma_wait3A_239, %dma_wait3A_240] : memref<10240x128xf32, #tpu.memory_space<vmem_shared>> -> memref<10240x128xf32, #tpu.memory_space<vmem_shared>>
        tpu.wait_indirect_dma semaphore(%run_scoped3A : memref<!tpu.dma_semaphore, #tpu.memory_space<semaphore_mem>>) src(%arg14 : memref<64x128xf32, #tpu.memory_space<vmem>>) dst(%dma_wait3A_241 : memref<10240x128xf32, #tpu.memory_space<vmem_shared>>)
        tpu.yield
      }) : () -> ()
      %add3A_163 = arith.constant 2 : i32
      %add3A_164 = arith.addi %add3A_139, %add3A_163 : i32
      %add3A_165 = arith.addi %select_n3A_11, %add3A_164 : i32
      %mul3A_166 = arith.constant 64 : i32
      %mul3A_167 = arith.muli %add3A_165, %mul3A_166 : i32
      %dma_start3A_168 = arith.constant 0 : i32
      %dma_start3A_169 = tpu.memref_slice %arg9[%add3A_164, %dma_start3A_168] : memref<184x64xi32, #tpu.memory_space<vmem>> -> memref<1x64xi32, #tpu.memory_space<vmem>>
      %dma_start3A_170 = tpu.memref_squeeze %dma_start3A_169 : memref<1x64xi32, #tpu.memory_space<vmem>> -> memref<64xi32, #tpu.memory_space<vmem>>
      %dma_start3A_171 = arith.constant 0 : i32
      %dma_start3A_172 = arith.constant 0 : i32
      %dma_start3A_173 = tpu.memref_slice %arg5[%dma_start3A_171, %dma_start3A_172] : memref<10240x16xf32, #tpu.memory_space<hbm>> -> memref<10240x16xf32, #tpu.memory_space<hbm>>
      tpu.enqueue_indirect_dma source(%dma_start3A_173 : memref<10240x16xf32, #tpu.memory_space<hbm>>) target(%arg10 : memref<64x16xf32, #tpu.memory_space<vmem>>) offsets(%dma_start3A_170 : memref<64xi32, #tpu.memory_space<vmem>>) semaphore(%arg17 : memref<!tpu.dma_semaphore, #tpu.memory_space<semaphore_mem>>)
      %dma_start3A_174 = arith.constant 0 : i32
      %dma_start3A_175 = tpu.memref_slice %arg4[%mul3A_167, %dma_start3A_174] : memref<336000x16xf32, #tpu.memory_space<hbm>> -> memref<64x16xf32, #tpu.memory_space<hbm>>
      %dma_start3A_176 = arith.constant 0 : i32
      %dma_start3A_177 = tpu.memref_slice %arg4[%mul3A_167, %dma_start3A_176] : memref<336000x16xf32, #tpu.memory_space<hbm>> -> memref<64x16xf32, #tpu.memory_space<hbm>>
      tpu.enqueue_dma source(%dma_start3A_177 : memref<64x16xf32, #tpu.memory_space<hbm>>) target(%arg12 : memref<64x16xf32, #tpu.memory_space<vmem>>) target_semaphore(%arg17 : memref<!tpu.dma_semaphore, #tpu.memory_space<semaphore_mem>>)
      %dma_start3A_178 = arith.constant 0 : i32
      %dma_start3A_179 = tpu.memref_slice %arg8[%add3A_164, %dma_start3A_178] : memref<184x64xi32, #tpu.memory_space<vmem>> -> memref<1x64xi32, #tpu.memory_space<vmem>>
      %dma_start3A_180 = tpu.memref_squeeze %dma_start3A_179 : memref<1x64xi32, #tpu.memory_space<vmem>> -> memref<64xi32, #tpu.memory_space<vmem>>
      %dma_start3A_181 = arith.constant 0 : i32
      %dma_start3A_182 = arith.constant 0 : i32
      %dma_start3A_183 = tpu.memref_slice %arg6[%dma_start3A_181, %dma_start3A_182] : memref<10240x128xf32, #tpu.memory_space<hbm>> -> memref<10240x128xf32, #tpu.memory_space<hbm>>
      tpu.enqueue_indirect_dma source(%dma_start3A_183 : memref<10240x128xf32, #tpu.memory_space<hbm>>) target(%arg14 : memref<64x128xf32, #tpu.memory_space<vmem>>) offsets(%dma_start3A_180 : memref<64xi32, #tpu.memory_space<vmem>>) semaphore(%arg17 : memref<!tpu.dma_semaphore, #tpu.memory_space<semaphore_mem>>)
      %add3A_184 = arith.constant 1 : i32
      %add3A_185 = arith.addi %add3A_137, %add3A_184 : i32
      %dma_wait3A_186 = arith.constant 0 : i32
      %dma_wait3A_187 = arith.constant 0 : i32
      %dma_wait3A_188 = tpu.memref_slice %arg5[%dma_wait3A_186, %dma_wait3A_187] : memref<10240x16xf32, #tpu.memory_space<hbm>> -> memref<64x16xf32, #tpu.memory_space<hbm>>
      %dma_wait3A_189 = arith.constant 0 : i32
      %dma_wait3A_190 = arith.constant 0 : i32
      %dma_wait3A_191 = tpu.memref_slice %arg5[%dma_wait3A_189, %dma_wait3A_190] : memref<10240x16xf32, #tpu.memory_space<hbm>> -> memref<64x16xf32, #tpu.memory_space<hbm>>
      tpu.wait_dma2 semaphore(%arg18 : memref<!tpu.dma_semaphore, #tpu.memory_space<semaphore_mem>>) src(%dma_wait3A_191 : memref<64x16xf32, #tpu.memory_space<hbm>>) dst(%arg11 : memref<64x16xf32, #tpu.memory_space<vmem>>)
      %dma_wait3A_192 = arith.constant 0 : i32
      %dma_wait3A_193 = arith.constant 0 : i32
      %dma_wait3A_194 = tpu.memref_slice %arg4[%dma_wait3A_192, %dma_wait3A_193] : memref<336000x16xf32, #tpu.memory_space<hbm>> -> memref<64x16xf32, #tpu.memory_space<hbm>>
      %dma_wait3A_195 = arith.constant 0 : i32
      %dma_wait3A_196 = arith.constant 0 : i32
      %dma_wait3A_197 = tpu.memref_slice %arg4[%dma_wait3A_195, %dma_wait3A_196] : memref<336000x16xf32, #tpu.memory_space<hbm>> -> memref<64x16xf32, #tpu.memory_space<hbm>>
      tpu.wait_dma2 semaphore(%arg18 : memref<!tpu.dma_semaphore, #tpu.memory_space<semaphore_mem>>) src(%dma_wait3A_197 : memref<64x16xf32, #tpu.memory_space<hbm>>) dst(%arg13 : memref<64x16xf32, #tpu.memory_space<vmem>>)
      %dma_wait3A_198 = arith.constant 0 : i32
      %dma_wait3A_199 = arith.constant 0 : i32
      %dma_wait3A_200 = tpu.memref_slice %arg6[%dma_wait3A_198, %dma_wait3A_199] : memref<10240x128xf32, #tpu.memory_space<hbm>> -> memref<64x128xf32, #tpu.memory_space<hbm>>
      %dma_wait3A_201 = arith.constant 0 : i32
      %dma_wait3A_202 = arith.constant 0 : i32
      %dma_wait3A_203 = tpu.memref_slice %arg6[%dma_wait3A_201, %dma_wait3A_202] : memref<10240x128xf32, #tpu.memory_space<hbm>> -> memref<64x128xf32, #tpu.memory_space<hbm>>
      tpu.wait_dma2 semaphore(%arg18 : memref<!tpu.dma_semaphore, #tpu.memory_space<semaphore_mem>>) src(%dma_wait3A_203 : memref<64x128xf32, #tpu.memory_space<hbm>>) dst(%arg15 : memref<64x128xf32, #tpu.memory_space<vmem>>)
      %scan3A_204 = arith.constant 0 : i32
      %scan3A_205 = arith.constant 64 : i32
      %scan3A_206 = arith.addi %scan3A_204, %scan3A_205 : i32
      %scan3A_207 = arith.constant 1 : i32
      scf.for %scan3A_230 = %scan3A_204 to %scan3A_206 step %scan3A_207  : i32 {
        %mul3A_231 = arith.constant 1 : i32
        %mul3A_232 = arith.muli %scan3A_230, %mul3A_231 : i32
        %add3A_233 = arith.constant 0 : i32
        %add3A_234 = arith.addi %add3A_233, %mul3A_232 : i32
        %get3A = arith.index_cast %add3A_234 : i32 to index
        %get3A_235 = arith.constant 0 : index
        %get3A_236 = tpu.vector_load %arg11[%get3A, %get3A_235] {strides = array<i32>} : memref<64x16xf32, #tpu.memory_space<vmem>>, vector<1x16xf32>,
        %get3A_237 = vector.shape_cast %get3A_236 : vector<1x16xf32> to vector<16xf32>
        %get3A_238 = arith.index_cast %add3A_234 : i32 to index
        %get3A_239 = arith.constant 0 : index
        %get3A_240 = tpu.vector_load %arg13[%get3A_238, %get3A_239] {strides = array<i32>} : memref<64x16xf32, #tpu.memory_space<vmem>>, vector<1x16xf32>,
        %get3A_241 = vector.shape_cast %get3A_240 : vector<1x16xf32> to vector<16xf32>
        %mul3A_242 = arith.mulf %get3A_237, %get3A_241 : vector<16xf32>
        %lt3A = arith.constant 0 : i32
        %lt3A_243 = vector.broadcast %lt3A : i32 to vector<16xi32>
        %lt3A_244 = arith.cmpi slt, %broadcast_in_dim3A_64, %lt3A_243 : vector<16xi32>
        %add3A_245 = arith.constant 16 : i32
        %add3A_246 = vector.broadcast %add3A_245 : i32 to vector<16xi32>
        %add3A_247 = arith.addi %broadcast_in_dim3A_64, %add3A_246 : vector<16xi32>
        %select_n3A_248 = arith.select %lt3A_244, %add3A_247, %broadcast_in_dim3A_64 : vector<16xi1>, vector<16xi32>
        %broadcast_in_dim3A_249 = vector.shape_cast %select_n3A_248 : vector<16xi32> to vector<16x1xi32>
        %gather3A = vector.shape_cast %broadcast_in_dim3A_249 : vector<16x1xi32> to vector<16xi32>
        %gather3A_250 = tpu.dynamic_gather %mul3A_242[%gather3A] in [0] : vector<16xf32>, vector<16xi32> -> vector<16xf32>
        %get3A_251 = arith.index_cast %add3A_234 : i32 to index
        %get3A_252 = arith.constant 0 : index
        %get3A_253 = tpu.vector_load %arg15[%get3A_251, %get3A_252] {strides = array<i32>} : memref<64x128xf32, #tpu.memory_space<vmem>>, vector<1x16xf32>,
        %get3A_254 = vector.shape_cast %get3A_253 : vector<1x16xf32> to vector<16xf32>
        %mul3A_255 = arith.mulf %get3A_254, %gather3A_250 : vector<16xf32>
        %swap3A = arith.index_cast %add3A_234 : i32 to index
        %swap3A_256 = arith.constant 0 : index
        %swap3A_257 = tpu.vector_load %arg15[%swap3A, %swap3A_256] {strides = array<i32>} : memref<64x128xf32, #tpu.memory_space<vmem>>, vector<1x16xf32>,
        %swap3A_258 = vector.shape_cast %swap3A_257 : vector<1x16xf32> to vector<16xf32>
        %swap3A_259 = vector.shape_cast %mul3A_255 : vector<16xf32> to vector<1x16xf32>
        tpu.vector_store %arg15[%swap3A, %swap3A_256], %swap3A_259 {strides = array<i32>} : memref<64x128xf32, #tpu.memory_space<vmem>>, vector<1x16xf32>,
        %lt3A_260 = arith.constant 0 : i32
        %lt3A_261 = vector.broadcast %lt3A_260 : i32 to vector<16xi32>
        %lt3A_262 = arith.cmpi slt, %broadcast_in_dim3A_66, %lt3A_261 : vector<16xi32>
        %add3A_263 = arith.constant 16 : i32
        %add3A_264 = vector.broadcast %add3A_263 : i32 to vector<16xi32>
        %add3A_265 = arith.addi %broadcast_in_dim3A_66, %add3A_264 : vector<16xi32>
        %select_n3A_266 = arith.select %lt3A_262, %add3A_265, %broadcast_in_dim3A_66 : vector<16xi1>, vector<16xi32>
        %broadcast_in_dim3A_267 = vector.shape_cast %select_n3A_266 : vector<16xi32> to vector<16x1xi32>
        %gather3A_268 = vector.shape_cast %broadcast_in_dim3A_267 : vector<16x1xi32> to vector<16xi32>
        %gather3A_269 = tpu.dynamic_gather %mul3A_242[%gather3A_268] in [0] : vector<16xf32>, vector<16xi32> -> vector<16xf32>
        %get3A_270 = arith.index_cast %add3A_234 : i32 to index
        %get3A_271 = arith.constant 16 : index
        %get3A_272 = tpu.vector_load %arg15[%get3A_270, %get3A_271] {strides = array<i32>} : memref<64x128xf32, #tpu.memory_space<vmem>>, vector<1x16xf32>,
        %get3A_273 = vector.shape_cast %get3A_272 : vector<1x16xf32> to vector<16xf32>
        %mul3A_274 = arith.mulf %get3A_273, %gather3A_269 : vector<16xf32>
        %swap3A_275 = arith.index_cast %add3A_234 : i32 to index
        %swap3A_276 = arith.constant 16 : index
        %swap3A_277 = tpu.vector_load %arg15[%swap3A_275, %swap3A_276] {strides = array<i32>} : memref<64x128xf32, #tpu.memory_space<vmem>>, vector<1x16xf32>,
        %swap3A_278 = vector.shape_cast %swap3A_277 : vector<1x16xf32> to vector<16xf32>
        %swap3A_279 = vector.shape_cast %mul3A_274 : vector<16xf32> to vector<1x16xf32>
        tpu.vector_store %arg15[%swap3A_275, %swap3A_276], %swap3A_279 {strides = array<i32>} : memref<64x128xf32, #tpu.memory_space<vmem>>, vector<1x16xf32>,
        %lt3A_280 = arith.constant 0 : i32
        %lt3A_281 = vector.broadcast %lt3A_280 : i32 to vector<16xi32>
        %lt3A_282 = arith.cmpi slt, %broadcast_in_dim3A_68, %lt3A_281 : vector<16xi32>
        %add3A_283 = arith.constant 16 : i32
        %add3A_284 = vector.broadcast %add3A_283 : i32 to vector<16xi32>
        %add3A_285 = arith.addi %broadcast_in_dim3A_68, %add3A_284 : vector<16xi32>
        %select_n3A_286 = arith.select %lt3A_282, %add3A_285, %broadcast_in_dim3A_68 : vector<16xi1>, vector<16xi32>
        %broadcast_in_dim3A_287 = vector.shape_cast %select_n3A_286 : vector<16xi32> to vector<16x1xi32>
        %gather3A_288 = vector.shape_cast %broadcast_in_dim3A_287 : vector<16x1xi32> to vector<16xi32>
        %gather3A_289 = tpu.dynamic_gather %mul3A_242[%gather3A_288] in [0] : vector<16xf32>, vector<16xi32> -> vector<16xf32>
        %get3A_290 = arith.index_cast %add3A_234 : i32 to index
        %get3A_291 = arith.constant 32 : index
        %get3A_292 = tpu.vector_load %arg15[%get3A_290, %get3A_291] {strides = array<i32>} : memref<64x128xf32, #tpu.memory_space<vmem>>, vector<1x16xf32>,
        %get3A_293 = vector.shape_cast %get3A_292 : vector<1x16xf32> to vector<16xf32>
        %mul3A_294 = arith.mulf %get3A_293, %gather3A_289 : vector<16xf32>
        %swap3A_295 = arith.index_cast %add3A_234 : i32 to index
        %swap3A_296 = arith.constant 32 : index
        %swap3A_297 = tpu.vector_load %arg15[%swap3A_295, %swap3A_296] {strides = array<i32>} : memref<64x128xf32, #tpu.memory_space<vmem>>, vector<1x16xf32>,
        %swap3A_298 = vector.shape_cast %swap3A_297 : vector<1x16xf32> to vector<16xf32>
        %swap3A_299 = vector.shape_cast %mul3A_294 : vector<16xf32> to vector<1x16xf32>
        tpu.vector_store %arg15[%swap3A_295, %swap3A_296], %swap3A_299 {strides = array<i32>} : memref<64x128xf32, #tpu.memory_space<vmem>>, vector<1x16xf32>,
        %lt3A_300 = arith.constant 0 : i32
        %lt3A_301 = vector.broadcast %lt3A_300 : i32 to vector<16xi32>
        %lt3A_302 = arith.cmpi slt, %broadcast_in_dim3A_70, %lt3A_301 : vector<16xi32>
        %add3A_303 = arith.constant 16 : i32
        %add3A_304 = vector.broadcast %add3A_303 : i32 to vector<16xi32>
        %add3A_305 = arith.addi %broadcast_in_dim3A_70, %add3A_304 : vector<16xi32>
        %select_n3A_306 = arith.select %lt3A_302, %add3A_305, %broadcast_in_dim3A_70 : vector<16xi1>, vector<16xi32>
        %broadcast_in_dim3A_307 = vector.shape_cast %select_n3A_306 : vector<16xi32> to vector<16x1xi32>
        %gather3A_308 = vector.shape_cast %broadcast_in_dim3A_307 : vector<16x1xi32> to vector<16xi32>
        %gather3A_309 = tpu.dynamic_gather %mul3A_242[%gather3A_308] in [0] : vector<16xf32>, vector<16xi32> -> vector<16xf32>
        %get3A_310 = arith.index_cast %add3A_234 : i32 to index
        %get3A_311 = arith.constant 48 : index
        %get3A_312 = tpu.vector_load %arg15[%get3A_310, %get3A_311] {strides = array<i32>} : memref<64x128xf32, #tpu.memory_space<vmem>>, vector<1x16xf32>,
        %get3A_313 = vector.shape_cast %get3A_312 : vector<1x16xf32> to vector<16xf32>
        %mul3A_314 = arith.mulf %get3A_313, %gather3A_309 : vector<16xf32>
        %swap3A_315 = arith.index_cast %add3A_234 : i32 to index
        %swap3A_316 = arith.constant 48 : index
        %swap3A_317 = tpu.vector_load %arg15[%swap3A_315, %swap3A_316] {strides = array<i32>} : memref<64x128xf32, #tpu.memory_space<vmem>>, vector<1x16xf32>,
        %swap3A_318 = vector.shape_cast %swap3A_317 : vector<1x16xf32> to vector<16xf32>
        %swap3A_319 = vector.shape_cast %mul3A_314 : vector<16xf32> to vector<1x16xf32>
        tpu.vector_store %arg15[%swap3A_315, %swap3A_316], %swap3A_319 {strides = array<i32>} : memref<64x128xf32, #tpu.memory_space<vmem>>, vector<1x16xf32>,
        %lt3A_320 = arith.constant 0 : i32
        %lt3A_321 = vector.broadcast %lt3A_320 : i32 to vector<16xi32>
        %lt3A_322 = arith.cmpi slt, %broadcast_in_dim3A_72, %lt3A_321 : vector<16xi32>
        %add3A_323 = arith.constant 16 : i32
        %add3A_324 = vector.broadcast %add3A_323 : i32 to vector<16xi32>
        %add3A_325 = arith.addi %broadcast_in_dim3A_72, %add3A_324 : vector<16xi32>
        %select_n3A_326 = arith.select %lt3A_322, %add3A_325, %broadcast_in_dim3A_72 : vector<16xi1>, vector<16xi32>
        %broadcast_in_dim3A_327 = vector.shape_cast %select_n3A_326 : vector<16xi32> to vector<16x1xi32>
        %gather3A_328 = vector.shape_cast %broadcast_in_dim3A_327 : vector<16x1xi32> to vector<16xi32>
        %gather3A_329 = tpu.dynamic_gather %mul3A_242[%gather3A_328] in [0] : vector<16xf32>, vector<16xi32> -> vector<16xf32>
        %get3A_330 = arith.index_cast %add3A_234 : i32 to index
        %get3A_331 = arith.constant 64 : index
        %get3A_332 = tpu.vector_load %arg15[%get3A_330, %get3A_331] {strides = array<i32>} : memref<64x128xf32, #tpu.memory_space<vmem>>, vector<1x16xf32>,
        %get3A_333 = vector.shape_cast %get3A_332 : vector<1x16xf32> to vector<16xf32>
        %mul3A_334 = arith.mulf %get3A_333, %gather3A_329 : vector<16xf32>
        %swap3A_335 = arith.index_cast %add3A_234 : i32 to index
        %swap3A_336 = arith.constant 64 : index
        %swap3A_337 = tpu.vector_load %arg15[%swap3A_335, %swap3A_336] {strides = array<i32>} : memref<64x128xf32, #tpu.memory_space<vmem>>, vector<1x16xf32>,
        %swap3A_338 = vector.shape_cast %swap3A_337 : vector<1x16xf32> to vector<16xf32>
        %swap3A_339 = vector.shape_cast %mul3A_334 : vector<16xf32> to vector<1x16xf32>
        tpu.vector_store %arg15[%swap3A_335, %swap3A_336], %swap3A_339 {strides = array<i32>} : memref<64x128xf32, #tpu.memory_space<vmem>>, vector<1x16xf32>,
        %lt3A_340 = arith.constant 0 : i32
        %lt3A_341 = vector.broadcast %lt3A_340 : i32 to vector<16xi32>
        %lt3A_342 = arith.cmpi slt, %broadcast_in_dim3A_74, %lt3A_341 : vector<16xi32>
        %add3A_343 = arith.constant 16 : i32
        %add3A_344 = vector.broadcast %add3A_343 : i32 to vector<16xi32>
        %add3A_345 = arith.addi %broadcast_in_dim3A_74, %add3A_344 : vector<16xi32>
        %select_n3A_346 = arith.select %lt3A_342, %add3A_345, %broadcast_in_dim3A_74 : vector<16xi1>, vector<16xi32>
        %broadcast_in_dim3A_347 = vector.shape_cast %select_n3A_346 : vector<16xi32> to vector<16x1xi32>
        %gather3A_348 = vector.shape_cast %broadcast_in_dim3A_347 : vector<16x1xi32> to vector<16xi32>
        %gather3A_349 = tpu.dynamic_gather %mul3A_242[%gather3A_348] in [0] : vector<16xf32>, vector<16xi32> -> vector<16xf32>
        %get3A_350 = arith.index_cast %add3A_234 : i32 to index
        %get3A_351 = arith.constant 80 : index
        %get3A_352 = tpu.vector_load %arg15[%get3A_350, %get3A_351] {strides = array<i32>} : memref<64x128xf32, #tpu.memory_space<vmem>>, vector<1x16xf32>,
        %get3A_353 = vector.shape_cast %get3A_352 : vector<1x16xf32> to vector<16xf32>
        %mul3A_354 = arith.mulf %get3A_353, %gather3A_349 : vector<16xf32>
        %swap3A_355 = arith.index_cast %add3A_234 : i32 to index
        %swap3A_356 = arith.constant 80 : index
        %swap3A_357 = tpu.vector_load %arg15[%swap3A_355, %swap3A_356] {strides = array<i32>} : memref<64x128xf32, #tpu.memory_space<vmem>>, vector<1x16xf32>,
        %swap3A_358 = vector.shape_cast %swap3A_357 : vector<1x16xf32> to vector<16xf32>
        %swap3A_359 = vector.shape_cast %mul3A_354 : vector<16xf32> to vector<1x16xf32>
        tpu.vector_store %arg15[%swap3A_355, %swap3A_356], %swap3A_359 {strides = array<i32>} : memref<64x128xf32, #tpu.memory_space<vmem>>, vector<1x16xf32>,
        %lt3A_360 = arith.constant 0 : i32
        %lt3A_361 = vector.broadcast %lt3A_360 : i32 to vector<16xi32>
        %lt3A_362 = arith.cmpi slt, %broadcast_in_dim3A_76, %lt3A_361 : vector<16xi32>
        %add3A_363 = arith.constant 16 : i32
        %add3A_364 = vector.broadcast %add3A_363 : i32 to vector<16xi32>
        %add3A_365 = arith.addi %broadcast_in_dim3A_76, %add3A_364 : vector<16xi32>
        %select_n3A_366 = arith.select %lt3A_362, %add3A_365, %broadcast_in_dim3A_76 : vector<16xi1>, vector<16xi32>
        %broadcast_in_dim3A_367 = vector.shape_cast %select_n3A_366 : vector<16xi32> to vector<16x1xi32>
        %gather3A_368 = vector.shape_cast %broadcast_in_dim3A_367 : vector<16x1xi32> to vector<16xi32>
        %gather3A_369 = tpu.dynamic_gather %mul3A_242[%gather3A_368] in [0] : vector<16xf32>, vector<16xi32> -> vector<16xf32>
        %get3A_370 = arith.index_cast %add3A_234 : i32 to index
        %get3A_371 = arith.constant 96 : index
        %get3A_372 = tpu.vector_load %arg15[%get3A_370, %get3A_371] {strides = array<i32>} : memref<64x128xf32, #tpu.memory_space<vmem>>, vector<1x16xf32>,
        %get3A_373 = vector.shape_cast %get3A_372 : vector<1x16xf32> to vector<16xf32>
        %mul3A_374 = arith.mulf %get3A_373, %gather3A_369 : vector<16xf32>
        %swap3A_375 = arith.index_cast %add3A_234 : i32 to index
        %swap3A_376 = arith.constant 96 : index
        %swap3A_377 = tpu.vector_load %arg15[%swap3A_375, %swap3A_376] {strides = array<i32>} : memref<64x128xf32, #tpu.memory_space<vmem>>, vector<1x16xf32>,
        %swap3A_378 = vector.shape_cast %swap3A_377 : vector<1x16xf32> to vector<16xf32>
        %swap3A_379 = vector.shape_cast %mul3A_374 : vector<16xf32> to vector<1x16xf32>
        tpu.vector_store %arg15[%swap3A_375, %swap3A_376], %swap3A_379 {strides = array<i32>} : memref<64x128xf32, #tpu.memory_space<vmem>>, vector<1x16xf32>,
        %lt3A_380 = arith.constant 0 : i32
        %lt3A_381 = vector.broadcast %lt3A_380 : i32 to vector<16xi32>
        %lt3A_382 = arith.cmpi slt, %broadcast_in_dim3A_78, %lt3A_381 : vector<16xi32>
        %add3A_383 = arith.constant 16 : i32
        %add3A_384 = vector.broadcast %add3A_383 : i32 to vector<16xi32>
        %add3A_385 = arith.addi %broadcast_in_dim3A_78, %add3A_384 : vector<16xi32>
        %select_n3A_386 = arith.select %lt3A_382, %add3A_385, %broadcast_in_dim3A_78 : vector<16xi1>, vector<16xi32>
        %broadcast_in_dim3A_387 = vector.shape_cast %select_n3A_386 : vector<16xi32> to vector<16x1xi32>
        %gather3A_388 = vector.shape_cast %broadcast_in_dim3A_387 : vector<16x1xi32> to vector<16xi32>
        %gather3A_389 = tpu.dynamic_gather %mul3A_242[%gather3A_388] in [0] : vector<16xf32>, vector<16xi32> -> vector<16xf32>
        %get3A_390 = arith.index_cast %add3A_234 : i32 to index
        %get3A_391 = arith.constant 112 : index
        %get3A_392 = tpu.vector_load %arg15[%get3A_390, %get3A_391] {strides = array<i32>} : memref<64x128xf32, #tpu.memory_space<vmem>>, vector<1x16xf32>,
        %get3A_393 = vector.shape_cast %get3A_392 : vector<1x16xf32> to vector<16xf32>
        %mul3A_394 = arith.mulf %get3A_393, %gather3A_389 : vector<16xf32>
        %swap3A_395 = arith.index_cast %add3A_234 : i32 to index
        %swap3A_396 = arith.constant 112 : index
        %swap3A_397 = tpu.vector_load %arg15[%swap3A_395, %swap3A_396] {strides = array<i32>} : memref<64x128xf32, #tpu.memory_space<vmem>>, vector<1x16xf32>,
        %swap3A_398 = vector.shape_cast %swap3A_397 : vector<1x16xf32> to vector<16xf32>
        %swap3A_399 = vector.shape_cast %mul3A_394 : vector<16xf32> to vector<1x16xf32>
        tpu.vector_store %arg15[%swap3A_395, %swap3A_396], %swap3A_399 {strides = array<i32>} : memref<64x128xf32, #tpu.memory_space<vmem>>, vector<1x16xf32>,
      }
      %scan3A_208 = arith.constant 64 : i32
      "tpu.region"() ({
        %run_scoped3A = tpu.sem_alloc : memref<!tpu.dma_semaphore, #tpu.memory_space<semaphore_mem>>
        %dma_start3A_230 = arith.constant 0 : i32
        %dma_start3A_231 = tpu.memref_slice %arg9[%add3A_185, %dma_start3A_230] : memref<184x64xi32, #tpu.memory_space<vmem>> -> memref<1x64xi32, #tpu.memory_space<vmem>>
        %dma_start3A_232 = tpu.memref_squeeze %dma_start3A_231 : memref<1x64xi32, #tpu.memory_space<vmem>> -> memref<64xi32, #tpu.memory_space<vmem>>
        %dma_start3A_233 = arith.constant 0 : i32
        %dma_start3A_234 = arith.constant 0 : i32
        %dma_start3A_235 = tpu.memref_slice %arg16[%dma_start3A_233, %dma_start3A_234] : memref<10240x128xf32, #tpu.memory_space<vmem_shared>> -> memref<10240x128xf32, #tpu.memory_space<vmem_shared>>
        tpu.enqueue_indirect_dma source(%arg15 : memref<64x128xf32, #tpu.memory_space<vmem>>) target(%dma_start3A_235 : memref<10240x128xf32, #tpu.memory_space<vmem_shared>>) offsets(%dma_start3A_232 : memref<64xi32, #tpu.memory_space<vmem>>) semaphore(%run_scoped3A : memref<!tpu.dma_semaphore, #tpu.memory_space<semaphore_mem>>) {add = true}
        %dma_wait3A_236 = arith.constant 0 : i32
        %dma_wait3A_237 = tpu.memref_slice %arg9[%add3A_185, %dma_wait3A_236] : memref<184x64xi32, #tpu.memory_space<vmem>> -> memref<1x64xi32, #tpu.memory_space<vmem>>
        %dma_wait3A_238 = tpu.memref_squeeze %dma_wait3A_237 : memref<1x64xi32, #tpu.memory_space<vmem>> -> memref<64xi32, #tpu.memory_space<vmem>>
        %dma_wait3A_239 = arith.constant 0 : i32
        %dma_wait3A_240 = arith.constant 0 : i32
        %dma_wait3A_241 = tpu.memref_slice %arg16[%dma_wait3A_239, %dma_wait3A_240] : memref<10240x128xf32, #tpu.memory_space<vmem_shared>> -> memref<10240x128xf32, #tpu.memory_space<vmem_shared>>
        tpu.wait_indirect_dma semaphore(%run_scoped3A : memref<!tpu.dma_semaphore, #tpu.memory_space<semaphore_mem>>) src(%arg15 : memref<64x128xf32, #tpu.memory_space<vmem>>) dst(%dma_wait3A_241 : memref<10240x128xf32, #tpu.memory_space<vmem_shared>>)
        tpu.yield
      }) : () -> ()
      %add3A_209 = arith.constant 2 : i32
      %add3A_210 = arith.addi %add3A_185, %add3A_209 : i32
      %add3A_211 = arith.addi %select_n3A_11, %add3A_210 : i32
      %mul3A_212 = arith.constant 64 : i32
      %mul3A_213 = arith.muli %add3A_211, %mul3A_212 : i32
      %dma_start3A_214 = arith.constant 0 : i32
      %dma_start3A_215 = tpu.memref_slice %arg9[%add3A_210, %dma_start3A_214] : memref<184x64xi32, #tpu.memory_space<vmem>> -> memref<1x64xi32, #tpu.memory_space<vmem>>
      %dma_start3A_216 = tpu.memref_squeeze %dma_start3A_215 : memref<1x64xi32, #tpu.memory_space<vmem>> -> memref<64xi32, #tpu.memory_space<vmem>>
      %dma_start3A_217 = arith.constant 0 : i32
      %dma_start3A_218 = arith.constant 0 : i32
      %dma_start3A_219 = tpu.memref_slice %arg5[%dma_start3A_217, %dma_start3A_218] : memref<10240x16xf32, #tpu.memory_space<hbm>> -> memref<10240x16xf32, #tpu.memory_space<hbm>>
      tpu.enqueue_indirect_dma source(%dma_start3A_219 : memref<10240x16xf32, #tpu.memory_space<hbm>>) target(%arg11 : memref<64x16xf32, #tpu.memory_space<vmem>>) offsets(%dma_start3A_216 : memref<64xi32, #tpu.memory_space<vmem>>) semaphore(%arg18 : memref<!tpu.dma_semaphore, #tpu.memory_space<semaphore_mem>>)
      %dma_start3A_220 = arith.constant 0 : i32
      %dma_start3A_221 = tpu.memref_slice %arg4[%mul3A_213, %dma_start3A_220] : memref<336000x16xf32, #tpu.memory_space<hbm>> -> memref<64x16xf32, #tpu.memory_space<hbm>>
      %dma_start3A_222 = arith.constant 0 : i32
      %dma_start3A_223 = tpu.memref_slice %arg4[%mul3A_213, %dma_start3A_222] : memref<336000x16xf32, #tpu.memory_space<hbm>> -> memref<64x16xf32, #tpu.memory_space<hbm>>
      tpu.enqueue_dma source(%dma_start3A_223 : memref<64x16xf32, #tpu.memory_space<hbm>>) target(%arg13 : memref<64x16xf32, #tpu.memory_space<vmem>>) target_semaphore(%arg18 : memref<!tpu.dma_semaphore, #tpu.memory_space<semaphore_mem>>)
      %dma_start3A_224 = arith.constant 0 : i32
      %dma_start3A_225 = tpu.memref_slice %arg8[%add3A_210, %dma_start3A_224] : memref<184x64xi32, #tpu.memory_space<vmem>> -> memref<1x64xi32, #tpu.memory_space<vmem>>
      %dma_start3A_226 = tpu.memref_squeeze %dma_start3A_225 : memref<1x64xi32, #tpu.memory_space<vmem>> -> memref<64xi32, #tpu.memory_space<vmem>>
      %dma_start3A_227 = arith.constant 0 : i32
      %dma_start3A_228 = arith.constant 0 : i32
      %dma_start3A_229 = tpu.memref_slice %arg6[%dma_start3A_227, %dma_start3A_228] : memref<10240x128xf32, #tpu.memory_space<hbm>> -> memref<10240x128xf32, #tpu.memory_space<hbm>>
      tpu.enqueue_indirect_dma source(%dma_start3A_229 : memref<10240x128xf32, #tpu.memory_space<hbm>>) target(%arg15 : memref<64x128xf32, #tpu.memory_space<vmem>>) offsets(%dma_start3A_226 : memref<64xi32, #tpu.memory_space<vmem>>) semaphore(%arg18 : memref<!tpu.dma_semaphore, #tpu.memory_space<semaphore_mem>>)
    }
    %while3A_94 = arith.constant 1 : i32
    scf.for %while3A_135 = %while3A_92 to %while3A_88 step %while3A_94  : i32 {
      %mul3A_136 = arith.muli %while3A_135, %while3A : i32
      %add3A_137 = arith.addi %while3A_85, %mul3A_136 : i32
      %add3A_138 = arith.constant 0 : i32
      %add3A_139 = arith.addi %add3A_137, %add3A_138 : i32
      %dma_wait3A_140 = arith.constant 0 : i32
      %dma_wait3A_141 = arith.constant 0 : i32
      %dma_wait3A_142 = tpu.memref_slice %arg5[%dma_wait3A_140, %dma_wait3A_141] : memref<10240x16xf32, #tpu.memory_space<hbm>> -> memref<64x16xf32, #tpu.memory_space<hbm>>
      %dma_wait3A_143 = arith.constant 0 : i32
      %dma_wait3A_144 = arith.constant 0 : i32
      %dma_wait3A_145 = tpu.memref_slice %arg5[%dma_wait3A_143, %dma_wait3A_144] : memref<10240x16xf32, #tpu.memory_space<hbm>> -> memref<64x16xf32, #tpu.memory_space<hbm>>
      tpu.wait_dma2 semaphore(%arg17 : memref<!tpu.dma_semaphore, #tpu.memory_space<semaphore_mem>>) src(%dma_wait3A_145 : memref<64x16xf32, #tpu.memory_space<hbm>>) dst(%arg10 : memref<64x16xf32, #tpu.memory_space<vmem>>)
      %dma_wait3A_146 = arith.constant 0 : i32
      %dma_wait3A_147 = arith.constant 0 : i32
      %dma_wait3A_148 = tpu.memref_slice %arg4[%dma_wait3A_146, %dma_wait3A_147] : memref<336000x16xf32, #tpu.memory_space<hbm>> -> memref<64x16xf32, #tpu.memory_space<hbm>>
      %dma_wait3A_149 = arith.constant 0 : i32
      %dma_wait3A_150 = arith.constant 0 : i32
      %dma_wait3A_151 = tpu.memref_slice %arg4[%dma_wait3A_149, %dma_wait3A_150] : memref<336000x16xf32, #tpu.memory_space<hbm>> -> memref<64x16xf32, #tpu.memory_space<hbm>>
      tpu.wait_dma2 semaphore(%arg17 : memref<!tpu.dma_semaphore, #tpu.memory_space<semaphore_mem>>) src(%dma_wait3A_151 : memref<64x16xf32, #tpu.memory_space<hbm>>) dst(%arg12 : memref<64x16xf32, #tpu.memory_space<vmem>>)
      %dma_wait3A_152 = arith.constant 0 : i32
      %dma_wait3A_153 = arith.constant 0 : i32
      %dma_wait3A_154 = tpu.memref_slice %arg6[%dma_wait3A_152, %dma_wait3A_153] : memref<10240x128xf32, #tpu.memory_space<hbm>> -> memref<64x128xf32, #tpu.memory_space<hbm>>
      %dma_wait3A_155 = arith.constant 0 : i32
      %dma_wait3A_156 = arith.constant 0 : i32
      %dma_wait3A_157 = tpu.memref_slice %arg6[%dma_wait3A_155, %dma_wait3A_156] : memref<10240x128xf32, #tpu.memory_space<hbm>> -> memref<64x128xf32, #tpu.memory_space<hbm>>
      tpu.wait_dma2 semaphore(%arg17 : memref<!tpu.dma_semaphore, #tpu.memory_space<semaphore_mem>>) src(%dma_wait3A_157 : memref<64x128xf32, #tpu.memory_space<hbm>>) dst(%arg14 : memref<64x128xf32, #tpu.memory_space<vmem>>)
      %scan3A_158 = arith.constant 0 : i32
      %scan3A_159 = arith.constant 64 : i32
      %scan3A_160 = arith.addi %scan3A_158, %scan3A_159 : i32
      %scan3A_161 = arith.constant 1 : i32
      scf.for %scan3A_230 = %scan3A_158 to %scan3A_160 step %scan3A_161  : i32 {
        %mul3A_231 = arith.constant 1 : i32
        %mul3A_232 = arith.muli %scan3A_230, %mul3A_231 : i32
        %add3A_233 = arith.constant 0 : i32
        %add3A_234 = arith.addi %add3A_233, %mul3A_232 : i32
        %get3A = arith.index_cast %add3A_234 : i32 to index
        %get3A_235 = arith.constant 0 : index
        %get3A_236 = tpu.vector_load %arg10[%get3A, %get3A_235] {strides = array<i32>} : memref<64x16xf32, #tpu.memory_space<vmem>>, vector<1x16xf32>,
        %get3A_237 = vector.shape_cast %get3A_236 : vector<1x16xf32> to vector<16xf32>
        %get3A_238 = arith.index_cast %add3A_234 : i32 to index
        %get3A_239 = arith.constant 0 : index
        %get3A_240 = tpu.vector_load %arg12[%get3A_238, %get3A_239] {strides = array<i32>} : memref<64x16xf32, #tpu.memory_space<vmem>>, vector<1x16xf32>,
        %get3A_241 = vector.shape_cast %get3A_240 : vector<1x16xf32> to vector<16xf32>
        %mul3A_242 = arith.mulf %get3A_237, %get3A_241 : vector<16xf32>
        %lt3A = arith.constant 0 : i32
        %lt3A_243 = vector.broadcast %lt3A : i32 to vector<16xi32>
        %lt3A_244 = arith.cmpi slt, %broadcast_in_dim3A_64, %lt3A_243 : vector<16xi32>
        %add3A_245 = arith.constant 16 : i32
        %add3A_246 = vector.broadcast %add3A_245 : i32 to vector<16xi32>
        %add3A_247 = arith.addi %broadcast_in_dim3A_64, %add3A_246 : vector<16xi32>
        %select_n3A_248 = arith.select %lt3A_244, %add3A_247, %broadcast_in_dim3A_64 : vector<16xi1>, vector<16xi32>
        %broadcast_in_dim3A_249 = vector.shape_cast %select_n3A_248 : vector<16xi32> to vector<16x1xi32>
        %gather3A = vector.shape_cast %broadcast_in_dim3A_249 : vector<16x1xi32> to vector<16xi32>
        %gather3A_250 = tpu.dynamic_gather %mul3A_242[%gather3A] in [0] : vector<16xf32>, vector<16xi32> -> vector<16xf32>
        %get3A_251 = arith.index_cast %add3A_234 : i32 to index
        %get3A_252 = arith.constant 0 : index
        %get3A_253 = tpu.vector_load %arg14[%get3A_251, %get3A_252] {strides = array<i32>} : memref<64x128xf32, #tpu.memory_space<vmem>>, vector<1x16xf32>,
        %get3A_254 = vector.shape_cast %get3A_253 : vector<1x16xf32> to vector<16xf32>
        %mul3A_255 = arith.mulf %get3A_254, %gather3A_250 : vector<16xf32>
        %swap3A = arith.index_cast %add3A_234 : i32 to index
        %swap3A_256 = arith.constant 0 : index
        %swap3A_257 = tpu.vector_load %arg14[%swap3A, %swap3A_256] {strides = array<i32>} : memref<64x128xf32, #tpu.memory_space<vmem>>, vector<1x16xf32>,
        %swap3A_258 = vector.shape_cast %swap3A_257 : vector<1x16xf32> to vector<16xf32>
        %swap3A_259 = vector.shape_cast %mul3A_255 : vector<16xf32> to vector<1x16xf32>
        tpu.vector_store %arg14[%swap3A, %swap3A_256], %swap3A_259 {strides = array<i32>} : memref<64x128xf32, #tpu.memory_space<vmem>>, vector<1x16xf32>,
        %lt3A_260 = arith.constant 0 : i32
        %lt3A_261 = vector.broadcast %lt3A_260 : i32 to vector<16xi32>
        %lt3A_262 = arith.cmpi slt, %broadcast_in_dim3A_66, %lt3A_261 : vector<16xi32>
        %add3A_263 = arith.constant 16 : i32
        %add3A_264 = vector.broadcast %add3A_263 : i32 to vector<16xi32>
        %add3A_265 = arith.addi %broadcast_in_dim3A_66, %add3A_264 : vector<16xi32>
        %select_n3A_266 = arith.select %lt3A_262, %add3A_265, %broadcast_in_dim3A_66 : vector<16xi1>, vector<16xi32>
        %broadcast_in_dim3A_267 = vector.shape_cast %select_n3A_266 : vector<16xi32> to vector<16x1xi32>
        %gather3A_268 = vector.shape_cast %broadcast_in_dim3A_267 : vector<16x1xi32> to vector<16xi32>
        %gather3A_269 = tpu.dynamic_gather %mul3A_242[%gather3A_268] in [0] : vector<16xf32>, vector<16xi32> -> vector<16xf32>
        %get3A_270 = arith.index_cast %add3A_234 : i32 to index
        %get3A_271 = arith.constant 16 : index
        %get3A_272 = tpu.vector_load %arg14[%get3A_270, %get3A_271] {strides = array<i32>} : memref<64x128xf32, #tpu.memory_space<vmem>>, vector<1x16xf32>,
        %get3A_273 = vector.shape_cast %get3A_272 : vector<1x16xf32> to vector<16xf32>
        %mul3A_274 = arith.mulf %get3A_273, %gather3A_269 : vector<16xf32>
        %swap3A_275 = arith.index_cast %add3A_234 : i32 to index
        %swap3A_276 = arith.constant 16 : index
        %swap3A_277 = tpu.vector_load %arg14[%swap3A_275, %swap3A_276] {strides = array<i32>} : memref<64x128xf32, #tpu.memory_space<vmem>>, vector<1x16xf32>,
        %swap3A_278 = vector.shape_cast %swap3A_277 : vector<1x16xf32> to vector<16xf32>
        %swap3A_279 = vector.shape_cast %mul3A_274 : vector<16xf32> to vector<1x16xf32>
        tpu.vector_store %arg14[%swap3A_275, %swap3A_276], %swap3A_279 {strides = array<i32>} : memref<64x128xf32, #tpu.memory_space<vmem>>, vector<1x16xf32>,
        %lt3A_280 = arith.constant 0 : i32
        %lt3A_281 = vector.broadcast %lt3A_280 : i32 to vector<16xi32>
        %lt3A_282 = arith.cmpi slt, %broadcast_in_dim3A_68, %lt3A_281 : vector<16xi32>
        %add3A_283 = arith.constant 16 : i32
        %add3A_284 = vector.broadcast %add3A_283 : i32 to vector<16xi32>
        %add3A_285 = arith.addi %broadcast_in_dim3A_68, %add3A_284 : vector<16xi32>
        %select_n3A_286 = arith.select %lt3A_282, %add3A_285, %broadcast_in_dim3A_68 : vector<16xi1>, vector<16xi32>
        %broadcast_in_dim3A_287 = vector.shape_cast %select_n3A_286 : vector<16xi32> to vector<16x1xi32>
        %gather3A_288 = vector.shape_cast %broadcast_in_dim3A_287 : vector<16x1xi32> to vector<16xi32>
        %gather3A_289 = tpu.dynamic_gather %mul3A_242[%gather3A_288] in [0] : vector<16xf32>, vector<16xi32> -> vector<16xf32>
        %get3A_290 = arith.index_cast %add3A_234 : i32 to index
        %get3A_291 = arith.constant 32 : index
        %get3A_292 = tpu.vector_load %arg14[%get3A_290, %get3A_291] {strides = array<i32>} : memref<64x128xf32, #tpu.memory_space<vmem>>, vector<1x16xf32>,
        %get3A_293 = vector.shape_cast %get3A_292 : vector<1x16xf32> to vector<16xf32>
        %mul3A_294 = arith.mulf %get3A_293, %gather3A_289 : vector<16xf32>
        %swap3A_295 = arith.index_cast %add3A_234 : i32 to index
        %swap3A_296 = arith.constant 32 : index
        %swap3A_297 = tpu.vector_load %arg14[%swap3A_295, %swap3A_296] {strides = array<i32>} : memref<64x128xf32, #tpu.memory_space<vmem>>, vector<1x16xf32>,
        %swap3A_298 = vector.shape_cast %swap3A_297 : vector<1x16xf32> to vector<16xf32>
        %swap3A_299 = vector.shape_cast %mul3A_294 : vector<16xf32> to vector<1x16xf32>
        tpu.vector_store %arg14[%swap3A_295, %swap3A_296], %swap3A_299 {strides = array<i32>} : memref<64x128xf32, #tpu.memory_space<vmem>>, vector<1x16xf32>,
        %lt3A_300 = arith.constant 0 : i32
        %lt3A_301 = vector.broadcast %lt3A_300 : i32 to vector<16xi32>
        %lt3A_302 = arith.cmpi slt, %broadcast_in_dim3A_70, %lt3A_301 : vector<16xi32>
        %add3A_303 = arith.constant 16 : i32
        %add3A_304 = vector.broadcast %add3A_303 : i32 to vector<16xi32>
        %add3A_305 = arith.addi %broadcast_in_dim3A_70, %add3A_304 : vector<16xi32>
        %select_n3A_306 = arith.select %lt3A_302, %add3A_305, %broadcast_in_dim3A_70 : vector<16xi1>, vector<16xi32>
        %broadcast_in_dim3A_307 = vector.shape_cast %select_n3A_306 : vector<16xi32> to vector<16x1xi32>
        %gather3A_308 = vector.shape_cast %broadcast_in_dim3A_307 : vector<16x1xi32> to vector<16xi32>
        %gather3A_309 = tpu.dynamic_gather %mul3A_242[%gather3A_308] in [0] : vector<16xf32>, vector<16xi32> -> vector<16xf32>
        %get3A_310 = arith.index_cast %add3A_234 : i32 to index
        %get3A_311 = arith.constant 48 : index
        %get3A_312 = tpu.vector_load %arg14[%get3A_310, %get3A_311] {strides = array<i32>} : memref<64x128xf32, #tpu.memory_space<vmem>>, vector<1x16xf32>,
        %get3A_313 = vector.shape_cast %get3A_312 : vector<1x16xf32> to vector<16xf32>
        %mul3A_314 = arith.mulf %get3A_313, %gather3A_309 : vector<16xf32>
        %swap3A_315 = arith.index_cast %add3A_234 : i32 to index
        %swap3A_316 = arith.constant 48 : index
        %swap3A_317 = tpu.vector_load %arg14[%swap3A_315, %swap3A_316] {strides = array<i32>} : memref<64x128xf32, #tpu.memory_space<vmem>>, vector<1x16xf32>,
        %swap3A_318 = vector.shape_cast %swap3A_317 : vector<1x16xf32> to vector<16xf32>
        %swap3A_319 = vector.shape_cast %mul3A_314 : vector<16xf32> to vector<1x16xf32>
        tpu.vector_store %arg14[%swap3A_315, %swap3A_316], %swap3A_319 {strides = array<i32>} : memref<64x128xf32, #tpu.memory_space<vmem>>, vector<1x16xf32>,
        %lt3A_320 = arith.constant 0 : i32
        %lt3A_321 = vector.broadcast %lt3A_320 : i32 to vector<16xi32>
        %lt3A_322 = arith.cmpi slt, %broadcast_in_dim3A_72, %lt3A_321 : vector<16xi32>
        %add3A_323 = arith.constant 16 : i32
        %add3A_324 = vector.broadcast %add3A_323 : i32 to vector<16xi32>
        %add3A_325 = arith.addi %broadcast_in_dim3A_72, %add3A_324 : vector<16xi32>
        %select_n3A_326 = arith.select %lt3A_322, %add3A_325, %broadcast_in_dim3A_72 : vector<16xi1>, vector<16xi32>
        %broadcast_in_dim3A_327 = vector.shape_cast %select_n3A_326 : vector<16xi32> to vector<16x1xi32>
        %gather3A_328 = vector.shape_cast %broadcast_in_dim3A_327 : vector<16x1xi32> to vector<16xi32>
        %gather3A_329 = tpu.dynamic_gather %mul3A_242[%gather3A_328] in [0] : vector<16xf32>, vector<16xi32> -> vector<16xf32>
        %get3A_330 = arith.index_cast %add3A_234 : i32 to index
        %get3A_331 = arith.constant 64 : index
        %get3A_332 = tpu.vector_load %arg14[%get3A_330, %get3A_331] {strides = array<i32>} : memref<64x128xf32, #tpu.memory_space<vmem>>, vector<1x16xf32>,
        %get3A_333 = vector.shape_cast %get3A_332 : vector<1x16xf32> to vector<16xf32>
        %mul3A_334 = arith.mulf %get3A_333, %gather3A_329 : vector<16xf32>
        %swap3A_335 = arith.index_cast %add3A_234 : i32 to index
        %swap3A_336 = arith.constant 64 : index
        %swap3A_337 = tpu.vector_load %arg14[%swap3A_335, %swap3A_336] {strides = array<i32>} : memref<64x128xf32, #tpu.memory_space<vmem>>, vector<1x16xf32>,
        %swap3A_338 = vector.shape_cast %swap3A_337 : vector<1x16xf32> to vector<16xf32>
        %swap3A_339 = vector.shape_cast %mul3A_334 : vector<16xf32> to vector<1x16xf32>
        tpu.vector_store %arg14[%swap3A_335, %swap3A_336], %swap3A_339 {strides = array<i32>} : memref<64x128xf32, #tpu.memory_space<vmem>>, vector<1x16xf32>,
        %lt3A_340 = arith.constant 0 : i32
        %lt3A_341 = vector.broadcast %lt3A_340 : i32 to vector<16xi32>
        %lt3A_342 = arith.cmpi slt, %broadcast_in_dim3A_74, %lt3A_341 : vector<16xi32>
        %add3A_343 = arith.constant 16 : i32
        %add3A_344 = vector.broadcast %add3A_343 : i32 to vector<16xi32>
        %add3A_345 = arith.addi %broadcast_in_dim3A_74, %add3A_344 : vector<16xi32>
        %select_n3A_346 = arith.select %lt3A_342, %add3A_345, %broadcast_in_dim3A_74 : vector<16xi1>, vector<16xi32>
        %broadcast_in_dim3A_347 = vector.shape_cast %select_n3A_346 : vector<16xi32> to vector<16x1xi32>
        %gather3A_348 = vector.shape_cast %broadcast_in_dim3A_347 : vector<16x1xi32> to vector<16xi32>
        %gather3A_349 = tpu.dynamic_gather %mul3A_242[%gather3A_348] in [0] : vector<16xf32>, vector<16xi32> -> vector<16xf32>
        %get3A_350 = arith.index_cast %add3A_234 : i32 to index
        %get3A_351 = arith.constant 80 : index
        %get3A_352 = tpu.vector_load %arg14[%get3A_350, %get3A_351] {strides = array<i32>} : memref<64x128xf32, #tpu.memory_space<vmem>>, vector<1x16xf32>,
        %get3A_353 = vector.shape_cast %get3A_352 : vector<1x16xf32> to vector<16xf32>
        %mul3A_354 = arith.mulf %get3A_353, %gather3A_349 : vector<16xf32>
        %swap3A_355 = arith.index_cast %add3A_234 : i32 to index
        %swap3A_356 = arith.constant 80 : index
        %swap3A_357 = tpu.vector_load %arg14[%swap3A_355, %swap3A_356] {strides = array<i32>} : memref<64x128xf32, #tpu.memory_space<vmem>>, vector<1x16xf32>,
        %swap3A_358 = vector.shape_cast %swap3A_357 : vector<1x16xf32> to vector<16xf32>
        %swap3A_359 = vector.shape_cast %mul3A_354 : vector<16xf32> to vector<1x16xf32>
        tpu.vector_store %arg14[%swap3A_355, %swap3A_356], %swap3A_359 {strides = array<i32>} : memref<64x128xf32, #tpu.memory_space<vmem>>, vector<1x16xf32>,
        %lt3A_360 = arith.constant 0 : i32
        %lt3A_361 = vector.broadcast %lt3A_360 : i32 to vector<16xi32>
        %lt3A_362 = arith.cmpi slt, %broadcast_in_dim3A_76, %lt3A_361 : vector<16xi32>
        %add3A_363 = arith.constant 16 : i32
        %add3A_364 = vector.broadcast %add3A_363 : i32 to vector<16xi32>
        %add3A_365 = arith.addi %broadcast_in_dim3A_76, %add3A_364 : vector<16xi32>
        %select_n3A_366 = arith.select %lt3A_362, %add3A_365, %broadcast_in_dim3A_76 : vector<16xi1>, vector<16xi32>
        %broadcast_in_dim3A_367 = vector.shape_cast %select_n3A_366 : vector<16xi32> to vector<16x1xi32>
        %gather3A_368 = vector.shape_cast %broadcast_in_dim3A_367 : vector<16x1xi32> to vector<16xi32>
        %gather3A_369 = tpu.dynamic_gather %mul3A_242[%gather3A_368] in [0] : vector<16xf32>, vector<16xi32> -> vector<16xf32>
        %get3A_370 = arith.index_cast %add3A_234 : i32 to index
        %get3A_371 = arith.constant 96 : index
        %get3A_372 = tpu.vector_load %arg14[%get3A_370, %get3A_371] {strides = array<i32>} : memref<64x128xf32, #tpu.memory_space<vmem>>, vector<1x16xf32>,
        %get3A_373 = vector.shape_cast %get3A_372 : vector<1x16xf32> to vector<16xf32>
        %mul3A_374 = arith.mulf %get3A_373, %gather3A_369 : vector<16xf32>
        %swap3A_375 = arith.index_cast %add3A_234 : i32 to index
        %swap3A_376 = arith.constant 96 : index
        %swap3A_377 = tpu.vector_load %arg14[%swap3A_375, %swap3A_376] {strides = array<i32>} : memref<64x128xf32, #tpu.memory_space<vmem>>, vector<1x16xf32>,
        %swap3A_378 = vector.shape_cast %swap3A_377 : vector<1x16xf32> to vector<16xf32>
        %swap3A_379 = vector.shape_cast %mul3A_374 : vector<16xf32> to vector<1x16xf32>
        tpu.vector_store %arg14[%swap3A_375, %swap3A_376], %swap3A_379 {strides = array<i32>} : memref<64x128xf32, #tpu.memory_space<vmem>>, vector<1x16xf32>,
        %lt3A_380 = arith.constant 0 : i32
        %lt3A_381 = vector.broadcast %lt3A_380 : i32 to vector<16xi32>
        %lt3A_382 = arith.cmpi slt, %broadcast_in_dim3A_78, %lt3A_381 : vector<16xi32>
        %add3A_383 = arith.constant 16 : i32
        %add3A_384 = vector.broadcast %add3A_383 : i32 to vector<16xi32>
        %add3A_385 = arith.addi %broadcast_in_dim3A_78, %add3A_384 : vector<16xi32>
        %select_n3A_386 = arith.select %lt3A_382, %add3A_385, %broadcast_in_dim3A_78 : vector<16xi1>, vector<16xi32>
        %broadcast_in_dim3A_387 = vector.shape_cast %select_n3A_386 : vector<16xi32> to vector<16x1xi32>
        %gather3A_388 = vector.shape_cast %broadcast_in_dim3A_387 : vector<16x1xi32> to vector<16xi32>
        %gather3A_389 = tpu.dynamic_gather %mul3A_242[%gather3A_388] in [0] : vector<16xf32>, vector<16xi32> -> vector<16xf32>
        %get3A_390 = arith.index_cast %add3A_234 : i32 to index
        %get3A_391 = arith.constant 112 : index
        %get3A_392 = tpu.vector_load %arg14[%get3A_390, %get3A_391] {strides = array<i32>} : memref<64x128xf32, #tpu.memory_space<vmem>>, vector<1x16xf32>,
        %get3A_393 = vector.shape_cast %get3A_392 : vector<1x16xf32> to vector<16xf32>
        %mul3A_394 = arith.mulf %get3A_393, %gather3A_389 : vector<16xf32>
        %swap3A_395 = arith.index_cast %add3A_234 : i32 to index
        %swap3A_396 = arith.constant 112 : index
        %swap3A_397 = tpu.vector_load %arg14[%swap3A_395, %swap3A_396] {strides = array<i32>} : memref<64x128xf32, #tpu.memory_space<vmem>>, vector<1x16xf32>,
        %swap3A_398 = vector.shape_cast %swap3A_397 : vector<1x16xf32> to vector<16xf32>
        %swap3A_399 = vector.shape_cast %mul3A_394 : vector<16xf32> to vector<1x16xf32>
        tpu.vector_store %arg14[%swap3A_395, %swap3A_396], %swap3A_399 {strides = array<i32>} : memref<64x128xf32, #tpu.memory_space<vmem>>, vector<1x16xf32>,
      }
      %scan3A_162 = arith.constant 64 : i32
      "tpu.region"() ({
        %run_scoped3A = tpu.sem_alloc : memref<!tpu.dma_semaphore, #tpu.memory_space<semaphore_mem>>
        %dma_start3A_230 = arith.constant 0 : i32
        %dma_start3A_231 = tpu.memref_slice %arg9[%add3A_139, %dma_start3A_230] : memref<184x64xi32, #tpu.memory_space<vmem>> -> memref<1x64xi32, #tpu.memory_space<vmem>>
        %dma_start3A_232 = tpu.memref_squeeze %dma_start3A_231 : memref<1x64xi32, #tpu.memory_space<vmem>> -> memref<64xi32, #tpu.memory_space<vmem>>
        %dma_start3A_233 = arith.constant 0 : i32
        %dma_start3A_234 = arith.constant 0 : i32
        %dma_start3A_235 = tpu.memref_slice %arg16[%dma_start3A_233, %dma_start3A_234] : memref<10240x128xf32, #tpu.memory_space<vmem_shared>> -> memref<10240x128xf32, #tpu.memory_space<vmem_shared>>
        tpu.enqueue_indirect_dma source(%arg14 : memref<64x128xf32, #tpu.memory_space<vmem>>) target(%dma_start3A_235 : memref<10240x128xf32, #tpu.memory_space<vmem_shared>>) offsets(%dma_start3A_232 : memref<64xi32, #tpu.memory_space<vmem>>) semaphore(%run_scoped3A : memref<!tpu.dma_semaphore, #tpu.memory_space<semaphore_mem>>) {add = true}
        %dma_wait3A_236 = arith.constant 0 : i32
        %dma_wait3A_237 = tpu.memref_slice %arg9[%add3A_139, %dma_wait3A_236] : memref<184x64xi32, #tpu.memory_space<vmem>> -> memref<1x64xi32, #tpu.memory_space<vmem>>
        %dma_wait3A_238 = tpu.memref_squeeze %dma_wait3A_237 : memref<1x64xi32, #tpu.memory_space<vmem>> -> memref<64xi32, #tpu.memory_space<vmem>>
        %dma_wait3A_239 = arith.constant 0 : i32
        %dma_wait3A_240 = arith.constant 0 : i32
        %dma_wait3A_241 = tpu.memref_slice %arg16[%dma_wait3A_239, %dma_wait3A_240] : memref<10240x128xf32, #tpu.memory_space<vmem_shared>> -> memref<10240x128xf32, #tpu.memory_space<vmem_shared>>
        tpu.wait_indirect_dma semaphore(%run_scoped3A : memref<!tpu.dma_semaphore, #tpu.memory_space<semaphore_mem>>) src(%arg14 : memref<64x128xf32, #tpu.memory_space<vmem>>) dst(%dma_wait3A_241 : memref<10240x128xf32, #tpu.memory_space<vmem_shared>>)
        tpu.yield
      }) : () -> ()
      %add3A_163 = arith.constant 2 : i32
      %add3A_164 = arith.addi %add3A_139, %add3A_163 : i32
      %add3A_165 = arith.addi %select_n3A_11, %add3A_164 : i32
      %mul3A_166 = arith.constant 64 : i32
      %mul3A_167 = arith.muli %add3A_165, %mul3A_166 : i32
      %dma_start3A_168 = arith.constant 0 : i32
      %dma_start3A_169 = tpu.memref_slice %arg9[%add3A_164, %dma_start3A_168] : memref<184x64xi32, #tpu.memory_space<vmem>> -> memref<1x64xi32, #tpu.memory_space<vmem>>
      %dma_start3A_170 = tpu.memref_squeeze %dma_start3A_169 : memref<1x64xi32, #tpu.memory_space<vmem>> -> memref<64xi32, #tpu.memory_space<vmem>>
      %dma_start3A_171 = arith.constant 0 : i32
      %dma_start3A_172 = arith.constant 0 : i32
      %dma_start3A_173 = tpu.memref_slice %arg5[%dma_start3A_171, %dma_start3A_172] : memref<10240x16xf32, #tpu.memory_space<hbm>> -> memref<10240x16xf32, #tpu.memory_space<hbm>>
      tpu.enqueue_indirect_dma source(%dma_start3A_173 : memref<10240x16xf32, #tpu.memory_space<hbm>>) target(%arg10 : memref<64x16xf32, #tpu.memory_space<vmem>>) offsets(%dma_start3A_170 : memref<64xi32, #tpu.memory_space<vmem>>) semaphore(%arg17 : memref<!tpu.dma_semaphore, #tpu.memory_space<semaphore_mem>>)
      %dma_start3A_174 = arith.constant 0 : i32
      %dma_start3A_175 = tpu.memref_slice %arg4[%mul3A_167, %dma_start3A_174] : memref<336000x16xf32, #tpu.memory_space<hbm>> -> memref<64x16xf32, #tpu.memory_space<hbm>>
      %dma_start3A_176 = arith.constant 0 : i32
      %dma_start3A_177 = tpu.memref_slice %arg4[%mul3A_167, %dma_start3A_176] : memref<336000x16xf32, #tpu.memory_space<hbm>> -> memref<64x16xf32, #tpu.memory_space<hbm>>
      tpu.enqueue_dma source(%dma_start3A_177 : memref<64x16xf32, #tpu.memory_space<hbm>>) target(%arg12 : memref<64x16xf32, #tpu.memory_space<vmem>>) target_semaphore(%arg17 : memref<!tpu.dma_semaphore, #tpu.memory_space<semaphore_mem>>)
      %dma_start3A_178 = arith.constant 0 : i32
      %dma_start3A_179 = tpu.memref_slice %arg8[%add3A_164, %dma_start3A_178] : memref<184x64xi32, #tpu.memory_space<vmem>> -> memref<1x64xi32, #tpu.memory_space<vmem>>
      %dma_start3A_180 = tpu.memref_squeeze %dma_start3A_179 : memref<1x64xi32, #tpu.memory_space<vmem>> -> memref<64xi32, #tpu.memory_space<vmem>>
      %dma_start3A_181 = arith.constant 0 : i32
      %dma_start3A_182 = arith.constant 0 : i32
      %dma_start3A_183 = tpu.memref_slice %arg6[%dma_start3A_181, %dma_start3A_182] : memref<10240x128xf32, #tpu.memory_space<hbm>> -> memref<10240x128xf32, #tpu.memory_space<hbm>>
      tpu.enqueue_indirect_dma source(%dma_start3A_183 : memref<10240x128xf32, #tpu.memory_space<hbm>>) target(%arg14 : memref<64x128xf32, #tpu.memory_space<vmem>>) offsets(%dma_start3A_180 : memref<64xi32, #tpu.memory_space<vmem>>) semaphore(%arg17 : memref<!tpu.dma_semaphore, #tpu.memory_space<semaphore_mem>>)
      %add3A_184 = arith.constant 1 : i32
      %add3A_185 = arith.addi %add3A_137, %add3A_184 : i32
      %dma_wait3A_186 = arith.constant 0 : i32
      %dma_wait3A_187 = arith.constant 0 : i32
      %dma_wait3A_188 = tpu.memref_slice %arg5[%dma_wait3A_186, %dma_wait3A_187] : memref<10240x16xf32, #tpu.memory_space<hbm>> -> memref<64x16xf32, #tpu.memory_space<hbm>>
      %dma_wait3A_189 = arith.constant 0 : i32
      %dma_wait3A_190 = arith.constant 0 : i32
      %dma_wait3A_191 = tpu.memref_slice %arg5[%dma_wait3A_189, %dma_wait3A_190] : memref<10240x16xf32, #tpu.memory_space<hbm>> -> memref<64x16xf32, #tpu.memory_space<hbm>>
      tpu.wait_dma2 semaphore(%arg18 : memref<!tpu.dma_semaphore, #tpu.memory_space<semaphore_mem>>) src(%dma_wait3A_191 : memref<64x16xf32, #tpu.memory_space<hbm>>) dst(%arg11 : memref<64x16xf32, #tpu.memory_space<vmem>>)
      %dma_wait3A_192 = arith.constant 0 : i32
      %dma_wait3A_193 = arith.constant 0 : i32
      %dma_wait3A_194 = tpu.memref_slice %arg4[%dma_wait3A_192, %dma_wait3A_193] : memref<336000x16xf32, #tpu.memory_space<hbm>> -> memref<64x16xf32, #tpu.memory_space<hbm>>
      %dma_wait3A_195 = arith.constant 0 : i32
      %dma_wait3A_196 = arith.constant 0 : i32
      %dma_wait3A_197 = tpu.memref_slice %arg4[%dma_wait3A_195, %dma_wait3A_196] : memref<336000x16xf32, #tpu.memory_space<hbm>> -> memref<64x16xf32, #tpu.memory_space<hbm>>
      tpu.wait_dma2 semaphore(%arg18 : memref<!tpu.dma_semaphore, #tpu.memory_space<semaphore_mem>>) src(%dma_wait3A_197 : memref<64x16xf32, #tpu.memory_space<hbm>>) dst(%arg13 : memref<64x16xf32, #tpu.memory_space<vmem>>)
      %dma_wait3A_198 = arith.constant 0 : i32
      %dma_wait3A_199 = arith.constant 0 : i32
      %dma_wait3A_200 = tpu.memref_slice %arg6[%dma_wait3A_198, %dma_wait3A_199] : memref<10240x128xf32, #tpu.memory_space<hbm>> -> memref<64x128xf32, #tpu.memory_space<hbm>>
      %dma_wait3A_201 = arith.constant 0 : i32
      %dma_wait3A_202 = arith.constant 0 : i32
      %dma_wait3A_203 = tpu.memref_slice %arg6[%dma_wait3A_201, %dma_wait3A_202] : memref<10240x128xf32, #tpu.memory_space<hbm>> -> memref<64x128xf32, #tpu.memory_space<hbm>>
      tpu.wait_dma2 semaphore(%arg18 : memref<!tpu.dma_semaphore, #tpu.memory_space<semaphore_mem>>) src(%dma_wait3A_203 : memref<64x128xf32, #tpu.memory_space<hbm>>) dst(%arg15 : memref<64x128xf32, #tpu.memory_space<vmem>>)
      %scan3A_204 = arith.constant 0 : i32
      %scan3A_205 = arith.constant 64 : i32
      %scan3A_206 = arith.addi %scan3A_204, %scan3A_205 : i32
      %scan3A_207 = arith.constant 1 : i32
      scf.for %scan3A_230 = %scan3A_204 to %scan3A_206 step %scan3A_207  : i32 {
        %mul3A_231 = arith.constant 1 : i32
        %mul3A_232 = arith.muli %scan3A_230, %mul3A_231 : i32
        %add3A_233 = arith.constant 0 : i32
        %add3A_234 = arith.addi %add3A_233, %mul3A_232 : i32
        %get3A = arith.index_cast %add3A_234 : i32 to index
        %get3A_235 = arith.constant 0 : index
        %get3A_236 = tpu.vector_load %arg11[%get3A, %get3A_235] {strides = array<i32>} : memref<64x16xf32, #tpu.memory_space<vmem>>, vector<1x16xf32>,
        %get3A_237 = vector.shape_cast %get3A_236 : vector<1x16xf32> to vector<16xf32>
        %get3A_238 = arith.index_cast %add3A_234 : i32 to index
        %get3A_239 = arith.constant 0 : index
        %get3A_240 = tpu.vector_load %arg13[%get3A_238, %get3A_239] {strides = array<i32>} : memref<64x16xf32, #tpu.memory_space<vmem>>, vector<1x16xf32>,
        %get3A_241 = vector.shape_cast %get3A_240 : vector<1x16xf32> to vector<16xf32>
        %mul3A_242 = arith.mulf %get3A_237, %get3A_241 : vector<16xf32>
        %lt3A = arith.constant 0 : i32
        %lt3A_243 = vector.broadcast %lt3A : i32 to vector<16xi32>
        %lt3A_244 = arith.cmpi slt, %broadcast_in_dim3A_64, %lt3A_243 : vector<16xi32>
        %add3A_245 = arith.constant 16 : i32
        %add3A_246 = vector.broadcast %add3A_245 : i32 to vector<16xi32>
        %add3A_247 = arith.addi %broadcast_in_dim3A_64, %add3A_246 : vector<16xi32>
        %select_n3A_248 = arith.select %lt3A_244, %add3A_247, %broadcast_in_dim3A_64 : vector<16xi1>, vector<16xi32>
        %broadcast_in_dim3A_249 = vector.shape_cast %select_n3A_248 : vector<16xi32> to vector<16x1xi32>
        %gather3A = vector.shape_cast %broadcast_in_dim3A_249 : vector<16x1xi32> to vector<16xi32>
        %gather3A_250 = tpu.dynamic_gather %mul3A_242[%gather3A] in [0] : vector<16xf32>, vector<16xi32> -> vector<16xf32>
        %get3A_251 = arith.index_cast %add3A_234 : i32 to index
        %get3A_252 = arith.constant 0 : index
        %get3A_253 = tpu.vector_load %arg15[%get3A_251, %get3A_252] {strides = array<i32>} : memref<64x128xf32, #tpu.memory_space<vmem>>, vector<1x16xf32>,
        %get3A_254 = vector.shape_cast %get3A_253 : vector<1x16xf32> to vector<16xf32>
        %mul3A_255 = arith.mulf %get3A_254, %gather3A_250 : vector<16xf32>
        %swap3A = arith.index_cast %add3A_234 : i32 to index
        %swap3A_256 = arith.constant 0 : index
        %swap3A_257 = tpu.vector_load %arg15[%swap3A, %swap3A_256] {strides = array<i32>} : memref<64x128xf32, #tpu.memory_space<vmem>>, vector<1x16xf32>,
        %swap3A_258 = vector.shape_cast %swap3A_257 : vector<1x16xf32> to vector<16xf32>
        %swap3A_259 = vector.shape_cast %mul3A_255 : vector<16xf32> to vector<1x16xf32>
        tpu.vector_store %arg15[%swap3A, %swap3A_256], %swap3A_259 {strides = array<i32>} : memref<64x128xf32, #tpu.memory_space<vmem>>, vector<1x16xf32>,
        %lt3A_260 = arith.constant 0 : i32
        %lt3A_261 = vector.broadcast %lt3A_260 : i32 to vector<16xi32>
        %lt3A_262 = arith.cmpi slt, %broadcast_in_dim3A_66, %lt3A_261 : vector<16xi32>
        %add3A_263 = arith.constant 16 : i32
        %add3A_264 = vector.broadcast %add3A_263 : i32 to vector<16xi32>
        %add3A_265 = arith.addi %broadcast_in_dim3A_66, %add3A_264 : vector<16xi32>
        %select_n3A_266 = arith.select %lt3A_262, %add3A_265, %broadcast_in_dim3A_66 : vector<16xi1>, vector<16xi32>
        %broadcast_in_dim3A_267 = vector.shape_cast %select_n3A_266 : vector<16xi32> to vector<16x1xi32>
        %gather3A_268 = vector.shape_cast %broadcast_in_dim3A_267 : vector<16x1xi32> to vector<16xi32>
        %gather3A_269 = tpu.dynamic_gather %mul3A_242[%gather3A_268] in [0] : vector<16xf32>, vector<16xi32> -> vector<16xf32>
        %get3A_270 = arith.index_cast %add3A_234 : i32 to index
        %get3A_271 = arith.constant 16 : index
        %get3A_272 = tpu.vector_load %arg15[%get3A_270, %get3A_271] {strides = array<i32>} : memref<64x128xf32, #tpu.memory_space<vmem>>, vector<1x16xf32>,
        %get3A_273 = vector.shape_cast %get3A_272 : vector<1x16xf32> to vector<16xf32>
        %mul3A_274 = arith.mulf %get3A_273, %gather3A_269 : vector<16xf32>
        %swap3A_275 = arith.index_cast %add3A_234 : i32 to index
        %swap3A_276 = arith.constant 16 : index
        %swap3A_277 = tpu.vector_load %arg15[%swap3A_275, %swap3A_276] {strides = array<i32>} : memref<64x128xf32, #tpu.memory_space<vmem>>, vector<1x16xf32>,
        %swap3A_278 = vector.shape_cast %swap3A_277 : vector<1x16xf32> to vector<16xf32>
        %swap3A_279 = vector.shape_cast %mul3A_274 : vector<16xf32> to vector<1x16xf32>
        tpu.vector_store %arg15[%swap3A_275, %swap3A_276], %swap3A_279 {strides = array<i32>} : memref<64x128xf32, #tpu.memory_space<vmem>>, vector<1x16xf32>,
        %lt3A_280 = arith.constant 0 : i32
        %lt3A_281 = vector.broadcast %lt3A_280 : i32 to vector<16xi32>
        %lt3A_282 = arith.cmpi slt, %broadcast_in_dim3A_68, %lt3A_281 : vector<16xi32>
        %add3A_283 = arith.constant 16 : i32
        %add3A_284 = vector.broadcast %add3A_283 : i32 to vector<16xi32>
        %add3A_285 = arith.addi %broadcast_in_dim3A_68, %add3A_284 : vector<16xi32>
        %select_n3A_286 = arith.select %lt3A_282, %add3A_285, %broadcast_in_dim3A_68 : vector<16xi1>, vector<16xi32>
        %broadcast_in_dim3A_287 = vector.shape_cast %select_n3A_286 : vector<16xi32> to vector<16x1xi32>
        %gather3A_288 = vector.shape_cast %broadcast_in_dim3A_287 : vector<16x1xi32> to vector<16xi32>
        %gather3A_289 = tpu.dynamic_gather %mul3A_242[%gather3A_288] in [0] : vector<16xf32>, vector<16xi32> -> vector<16xf32>
        %get3A_290 = arith.index_cast %add3A_234 : i32 to index
        %get3A_291 = arith.constant 32 : index
        %get3A_292 = tpu.vector_load %arg15[%get3A_290, %get3A_291] {strides = array<i32>} : memref<64x128xf32, #tpu.memory_space<vmem>>, vector<1x16xf32>,
        %get3A_293 = vector.shape_cast %get3A_292 : vector<1x16xf32> to vector<16xf32>
        %mul3A_294 = arith.mulf %get3A_293, %gather3A_289 : vector<16xf32>
        %swap3A_295 = arith.index_cast %add3A_234 : i32 to index
        %swap3A_296 = arith.constant 32 : index
        %swap3A_297 = tpu.vector_load %arg15[%swap3A_295, %swap3A_296] {strides = array<i32>} : memref<64x128xf32, #tpu.memory_space<vmem>>, vector<1x16xf32>,
        %swap3A_298 = vector.shape_cast %swap3A_297 : vector<1x16xf32> to vector<16xf32>
        %swap3A_299 = vector.shape_cast %mul3A_294 : vector<16xf32> to vector<1x16xf32>
        tpu.vector_store %arg15[%swap3A_295, %swap3A_296], %swap3A_299 {strides = array<i32>} : memref<64x128xf32, #tpu.memory_space<vmem>>, vector<1x16xf32>,
        %lt3A_300 = arith.constant 0 : i32
        %lt3A_301 = vector.broadcast %lt3A_300 : i32 to vector<16xi32>
        %lt3A_302 = arith.cmpi slt, %broadcast_in_dim3A_70, %lt3A_301 : vector<16xi32>
        %add3A_303 = arith.constant 16 : i32
        %add3A_304 = vector.broadcast %add3A_303 : i32 to vector<16xi32>
        %add3A_305 = arith.addi %broadcast_in_dim3A_70, %add3A_304 : vector<16xi32>
        %select_n3A_306 = arith.select %lt3A_302, %add3A_305, %broadcast_in_dim3A_70 : vector<16xi1>, vector<16xi32>
        %broadcast_in_dim3A_307 = vector.shape_cast %select_n3A_306 : vector<16xi32> to vector<16x1xi32>
        %gather3A_308 = vector.shape_cast %broadcast_in_dim3A_307 : vector<16x1xi32> to vector<16xi32>
        %gather3A_309 = tpu.dynamic_gather %mul3A_242[%gather3A_308] in [0] : vector<16xf32>, vector<16xi32> -> vector<16xf32>
        %get3A_310 = arith.index_cast %add3A_234 : i32 to index
        %get3A_311 = arith.constant 48 : index
        %get3A_312 = tpu.vector_load %arg15[%get3A_310, %get3A_311] {strides = array<i32>} : memref<64x128xf32, #tpu.memory_space<vmem>>, vector<1x16xf32>,
        %get3A_313 = vector.shape_cast %get3A_312 : vector<1x16xf32> to vector<16xf32>
        %mul3A_314 = arith.mulf %get3A_313, %gather3A_309 : vector<16xf32>
        %swap3A_315 = arith.index_cast %add3A_234 : i32 to index
        %swap3A_316 = arith.constant 48 : index
        %swap3A_317 = tpu.vector_load %arg15[%swap3A_315, %swap3A_316] {strides = array<i32>} : memref<64x128xf32, #tpu.memory_space<vmem>>, vector<1x16xf32>,
        %swap3A_318 = vector.shape_cast %swap3A_317 : vector<1x16xf32> to vector<16xf32>
        %swap3A_319 = vector.shape_cast %mul3A_314 : vector<16xf32> to vector<1x16xf32>
        tpu.vector_store %arg15[%swap3A_315, %swap3A_316], %swap3A_319 {strides = array<i32>} : memref<64x128xf32, #tpu.memory_space<vmem>>, vector<1x16xf32>,
        %lt3A_320 = arith.constant 0 : i32
        %lt3A_321 = vector.broadcast %lt3A_320 : i32 to vector<16xi32>
        %lt3A_322 = arith.cmpi slt, %broadcast_in_dim3A_72, %lt3A_321 : vector<16xi32>
        %add3A_323 = arith.constant 16 : i32
        %add3A_324 = vector.broadcast %add3A_323 : i32 to vector<16xi32>
        %add3A_325 = arith.addi %broadcast_in_dim3A_72, %add3A_324 : vector<16xi32>
        %select_n3A_326 = arith.select %lt3A_322, %add3A_325, %broadcast_in_dim3A_72 : vector<16xi1>, vector<16xi32>
        %broadcast_in_dim3A_327 = vector.shape_cast %select_n3A_326 : vector<16xi32> to vector<16x1xi32>
        %gather3A_328 = vector.shape_cast %broadcast_in_dim3A_327 : vector<16x1xi32> to vector<16xi32>
        %gather3A_329 = tpu.dynamic_gather %mul3A_242[%gather3A_328] in [0] : vector<16xf32>, vector<16xi32> -> vector<16xf32>
        %get3A_330 = arith.index_cast %add3A_234 : i32 to index
        %get3A_331 = arith.constant 64 : index
        %get3A_332 = tpu.vector_load %arg15[%get3A_330, %get3A_331] {strides = array<i32>} : memref<64x128xf32, #tpu.memory_space<vmem>>, vector<1x16xf32>,
        %get3A_333 = vector.shape_cast %get3A_332 : vector<1x16xf32> to vector<16xf32>
        %mul3A_334 = arith.mulf %get3A_333, %gather3A_329 : vector<16xf32>
        %swap3A_335 = arith.index_cast %add3A_234 : i32 to index
        %swap3A_336 = arith.constant 64 : index
        %swap3A_337 = tpu.vector_load %arg15[%swap3A_335, %swap3A_336] {strides = array<i32>} : memref<64x128xf32, #tpu.memory_space<vmem>>, vector<1x16xf32>,
        %swap3A_338 = vector.shape_cast %swap3A_337 : vector<1x16xf32> to vector<16xf32>
        %swap3A_339 = vector.shape_cast %mul3A_334 : vector<16xf32> to vector<1x16xf32>
        tpu.vector_store %arg15[%swap3A_335, %swap3A_336], %swap3A_339 {strides = array<i32>} : memref<64x128xf32, #tpu.memory_space<vmem>>, vector<1x16xf32>,
        %lt3A_340 = arith.constant 0 : i32
        %lt3A_341 = vector.broadcast %lt3A_340 : i32 to vector<16xi32>
        %lt3A_342 = arith.cmpi slt, %broadcast_in_dim3A_74, %lt3A_341 : vector<16xi32>
        %add3A_343 = arith.constant 16 : i32
        %add3A_344 = vector.broadcast %add3A_343 : i32 to vector<16xi32>
        %add3A_345 = arith.addi %broadcast_in_dim3A_74, %add3A_344 : vector<16xi32>
        %select_n3A_346 = arith.select %lt3A_342, %add3A_345, %broadcast_in_dim3A_74 : vector<16xi1>, vector<16xi32>
        %broadcast_in_dim3A_347 = vector.shape_cast %select_n3A_346 : vector<16xi32> to vector<16x1xi32>
        %gather3A_348 = vector.shape_cast %broadcast_in_dim3A_347 : vector<16x1xi32> to vector<16xi32>
        %gather3A_349 = tpu.dynamic_gather %mul3A_242[%gather3A_348] in [0] : vector<16xf32>, vector<16xi32> -> vector<16xf32>
        %get3A_350 = arith.index_cast %add3A_234 : i32 to index
        %get3A_351 = arith.constant 80 : index
        %get3A_352 = tpu.vector_load %arg15[%get3A_350, %get3A_351] {strides = array<i32>} : memref<64x128xf32, #tpu.memory_space<vmem>>, vector<1x16xf32>,
        %get3A_353 = vector.shape_cast %get3A_352 : vector<1x16xf32> to vector<16xf32>
        %mul3A_354 = arith.mulf %get3A_353, %gather3A_349 : vector<16xf32>
        %swap3A_355 = arith.index_cast %add3A_234 : i32 to index
        %swap3A_356 = arith.constant 80 : index
        %swap3A_357 = tpu.vector_load %arg15[%swap3A_355, %swap3A_356] {strides = array<i32>} : memref<64x128xf32, #tpu.memory_space<vmem>>, vector<1x16xf32>,
        %swap3A_358 = vector.shape_cast %swap3A_357 : vector<1x16xf32> to vector<16xf32>
        %swap3A_359 = vector.shape_cast %mul3A_354 : vector<16xf32> to vector<1x16xf32>
        tpu.vector_store %arg15[%swap3A_355, %swap3A_356], %swap3A_359 {strides = array<i32>} : memref<64x128xf32, #tpu.memory_space<vmem>>, vector<1x16xf32>,
        %lt3A_360 = arith.constant 0 : i32
        %lt3A_361 = vector.broadcast %lt3A_360 : i32 to vector<16xi32>
        %lt3A_362 = arith.cmpi slt, %broadcast_in_dim3A_76, %lt3A_361 : vector<16xi32>
        %add3A_363 = arith.constant 16 : i32
        %add3A_364 = vector.broadcast %add3A_363 : i32 to vector<16xi32>
        %add3A_365 = arith.addi %broadcast_in_dim3A_76, %add3A_364 : vector<16xi32>
        %select_n3A_366 = arith.select %lt3A_362, %add3A_365, %broadcast_in_dim3A_76 : vector<16xi1>, vector<16xi32>
        %broadcast_in_dim3A_367 = vector.shape_cast %select_n3A_366 : vector<16xi32> to vector<16x1xi32>
        %gather3A_368 = vector.shape_cast %broadcast_in_dim3A_367 : vector<16x1xi32> to vector<16xi32>
        %gather3A_369 = tpu.dynamic_gather %mul3A_242[%gather3A_368] in [0] : vector<16xf32>, vector<16xi32> -> vector<16xf32>
        %get3A_370 = arith.index_cast %add3A_234 : i32 to index
        %get3A_371 = arith.constant 96 : index
        %get3A_372 = tpu.vector_load %arg15[%get3A_370, %get3A_371] {strides = array<i32>} : memref<64x128xf32, #tpu.memory_space<vmem>>, vector<1x16xf32>,
        %get3A_373 = vector.shape_cast %get3A_372 : vector<1x16xf32> to vector<16xf32>
        %mul3A_374 = arith.mulf %get3A_373, %gather3A_369 : vector<16xf32>
        %swap3A_375 = arith.index_cast %add3A_234 : i32 to index
        %swap3A_376 = arith.constant 96 : index
        %swap3A_377 = tpu.vector_load %arg15[%swap3A_375, %swap3A_376] {strides = array<i32>} : memref<64x128xf32, #tpu.memory_space<vmem>>, vector<1x16xf32>,
        %swap3A_378 = vector.shape_cast %swap3A_377 : vector<1x16xf32> to vector<16xf32>
        %swap3A_379 = vector.shape_cast %mul3A_374 : vector<16xf32> to vector<1x16xf32>
        tpu.vector_store %arg15[%swap3A_375, %swap3A_376], %swap3A_379 {strides = array<i32>} : memref<64x128xf32, #tpu.memory_space<vmem>>, vector<1x16xf32>,
        %lt3A_380 = arith.constant 0 : i32
        %lt3A_381 = vector.broadcast %lt3A_380 : i32 to vector<16xi32>
        %lt3A_382 = arith.cmpi slt, %broadcast_in_dim3A_78, %lt3A_381 : vector<16xi32>
        %add3A_383 = arith.constant 16 : i32
        %add3A_384 = vector.broadcast %add3A_383 : i32 to vector<16xi32>
        %add3A_385 = arith.addi %broadcast_in_dim3A_78, %add3A_384 : vector<16xi32>
        %select_n3A_386 = arith.select %lt3A_382, %add3A_385, %broadcast_in_dim3A_78 : vector<16xi1>, vector<16xi32>
        %broadcast_in_dim3A_387 = vector.shape_cast %select_n3A_386 : vector<16xi32> to vector<16x1xi32>
        %gather3A_388 = vector.shape_cast %broadcast_in_dim3A_387 : vector<16x1xi32> to vector<16xi32>
        %gather3A_389 = tpu.dynamic_gather %mul3A_242[%gather3A_388] in [0] : vector<16xf32>, vector<16xi32> -> vector<16xf32>
        %get3A_390 = arith.index_cast %add3A_234 : i32 to index
        %get3A_391 = arith.constant 112 : index
        %get3A_392 = tpu.vector_load %arg15[%get3A_390, %get3A_391] {strides = array<i32>} : memref<64x128xf32, #tpu.memory_space<vmem>>, vector<1x16xf32>,
        %get3A_393 = vector.shape_cast %get3A_392 : vector<1x16xf32> to vector<16xf32>
        %mul3A_394 = arith.mulf %get3A_393, %gather3A_389 : vector<16xf32>
        %swap3A_395 = arith.index_cast %add3A_234 : i32 to index
        %swap3A_396 = arith.constant 112 : index
        %swap3A_397 = tpu.vector_load %arg15[%swap3A_395, %swap3A_396] {strides = array<i32>} : memref<64x128xf32, #tpu.memory_space<vmem>>, vector<1x16xf32>,
        %swap3A_398 = vector.shape_cast %swap3A_397 : vector<1x16xf32> to vector<16xf32>
        %swap3A_399 = vector.shape_cast %mul3A_394 : vector<16xf32> to vector<1x16xf32>
        tpu.vector_store %arg15[%swap3A_395, %swap3A_396], %swap3A_399 {strides = array<i32>} : memref<64x128xf32, #tpu.memory_space<vmem>>, vector<1x16xf32>,
      }
      %scan3A_208 = arith.constant 64 : i32
      "tpu.region"() ({
        %run_scoped3A = tpu.sem_alloc : memref<!tpu.dma_semaphore, #tpu.memory_space<semaphore_mem>>
        %dma_start3A_230 = arith.constant 0 : i32
        %dma_start3A_231 = tpu.memref_slice %arg9[%add3A_185, %dma_start3A_230] : memref<184x64xi32, #tpu.memory_space<vmem>> -> memref<1x64xi32, #tpu.memory_space<vmem>>
        %dma_start3A_232 = tpu.memref_squeeze %dma_start3A_231 : memref<1x64xi32, #tpu.memory_space<vmem>> -> memref<64xi32, #tpu.memory_space<vmem>>
        %dma_start3A_233 = arith.constant 0 : i32
        %dma_start3A_234 = arith.constant 0 : i32
        %dma_start3A_235 = tpu.memref_slice %arg16[%dma_start3A_233, %dma_start3A_234] : memref<10240x128xf32, #tpu.memory_space<vmem_shared>> -> memref<10240x128xf32, #tpu.memory_space<vmem_shared>>
        tpu.enqueue_indirect_dma source(%arg15 : memref<64x128xf32, #tpu.memory_space<vmem>>) target(%dma_start3A_235 : memref<10240x128xf32, #tpu.memory_space<vmem_shared>>) offsets(%dma_start3A_232 : memref<64xi32, #tpu.memory_space<vmem>>) semaphore(%run_scoped3A : memref<!tpu.dma_semaphore, #tpu.memory_space<semaphore_mem>>) {add = true}
        %dma_wait3A_236 = arith.constant 0 : i32
        %dma_wait3A_237 = tpu.memref_slice %arg9[%add3A_185, %dma_wait3A_236] : memref<184x64xi32, #tpu.memory_space<vmem>> -> memref<1x64xi32, #tpu.memory_space<vmem>>
        %dma_wait3A_238 = tpu.memref_squeeze %dma_wait3A_237 : memref<1x64xi32, #tpu.memory_space<vmem>> -> memref<64xi32, #tpu.memory_space<vmem>>
        %dma_wait3A_239 = arith.constant 0 : i32
        %dma_wait3A_240 = arith.constant 0 : i32
        %dma_wait3A_241 = tpu.memref_slice %arg16[%dma_wait3A_239, %dma_wait3A_240] : memref<10240x128xf32, #tpu.memory_space<vmem_shared>> -> memref<10240x128xf32, #tpu.memory_space<vmem_shared>>
        tpu.wait_indirect_dma semaphore(%run_scoped3A : memref<!tpu.dma_semaphore, #tpu.memory_space<semaphore_mem>>) src(%arg15 : memref<64x128xf32, #tpu.memory_space<vmem>>) dst(%dma_wait3A_241 : memref<10240x128xf32, #tpu.memory_space<vmem_shared>>)
        tpu.yield
      }) : () -> ()
      %add3A_209 = arith.constant 2 : i32
      %add3A_210 = arith.addi %add3A_185, %add3A_209 : i32
      %add3A_211 = arith.addi %select_n3A_11, %add3A_210 : i32
      %mul3A_212 = arith.constant 64 : i32
      %mul3A_213 = arith.muli %add3A_211, %mul3A_212 : i32
      %dma_start3A_214 = arith.constant 0 : i32
      %dma_start3A_215 = tpu.memref_slice %arg9[%add3A_210, %dma_start3A_214] : memref<184x64xi32, #tpu.memory_space<vmem>> -> memref<1x64xi32, #tpu.memory_space<vmem>>
      %dma_start3A_216 = tpu.memref_squeeze %dma_start3A_215 : memref<1x64xi32, #tpu.memory_space<vmem>> -> memref<64xi32, #tpu.memory_space<vmem>>
      %dma_start3A_217 = arith.constant 0 : i32
      %dma_start3A_218 = arith.constant 0 : i32
      %dma_start3A_219 = tpu.memref_slice %arg5[%dma_start3A_217, %dma_start3A_218] : memref<10240x16xf32, #tpu.memory_space<hbm>> -> memref<10240x16xf32, #tpu.memory_space<hbm>>
      tpu.enqueue_indirect_dma source(%dma_start3A_219 : memref<10240x16xf32, #tpu.memory_space<hbm>>) target(%arg11 : memref<64x16xf32, #tpu.memory_space<vmem>>) offsets(%dma_start3A_216 : memref<64xi32, #tpu.memory_space<vmem>>) semaphore(%arg18 : memref<!tpu.dma_semaphore, #tpu.memory_space<semaphore_mem>>)
      %dma_start3A_220 = arith.constant 0 : i32
      %dma_start3A_221 = tpu.memref_slice %arg4[%mul3A_213, %dma_start3A_220] : memref<336000x16xf32, #tpu.memory_space<hbm>> -> memref<64x16xf32, #tpu.memory_space<hbm>>
      %dma_start3A_222 = arith.constant 0 : i32
      %dma_start3A_223 = tpu.memref_slice %arg4[%mul3A_213, %dma_start3A_222] : memref<336000x16xf32, #tpu.memory_space<hbm>> -> memref<64x16xf32, #tpu.memory_space<hbm>>
      tpu.enqueue_dma source(%dma_start3A_223 : memref<64x16xf32, #tpu.memory_space<hbm>>) target(%arg13 : memref<64x16xf32, #tpu.memory_space<vmem>>) target_semaphore(%arg18 : memref<!tpu.dma_semaphore, #tpu.memory_space<semaphore_mem>>)
      %dma_start3A_224 = arith.constant 0 : i32
      %dma_start3A_225 = tpu.memref_slice %arg8[%add3A_210, %dma_start3A_224] : memref<184x64xi32, #tpu.memory_space<vmem>> -> memref<1x64xi32, #tpu.memory_space<vmem>>
      %dma_start3A_226 = tpu.memref_squeeze %dma_start3A_225 : memref<1x64xi32, #tpu.memory_space<vmem>> -> memref<64xi32, #tpu.memory_space<vmem>>
      %dma_start3A_227 = arith.constant 0 : i32
      %dma_start3A_228 = arith.constant 0 : i32
      %dma_start3A_229 = tpu.memref_slice %arg6[%dma_start3A_227, %dma_start3A_228] : memref<10240x128xf32, #tpu.memory_space<hbm>> -> memref<10240x128xf32, #tpu.memory_space<hbm>>
      tpu.enqueue_indirect_dma source(%dma_start3A_229 : memref<10240x128xf32, #tpu.memory_space<hbm>>) target(%arg15 : memref<64x128xf32, #tpu.memory_space<vmem>>) offsets(%dma_start3A_226 : memref<64xi32, #tpu.memory_space<vmem>>) semaphore(%arg18 : memref<!tpu.dma_semaphore, #tpu.memory_space<semaphore_mem>>)
    }
    %dma_wait3A = arith.constant 0 : i32
    %dma_wait3A_95 = arith.constant 0 : i32
    %dma_wait3A_96 = tpu.memref_slice %arg5[%dma_wait3A, %dma_wait3A_95] : memref<10240x16xf32, #tpu.memory_space<hbm>> -> memref<64x16xf32, #tpu.memory_space<hbm>>
    %dma_wait3A_97 = arith.constant 0 : i32
    %dma_wait3A_98 = arith.constant 0 : i32
    %dma_wait3A_99 = tpu.memref_slice %arg5[%dma_wait3A_97, %dma_wait3A_98] : memref<10240x16xf32, #tpu.memory_space<hbm>> -> memref<64x16xf32, #tpu.memory_space<hbm>>
    tpu.wait_dma2 semaphore(%arg17 : memref<!tpu.dma_semaphore, #tpu.memory_space<semaphore_mem>>) src(%dma_wait3A_99 : memref<64x16xf32, #tpu.memory_space<hbm>>) dst(%arg10 : memref<64x16xf32, #tpu.memory_space<vmem>>)
    %dma_wait3A_100 = arith.constant 0 : i32
    %dma_wait3A_101 = arith.constant 0 : i32
    %dma_wait3A_102 = tpu.memref_slice %arg4[%dma_wait3A_100, %dma_wait3A_101] : memref<336000x16xf32, #tpu.memory_space<hbm>> -> memref<64x16xf32, #tpu.memory_space<hbm>>
    %dma_wait3A_103 = arith.constant 0 : i32
    %dma_wait3A_104 = arith.constant 0 : i32
    %dma_wait3A_105 = tpu.memref_slice %arg4[%dma_wait3A_103, %dma_wait3A_104] : memref<336000x16xf32, #tpu.memory_space<hbm>> -> memref<64x16xf32, #tpu.memory_space<hbm>>
    tpu.wait_dma2 semaphore(%arg17 : memref<!tpu.dma_semaphore, #tpu.memory_space<semaphore_mem>>) src(%dma_wait3A_105 : memref<64x16xf32, #tpu.memory_space<hbm>>) dst(%arg12 : memref<64x16xf32, #tpu.memory_space<vmem>>)
    %dma_wait3A_106 = arith.constant 0 : i32
    %dma_wait3A_107 = arith.constant 0 : i32
    %dma_wait3A_108 = tpu.memref_slice %arg6[%dma_wait3A_106, %dma_wait3A_107] : memref<10240x128xf32, #tpu.memory_space<hbm>> -> memref<64x128xf32, #tpu.memory_space<hbm>>
    %dma_wait3A_109 = arith.constant 0 : i32
    %dma_wait3A_110 = arith.constant 0 : i32
    %dma_wait3A_111 = tpu.memref_slice %arg6[%dma_wait3A_109, %dma_wait3A_110] : memref<10240x128xf32, #tpu.memory_space<hbm>> -> memref<64x128xf32, #tpu.memory_space<hbm>>
    tpu.wait_dma2 semaphore(%arg17 : memref<!tpu.dma_semaphore, #tpu.memory_space<semaphore_mem>>) src(%dma_wait3A_111 : memref<64x128xf32, #tpu.memory_space<hbm>>) dst(%arg14 : memref<64x128xf32, #tpu.memory_space<vmem>>)
    %dma_wait3A_112 = arith.constant 0 : i32
    %dma_wait3A_113 = arith.constant 0 : i32
    %dma_wait3A_114 = tpu.memref_slice %arg5[%dma_wait3A_112, %dma_wait3A_113] : memref<10240x16xf32, #tpu.memory_space<hbm>> -> memref<64x16xf32, #tpu.memory_space<hbm>>
    %dma_wait3A_115 = arith.constant 0 : i32
    %dma_wait3A_116 = arith.constant 0 : i32
    %dma_wait3A_117 = tpu.memref_slice %arg5[%dma_wait3A_115, %dma_wait3A_116] : memref<10240x16xf32, #tpu.memory_space<hbm>> -> memref<64x16xf32, #tpu.memory_space<hbm>>
    tpu.wait_dma2 semaphore(%arg18 : memref<!tpu.dma_semaphore, #tpu.memory_space<semaphore_mem>>) src(%dma_wait3A_117 : memref<64x16xf32, #tpu.memory_space<hbm>>) dst(%arg11 : memref<64x16xf32, #tpu.memory_space<vmem>>)
    %dma_wait3A_118 = arith.constant 0 : i32
    %dma_wait3A_119 = arith.constant 0 : i32
    %dma_wait3A_120 = tpu.memref_slice %arg4[%dma_wait3A_118, %dma_wait3A_119] : memref<336000x16xf32, #tpu.memory_space<hbm>> -> memref<64x16xf32, #tpu.memory_space<hbm>>
    %dma_wait3A_121 = arith.constant 0 : i32
    %dma_wait3A_122 = arith.constant 0 : i32
    %dma_wait3A_123 = tpu.memref_slice %arg4[%dma_wait3A_121, %dma_wait3A_122] : memref<336000x16xf32, #tpu.memory_space<hbm>> -> memref<64x16xf32, #tpu.memory_space<hbm>>
    tpu.wait_dma2 semaphore(%arg18 : memref<!tpu.dma_semaphore, #tpu.memory_space<semaphore_mem>>) src(%dma_wait3A_123 : memref<64x16xf32, #tpu.memory_space<hbm>>) dst(%arg13 : memref<64x16xf32, #tpu.memory_space<vmem>>)
    %dma_wait3A_124 = arith.constant 0 : i32
    %dma_wait3A_125 = arith.constant 0 : i32
    %dma_wait3A_126 = tpu.memref_slice %arg6[%dma_wait3A_124, %dma_wait3A_125] : memref<10240x128xf32, #tpu.memory_space<hbm>> -> memref<64x128xf32, #tpu.memory_space<hbm>>
    %dma_wait3A_127 = arith.constant 0 : i32
    %dma_wait3A_128 = arith.constant 0 : i32
    %dma_wait3A_129 = tpu.memref_slice %arg6[%dma_wait3A_127, %dma_wait3A_128] : memref<10240x128xf32, #tpu.memory_space<hbm>> -> memref<64x128xf32, #tpu.memory_space<hbm>>
    tpu.wait_dma2 semaphore(%arg18 : memref<!tpu.dma_semaphore, #tpu.memory_space<semaphore_mem>>) src(%dma_wait3A_129 : memref<64x128xf32, #tpu.memory_space<hbm>>) dst(%arg15 : memref<64x128xf32, #tpu.memory_space<vmem>>)
    %barrier3A_130 = arith.constant 0 : index
    tpu.barrier barrier_id(%barrier3A_130)
    %mul3A_131 = arith.constant 640 : i32
    %mul3A_132 = arith.muli %arg1, %mul3A_131 : i32
    %mul3A_133 = arith.constant 640 : i32
    %mul3A_134 = arith.muli %arg1, %mul3A_133 : i32
    "tpu.region"() ({
      %run_scoped3A = tpu.sem_alloc : memref<!tpu.dma_semaphore, #tpu.memory_space<semaphore_mem>>
      %dma_start3A_135 = arith.constant 0 : i32
      %dma_start3A_136 = tpu.memref_slice %arg7[%arg0, %mul3A_134, %dma_start3A_135] : memref<2x10240x128xf32, #tpu.memory_space<hbm>> -> memref<1x640x128xf32, #tpu.memory_space<hbm>>
      %dma_start3A_137 = tpu.memref_squeeze %dma_start3A_136 : memref<1x640x128xf32, #tpu.memory_space<hbm>> -> memref<640x128xf32, #tpu.memory_space<hbm>>
      %dma_start3A_138 = arith.constant 0 : i32
      %dma_start3A_139 = tpu.memref_slice %arg16[%mul3A_132, %dma_start3A_138] : memref<10240x128xf32, #tpu.memory_space<vmem_shared>> -> memref<640x128xf32, #tpu.memory_space<vmem_shared>>
      tpu.enqueue_dma source(%dma_start3A_139 : memref<640x128xf32, #tpu.memory_space<vmem_shared>>) target(%dma_start3A_137 : memref<640x128xf32, #tpu.memory_space<hbm>>) target_semaphore(%run_scoped3A : memref<!tpu.dma_semaphore, #tpu.memory_space<semaphore_mem>>)
      %dma_wait3A_140 = arith.constant 0 : i32
      %dma_wait3A_141 = tpu.memref_slice %arg7[%arg0, %mul3A_134, %dma_wait3A_140] : memref<2x10240x128xf32, #tpu.memory_space<hbm>> -> memref<1x640x128xf32, #tpu.memory_space<hbm>>
      %dma_wait3A_142 = tpu.memref_squeeze %dma_wait3A_141 : memref<1x640x128xf32, #tpu.memory_space<hbm>> -> memref<640x128xf32, #tpu.memory_space<hbm>>
      %dma_wait3A_143 = arith.constant 0 : i32
      %dma_wait3A_144 = tpu.memref_slice %arg16[%mul3A_132, %dma_wait3A_143] : memref<10240x128xf32, #tpu.memory_space<vmem_shared>> -> memref<640x128xf32, #tpu.memory_space<vmem_shared>>
      tpu.wait_dma2 semaphore(%run_scoped3A : memref<!tpu.dma_semaphore, #tpu.memory_space<semaphore_mem>>) src(%dma_wait3A_144 : memref<640x128xf32, #tpu.memory_space<vmem_shared>>) dst(%dma_wait3A_142 : memref<640x128xf32, #tpu.memory_space<hbm>>)
      tpu.yield
    }) : () -> ()
    return
  }
}

#map = affine_map<(d0, d1) -> (0, 0, 0)>
#map1 = affine_map<(d0, d1) -> (0, 0)>
module attributes {stable_mosaic.version = 14 : i64} {
  func.func @_k2_body(%arg0: i32, %arg1: i32, %arg2: memref<32x84x128xi32, #tpu.memory_space<hbm>>, %arg3: memref<32x84x128xi32, #tpu.memory_space<hbm>>, %arg4: memref<10240x16xf32, #tpu.memory_space<hbm>>, %arg5: memref<10240x16xf32, #tpu.memory_space<hbm>>, %arg6: memref<8x128xf32, #tpu.memory_space<hbm>>, %arg7: memref<336000x16xf32, #tpu.memory_space<hbm>>, %arg8: memref<2x10240x16xf32, #tpu.memory_space<hbm>>, %arg9: memref<84x128xi32, #tpu.memory_space<vmem>>, %arg10: memref<84x128xi32, #tpu.memory_space<vmem>>, %arg11: memref<128x16xf32, #tpu.memory_space<vmem>>, %arg12: memref<128x16xf32, #tpu.memory_space<vmem>>, %arg13: memref<128x16xf32, #tpu.memory_space<vmem>>, %arg14: memref<128x16xf32, #tpu.memory_space<vmem>>, %arg15: memref<128x16xf32, #tpu.memory_space<vmem>>, %arg16: memref<128x16xf32, #tpu.memory_space<vmem>>, %arg17: memref<16xf32, #tpu.memory_space<vmem>>, %arg18: memref<10240x16xf32, #tpu.memory_space<vmem_shared>>, %arg19: memref<!tpu.dma_semaphore, #tpu.memory_space<semaphore_mem>>, %arg20: memref<!tpu.dma_semaphore, #tpu.memory_space<semaphore_mem>>) attributes {dimension_semantics = [#tpu.dimension_semantics<core_parallel>, #tpu.dimension_semantics<subcore_parallel>], iteration_bounds = array<i64: 2, 16>, scalar_prefetch = 0 : i64, scratch_operands = 12 : i64, tpu.core_type = #tpu.core_type<sc_vector_subcore>, window_params = [{transform_indices = #map}, {transform_indices = #map}, {transform_indices = #map1}, {transform_indices = #map1}, {transform_indices = #map1}, {transform_indices = #map1}, {transform_indices = #map}]} {
    %mul3A = arith.constant 16 : i32
    %mul3A_0 = arith.muli %arg0, %mul3A : i32
    %add3A = arith.addi %mul3A_0, %arg1 : i32
    %scan3A = arith.constant 0 : i32
    %scan3A_1 = arith.constant 128 : i32
    %scan3A_2 = arith.addi %scan3A, %scan3A_1 : i32
    %scan3A_3 = arith.constant 1 : i32
    scf.for %scan3A_72 = %scan3A to %scan3A_2 step %scan3A_3  : i32 {
      %mul3A_73 = arith.constant 1 : i32
      %mul3A_74 = arith.muli %scan3A_72, %mul3A_73 : i32
      %add3A_75 = arith.constant 0 : i32
      %add3A_76 = arith.addi %add3A_75, %mul3A_74 : i32
      %broadcast_in_dim3A = arith.constant 0.000000e+00 : f32
      %broadcast_in_dim3A_77 = vector.broadcast %broadcast_in_dim3A : f32 to vector<16xf32>
      %swap3A = arith.index_cast %add3A_76 : i32 to index
      %swap3A_78 = arith.constant 0 : index
      %swap3A_79 = tpu.vector_load %arg15[%swap3A, %swap3A_78] {strides = array<i32>} : memref<128x16xf32, #tpu.memory_space<vmem>>, vector<1x16xf32>,
      %swap3A_80 = vector.shape_cast %swap3A_79 : vector<1x16xf32> to vector<16xf32>
      %swap3A_81 = vector.shape_cast %broadcast_in_dim3A_77 : vector<16xf32> to vector<1x16xf32>
      tpu.vector_store %arg15[%swap3A, %swap3A_78], %swap3A_81 {strides = array<i32>} : memref<128x16xf32, #tpu.memory_space<vmem>>, vector<1x16xf32>,
    }
    %scan3A_4 = arith.constant 128 : i32
    %scan3A_5 = arith.constant 0 : i32
    %scan3A_6 = arith.constant 5 : i32
    %scan3A_7 = arith.addi %scan3A_5, %scan3A_6 : i32
    %scan3A_8 = arith.constant 1 : i32
    scf.for %scan3A_72 = %scan3A_5 to %scan3A_7 step %scan3A_8  : i32 {
      %mul3A_73 = arith.constant 1 : i32
      %mul3A_74 = arith.muli %scan3A_72, %mul3A_73 : i32
      %add3A_75 = arith.constant 0 : i32
      %add3A_76 = arith.addi %add3A_75, %mul3A_74 : i32
      %mul3A_77 = arith.constant 640 : i32
      %mul3A_78 = arith.muli %arg1, %mul3A_77 : i32
      %mul3A_79 = arith.constant 128 : i32
      %mul3A_80 = arith.muli %add3A_76, %mul3A_79 : i32
      %add3A_81 = arith.addi %mul3A_78, %mul3A_80 : i32
      "tpu.region"() ({
        %run_scoped3A_82 = tpu.sem_alloc : memref<!tpu.dma_semaphore, #tpu.memory_space<semaphore_mem>>
        %dma_start3A_83 = arith.constant 0 : i32
        %dma_start3A_84 = tpu.memref_slice %arg18[%add3A_81, %dma_start3A_83] : memref<10240x16xf32, #tpu.memory_space<vmem_shared>> -> memref<128x16xf32, #tpu.memory_space<vmem_shared>>
        %dma_start3A_85 = arith.constant 0 : i32
        %dma_start3A_86 = tpu.memref_slice %arg18[%add3A_81, %dma_start3A_85] : memref<10240x16xf32, #tpu.memory_space<vmem_shared>> -> memref<128x16xf32, #tpu.memory_space<vmem_shared>>
        tpu.enqueue_dma source(%arg15 : memref<128x16xf32, #tpu.memory_space<vmem>>) target(%dma_start3A_86 : memref<128x16xf32, #tpu.memory_space<vmem_shared>>) target_semaphore(%run_scoped3A_82 : memref<!tpu.dma_semaphore, #tpu.memory_space<semaphore_mem>>)
        %dma_wait3A_87 = arith.constant 0 : i32
        %dma_wait3A_88 = tpu.memref_slice %arg18[%add3A_81, %dma_wait3A_87] : memref<10240x16xf32, #tpu.memory_space<vmem_shared>> -> memref<128x16xf32, #tpu.memory_space<vmem_shared>>
        %dma_wait3A_89 = arith.constant 0 : i32
        %dma_wait3A_90 = tpu.memref_slice %arg18[%add3A_81, %dma_wait3A_89] : memref<10240x16xf32, #tpu.memory_space<vmem_shared>> -> memref<128x16xf32, #tpu.memory_space<vmem_shared>>
        tpu.wait_dma2 semaphore(%run_scoped3A_82 : memref<!tpu.dma_semaphore, #tpu.memory_space<semaphore_mem>>) src(%arg15 : memref<128x16xf32, #tpu.memory_space<vmem>>) dst(%dma_wait3A_90 : memref<128x16xf32, #tpu.memory_space<vmem_shared>>)
        tpu.yield
      }) : () -> ()
    }
    %scan3A_9 = arith.constant 5 : i32
    %run_scoped3A = arith.constant 0 : i32
    "tpu.region"() ({
      %run_scoped3A_72 = tpu.sem_alloc : memref<!tpu.dma_semaphore, #tpu.memory_space<semaphore_mem>>
      %dma_start3A_73 = arith.constant 0 : i32
      %dma_start3A_74 = tpu.memref_slice %arg6[%run_scoped3A, %dma_start3A_73] : memref<8x128xf32, #tpu.memory_space<hbm>> -> memref<1x16xf32, #tpu.memory_space<hbm>>
      %dma_start3A_75 = tpu.memref_squeeze %dma_start3A_74 : memref<1x16xf32, #tpu.memory_space<hbm>> -> memref<16xf32, #tpu.memory_space<hbm>>
      %dma_start3A_76 = arith.constant 0 : i32
      %dma_start3A_77 = tpu.memref_slice %arg6[%run_scoped3A, %dma_start3A_76] : memref<8x128xf32, #tpu.memory_space<hbm>> -> memref<1x16xf32, #tpu.memory_space<hbm>>
      %dma_start3A_78 = tpu.memref_squeeze %dma_start3A_77 : memref<1x16xf32, #tpu.memory_space<hbm>> -> memref<16xf32, #tpu.memory_space<hbm>>
      tpu.enqueue_dma source(%dma_start3A_78 : memref<16xf32, #tpu.memory_space<hbm>>) target(%arg17 : memref<16xf32, #tpu.memory_space<vmem>>) target_semaphore(%run_scoped3A_72 : memref<!tpu.dma_semaphore, #tpu.memory_space<semaphore_mem>>)
      %dma_wait3A_79 = arith.constant 0 : i32
      %dma_wait3A_80 = tpu.memref_slice %arg6[%run_scoped3A, %dma_wait3A_79] : memref<8x128xf32, #tpu.memory_space<hbm>> -> memref<1x16xf32, #tpu.memory_space<hbm>>
      %dma_wait3A_81 = tpu.memref_squeeze %dma_wait3A_80 : memref<1x16xf32, #tpu.memory_space<hbm>> -> memref<16xf32, #tpu.memory_space<hbm>>
      %dma_wait3A_82 = arith.constant 0 : i32
      %dma_wait3A_83 = tpu.memref_slice %arg6[%run_scoped3A, %dma_wait3A_82] : memref<8x128xf32, #tpu.memory_space<hbm>> -> memref<1x16xf32, #tpu.memory_space<hbm>>
      %dma_wait3A_84 = tpu.memref_squeeze %dma_wait3A_83 : memref<1x16xf32, #tpu.memory_space<hbm>> -> memref<16xf32, #tpu.memory_space<hbm>>
      tpu.wait_dma2 semaphore(%run_scoped3A_72 : memref<!tpu.dma_semaphore, #tpu.memory_space<semaphore_mem>>) src(%dma_wait3A_84 : memref<16xf32, #tpu.memory_space<hbm>>) dst(%arg17 : memref<16xf32, #tpu.memory_space<vmem>>)
      tpu.yield
    }) : () -> ()
    "tpu.region"() ({
      %run_scoped3A_72 = tpu.sem_alloc : memref<!tpu.dma_semaphore, #tpu.memory_space<semaphore_mem>>
      %dma_start3A_73 = arith.constant 0 : i32
      %dma_start3A_74 = arith.constant 0 : i32
      %dma_start3A_75 = tpu.memref_slice %arg2[%add3A, %dma_start3A_73, %dma_start3A_74] : memref<32x84x128xi32, #tpu.memory_space<hbm>> -> memref<1x84x128xi32, #tpu.memory_space<hbm>>
      %dma_start3A_76 = tpu.memref_squeeze %dma_start3A_75 : memref<1x84x128xi32, #tpu.memory_space<hbm>> -> memref<84x128xi32, #tpu.memory_space<hbm>>
      %dma_start3A_77 = arith.constant 0 : i32
      %dma_start3A_78 = arith.constant 0 : i32
      %dma_start3A_79 = tpu.memref_slice %arg2[%add3A, %dma_start3A_77, %dma_start3A_78] : memref<32x84x128xi32, #tpu.memory_space<hbm>> -> memref<1x84x128xi32, #tpu.memory_space<hbm>>
      %dma_start3A_80 = tpu.memref_squeeze %dma_start3A_79 : memref<1x84x128xi32, #tpu.memory_space<hbm>> -> memref<84x128xi32, #tpu.memory_space<hbm>>
      tpu.enqueue_dma source(%dma_start3A_80 : memref<84x128xi32, #tpu.memory_space<hbm>>) target(%arg9 : memref<84x128xi32, #tpu.memory_space<vmem>>) target_semaphore(%run_scoped3A_72 : memref<!tpu.dma_semaphore, #tpu.memory_space<semaphore_mem>>)
      %dma_wait3A_81 = arith.constant 0 : i32
      %dma_wait3A_82 = arith.constant 0 : i32
      %dma_wait3A_83 = tpu.memref_slice %arg2[%add3A, %dma_wait3A_81, %dma_wait3A_82] : memref<32x84x128xi32, #tpu.memory_space<hbm>> -> memref<1x84x128xi32, #tpu.memory_space<hbm>>
      %dma_wait3A_84 = tpu.memref_squeeze %dma_wait3A_83 : memref<1x84x128xi32, #tpu.memory_space<hbm>> -> memref<84x128xi32, #tpu.memory_space<hbm>>
      %dma_wait3A_85 = arith.constant 0 : i32
      %dma_wait3A_86 = arith.constant 0 : i32
      %dma_wait3A_87 = tpu.memref_slice %arg2[%add3A, %dma_wait3A_85, %dma_wait3A_86] : memref<32x84x128xi32, #tpu.memory_space<hbm>> -> memref<1x84x128xi32, #tpu.memory_space<hbm>>
      %dma_wait3A_88 = tpu.memref_squeeze %dma_wait3A_87 : memref<1x84x128xi32, #tpu.memory_space<hbm>> -> memref<84x128xi32, #tpu.memory_space<hbm>>
      tpu.wait_dma2 semaphore(%run_scoped3A_72 : memref<!tpu.dma_semaphore, #tpu.memory_space<semaphore_mem>>) src(%dma_wait3A_88 : memref<84x128xi32, #tpu.memory_space<hbm>>) dst(%arg9 : memref<84x128xi32, #tpu.memory_space<vmem>>)
      tpu.yield
    }) : () -> ()
    "tpu.region"() ({
      %run_scoped3A_72 = tpu.sem_alloc : memref<!tpu.dma_semaphore, #tpu.memory_space<semaphore_mem>>
      %dma_start3A_73 = arith.constant 0 : i32
      %dma_start3A_74 = arith.constant 0 : i32
      %dma_start3A_75 = tpu.memref_slice %arg3[%add3A, %dma_start3A_73, %dma_start3A_74] : memref<32x84x128xi32, #tpu.memory_space<hbm>> -> memref<1x84x128xi32, #tpu.memory_space<hbm>>
      %dma_start3A_76 = tpu.memref_squeeze %dma_start3A_75 : memref<1x84x128xi32, #tpu.memory_space<hbm>> -> memref<84x128xi32, #tpu.memory_space<hbm>>
      %dma_start3A_77 = arith.constant 0 : i32
      %dma_start3A_78 = arith.constant 0 : i32
      %dma_start3A_79 = tpu.memref_slice %arg3[%add3A, %dma_start3A_77, %dma_start3A_78] : memref<32x84x128xi32, #tpu.memory_space<hbm>> -> memref<1x84x128xi32, #tpu.memory_space<hbm>>
      %dma_start3A_80 = tpu.memref_squeeze %dma_start3A_79 : memref<1x84x128xi32, #tpu.memory_space<hbm>> -> memref<84x128xi32, #tpu.memory_space<hbm>>
      tpu.enqueue_dma source(%dma_start3A_80 : memref<84x128xi32, #tpu.memory_space<hbm>>) target(%arg10 : memref<84x128xi32, #tpu.memory_space<vmem>>) target_semaphore(%run_scoped3A_72 : memref<!tpu.dma_semaphore, #tpu.memory_space<semaphore_mem>>)
      %dma_wait3A_81 = arith.constant 0 : i32
      %dma_wait3A_82 = arith.constant 0 : i32
      %dma_wait3A_83 = tpu.memref_slice %arg3[%add3A, %dma_wait3A_81, %dma_wait3A_82] : memref<32x84x128xi32, #tpu.memory_space<hbm>> -> memref<1x84x128xi32, #tpu.memory_space<hbm>>
      %dma_wait3A_84 = tpu.memref_squeeze %dma_wait3A_83 : memref<1x84x128xi32, #tpu.memory_space<hbm>> -> memref<84x128xi32, #tpu.memory_space<hbm>>
      %dma_wait3A_85 = arith.constant 0 : i32
      %dma_wait3A_86 = arith.constant 0 : i32
      %dma_wait3A_87 = tpu.memref_slice %arg3[%add3A, %dma_wait3A_85, %dma_wait3A_86] : memref<32x84x128xi32, #tpu.memory_space<hbm>> -> memref<1x84x128xi32, #tpu.memory_space<hbm>>
      %dma_wait3A_88 = tpu.memref_squeeze %dma_wait3A_87 : memref<1x84x128xi32, #tpu.memory_space<hbm>> -> memref<84x128xi32, #tpu.memory_space<hbm>>
      tpu.wait_dma2 semaphore(%run_scoped3A_72 : memref<!tpu.dma_semaphore, #tpu.memory_space<semaphore_mem>>) src(%dma_wait3A_88 : memref<84x128xi32, #tpu.memory_space<hbm>>) dst(%arg10 : memref<84x128xi32, #tpu.memory_space<vmem>>)
      tpu.yield
    }) : () -> ()
    %barrier3A = arith.constant 0 : index
    tpu.barrier barrier_id(%barrier3A)
    %dma_start3A = arith.constant 0 : i32
    %dma_start3A_10 = arith.constant 0 : i32
    %dma_start3A_11 = tpu.memref_slice %arg9[%dma_start3A, %dma_start3A_10] : memref<84x128xi32, #tpu.memory_space<vmem>> -> memref<1x128xi32, #tpu.memory_space<vmem>>
    %dma_start3A_12 = tpu.memref_squeeze %dma_start3A_11 : memref<1x128xi32, #tpu.memory_space<vmem>> -> memref<128xi32, #tpu.memory_space<vmem>>
    %dma_start3A_13 = arith.constant 0 : i32
    %dma_start3A_14 = arith.constant 0 : i32
    %dma_start3A_15 = tpu.memref_slice %arg4[%dma_start3A_13, %dma_start3A_14] : memref<10240x16xf32, #tpu.memory_space<hbm>> -> memref<10240x16xf32, #tpu.memory_space<hbm>>
    tpu.enqueue_indirect_dma source(%dma_start3A_15 : memref<10240x16xf32, #tpu.memory_space<hbm>>) target(%arg11 : memref<128x16xf32, #tpu.memory_space<vmem>>) offsets(%dma_start3A_12 : memref<128xi32, #tpu.memory_space<vmem>>) semaphore(%arg19 : memref<!tpu.dma_semaphore, #tpu.memory_space<semaphore_mem>>)
    %dma_start3A_16 = arith.constant 0 : i32
    %dma_start3A_17 = arith.constant 0 : i32
    %dma_start3A_18 = tpu.memref_slice %arg10[%dma_start3A_16, %dma_start3A_17] : memref<84x128xi32, #tpu.memory_space<vmem>> -> memref<1x128xi32, #tpu.memory_space<vmem>>
    %dma_start3A_19 = tpu.memref_squeeze %dma_start3A_18 : memref<1x128xi32, #tpu.memory_space<vmem>> -> memref<128xi32, #tpu.memory_space<vmem>>
    %dma_start3A_20 = arith.constant 0 : i32
    %dma_start3A_21 = arith.constant 0 : i32
    %dma_start3A_22 = tpu.memref_slice %arg5[%dma_start3A_20, %dma_start3A_21] : memref<10240x16xf32, #tpu.memory_space<hbm>> -> memref<10240x16xf32, #tpu.memory_space<hbm>>
    tpu.enqueue_indirect_dma source(%dma_start3A_22 : memref<10240x16xf32, #tpu.memory_space<hbm>>) target(%arg13 : memref<128x16xf32, #tpu.memory_space<vmem>>) offsets(%dma_start3A_19 : memref<128xi32, #tpu.memory_space<vmem>>) semaphore(%arg19 : memref<!tpu.dma_semaphore, #tpu.memory_space<semaphore_mem>>)
    %dma_start3A_23 = arith.constant 1 : i32
    %dma_start3A_24 = arith.constant 0 : i32
    %dma_start3A_25 = tpu.memref_slice %arg9[%dma_start3A_23, %dma_start3A_24] : memref<84x128xi32, #tpu.memory_space<vmem>> -> memref<1x128xi32, #tpu.memory_space<vmem>>
    %dma_start3A_26 = tpu.memref_squeeze %dma_start3A_25 : memref<1x128xi32, #tpu.memory_space<vmem>> -> memref<128xi32, #tpu.memory_space<vmem>>
    %dma_start3A_27 = arith.constant 0 : i32
    %dma_start3A_28 = arith.constant 0 : i32
    %dma_start3A_29 = tpu.memref_slice %arg4[%dma_start3A_27, %dma_start3A_28] : memref<10240x16xf32, #tpu.memory_space<hbm>> -> memref<10240x16xf32, #tpu.memory_space<hbm>>
    tpu.enqueue_indirect_dma source(%dma_start3A_29 : memref<10240x16xf32, #tpu.memory_space<hbm>>) target(%arg12 : memref<128x16xf32, #tpu.memory_space<vmem>>) offsets(%dma_start3A_26 : memref<128xi32, #tpu.memory_space<vmem>>) semaphore(%arg20 : memref<!tpu.dma_semaphore, #tpu.memory_space<semaphore_mem>>)
    %dma_start3A_30 = arith.constant 1 : i32
    %dma_start3A_31 = arith.constant 0 : i32
    %dma_start3A_32 = tpu.memref_slice %arg10[%dma_start3A_30, %dma_start3A_31] : memref<84x128xi32, #tpu.memory_space<vmem>> -> memref<1x128xi32, #tpu.memory_space<vmem>>
    %dma_start3A_33 = tpu.memref_squeeze %dma_start3A_32 : memref<1x128xi32, #tpu.memory_space<vmem>> -> memref<128xi32, #tpu.memory_space<vmem>>
    %dma_start3A_34 = arith.constant 0 : i32
    %dma_start3A_35 = arith.constant 0 : i32
    %dma_start3A_36 = tpu.memref_slice %arg5[%dma_start3A_34, %dma_start3A_35] : memref<10240x16xf32, #tpu.memory_space<hbm>> -> memref<10240x16xf32, #tpu.memory_space<hbm>>
    tpu.enqueue_indirect_dma source(%dma_start3A_36 : memref<10240x16xf32, #tpu.memory_space<hbm>>) target(%arg14 : memref<128x16xf32, #tpu.memory_space<vmem>>) offsets(%dma_start3A_33 : memref<128xi32, #tpu.memory_space<vmem>>) semaphore(%arg20 : memref<!tpu.dma_semaphore, #tpu.memory_space<semaphore_mem>>)
    %get3A = arith.constant 0 : index
    %get3A_37 = tpu.vector_load %arg17[%get3A] {strides = array<i32>} : memref<16xf32, #tpu.memory_space<vmem>>, vector<16xf32>,
    %get3A_38 = vector.shape_cast %get3A_37 : vector<16xf32> to vector<16xf32>
    %scan3A_39 = arith.constant 0 : i32
    %scan3A_40 = arith.constant 41 : i32
    %scan3A_41 = arith.addi %scan3A_39, %scan3A_40 : i32
    %scan3A_42 = arith.constant 1 : i32
    scf.for %scan3A_72 = %scan3A_39 to %scan3A_41 step %scan3A_42  : i32 {
      %mul3A_73 = arith.constant 2 : i32
      %mul3A_74 = arith.muli %scan3A_72, %mul3A_73 : i32
      %add3A_75 = arith.constant 0 : i32
      %add3A_76 = arith.addi %add3A_75, %mul3A_74 : i32
      %add3A_77 = arith.constant 0 : i32
      %add3A_78 = arith.addi %add3A_76, %add3A_77 : i32
      %dma_wait3A_79 = arith.constant 0 : i32
      %dma_wait3A_80 = arith.constant 0 : i32
      %dma_wait3A_81 = tpu.memref_slice %arg4[%dma_wait3A_79, %dma_wait3A_80] : memref<10240x16xf32, #tpu.memory_space<hbm>> -> memref<128x16xf32, #tpu.memory_space<hbm>>
      %dma_wait3A_82 = arith.constant 0 : i32
      %dma_wait3A_83 = arith.constant 0 : i32
      %dma_wait3A_84 = tpu.memref_slice %arg4[%dma_wait3A_82, %dma_wait3A_83] : memref<10240x16xf32, #tpu.memory_space<hbm>> -> memref<128x16xf32, #tpu.memory_space<hbm>>
      tpu.wait_dma2 semaphore(%arg19 : memref<!tpu.dma_semaphore, #tpu.memory_space<semaphore_mem>>) src(%dma_wait3A_84 : memref<128x16xf32, #tpu.memory_space<hbm>>) dst(%arg11 : memref<128x16xf32, #tpu.memory_space<vmem>>)
      %dma_wait3A_85 = arith.constant 0 : i32
      %dma_wait3A_86 = arith.constant 0 : i32
      %dma_wait3A_87 = tpu.memref_slice %arg5[%dma_wait3A_85, %dma_wait3A_86] : memref<10240x16xf32, #tpu.memory_space<hbm>> -> memref<128x16xf32, #tpu.memory_space<hbm>>
      %dma_wait3A_88 = arith.constant 0 : i32
      %dma_wait3A_89 = arith.constant 0 : i32
      %dma_wait3A_90 = tpu.memref_slice %arg5[%dma_wait3A_88, %dma_wait3A_89] : memref<10240x16xf32, #tpu.memory_space<hbm>> -> memref<128x16xf32, #tpu.memory_space<hbm>>
      tpu.wait_dma2 semaphore(%arg19 : memref<!tpu.dma_semaphore, #tpu.memory_space<semaphore_mem>>) src(%dma_wait3A_90 : memref<128x16xf32, #tpu.memory_space<hbm>>) dst(%arg13 : memref<128x16xf32, #tpu.memory_space<vmem>>)
      %scan3A_91 = arith.constant 0 : i32
      %scan3A_92 = arith.constant 128 : i32
      %scan3A_93 = arith.addi %scan3A_91, %scan3A_92 : i32
      %scan3A_94 = arith.constant 1 : i32
      scf.for %scan3A_153 = %scan3A_91 to %scan3A_93 step %scan3A_94  : i32 {
        %mul3A_154 = arith.constant 1 : i32
        %mul3A_155 = arith.muli %scan3A_153, %mul3A_154 : i32
        %add3A_156 = arith.constant 0 : i32
        %add3A_157 = arith.addi %add3A_156, %mul3A_155 : i32
        %get3A_158 = arith.index_cast %add3A_157 : i32 to index
        %get3A_159 = arith.constant 0 : index
        %get3A_160 = tpu.vector_load %arg11[%get3A_158, %get3A_159] {strides = array<i32>} : memref<128x16xf32, #tpu.memory_space<vmem>>, vector<1x16xf32>,
        %get3A_161 = vector.shape_cast %get3A_160 : vector<1x16xf32> to vector<16xf32>
        %get3A_162 = arith.index_cast %add3A_157 : i32 to index
        %get3A_163 = arith.constant 0 : index
        %get3A_164 = tpu.vector_load %arg13[%get3A_162, %get3A_163] {strides = array<i32>} : memref<128x16xf32, #tpu.memory_space<vmem>>, vector<1x16xf32>,
        %get3A_165 = vector.shape_cast %get3A_164 : vector<1x16xf32> to vector<16xf32>
        %add3A_166 = arith.addf %get3A_161, %get3A_165 : vector<16xf32>
        %gt3A = arith.constant 0.000000e+00 : f32
        %gt3A_167 = vector.broadcast %gt3A : f32 to vector<16xf32>
        %gt3A_168 = arith.cmpf ogt, %add3A_166, %gt3A_167 : vector<16xf32>
        %mul3A_169 = arith.constant 2.000000e-01 : f32
        %mul3A_170 = vector.broadcast %mul3A_169 : f32 to vector<16xf32>
        %mul3A_171 = arith.mulf %mul3A_170, %add3A_166 : vector<16xf32>
        %select_n3A = arith.select %gt3A_168, %add3A_166, %mul3A_171 : vector<16xi1>, vector<16xf32>
        %sub3A = arith.subf %select_n3A, %get3A_38 : vector<16xf32>
        %exp3A = math.exp %sub3A : vector<16xf32>
        %swap3A = arith.index_cast %add3A_157 : i32 to index
        %swap3A_172 = arith.constant 0 : index
        %swap3A_173 = tpu.vector_load %arg15[%swap3A, %swap3A_172] {strides = array<i32>} : memref<128x16xf32, #tpu.memory_space<vmem>>, vector<1x16xf32>,
        %swap3A_174 = vector.shape_cast %swap3A_173 : vector<1x16xf32> to vector<16xf32>
        %swap3A_175 = vector.shape_cast %exp3A : vector<16xf32> to vector<1x16xf32>
        tpu.vector_store %arg15[%swap3A, %swap3A_172], %swap3A_175 {strides = array<i32>} : memref<128x16xf32, #tpu.memory_space<vmem>>, vector<1x16xf32>,
      }
      %scan3A_95 = arith.constant 128 : i32
      %mul3A_96 = arith.constant 10496 : i32
      %mul3A_97 = arith.muli %add3A, %mul3A_96 : i32
      %mul3A_98 = arith.constant 128 : i32
      %mul3A_99 = arith.muli %add3A_78, %mul3A_98 : i32
      %add3A_100 = arith.addi %mul3A_97, %mul3A_99 : i32
      "tpu.region"() ({
        %run_scoped3A_153 = tpu.sem_alloc : memref<!tpu.dma_semaphore, #tpu.memory_space<semaphore_mem>>
        %dma_start3A_154 = arith.constant 0 : i32
        %dma_start3A_155 = tpu.memref_slice %arg7[%add3A_100, %dma_start3A_154] : memref<336000x16xf32, #tpu.memory_space<hbm>> -> memref<128x16xf32, #tpu.memory_space<hbm>>
        %dma_start3A_156 = arith.constant 0 : i32
        %dma_start3A_157 = tpu.memref_slice %arg7[%add3A_100, %dma_start3A_156] : memref<336000x16xf32, #tpu.memory_space<hbm>> -> memref<128x16xf32, #tpu.memory_space<hbm>>
        tpu.enqueue_dma source(%arg15 : memref<128x16xf32, #tpu.memory_space<vmem>>) target(%dma_start3A_157 : memref<128x16xf32, #tpu.memory_space<hbm>>) target_semaphore(%run_scoped3A_153 : memref<!tpu.dma_semaphore, #tpu.memory_space<semaphore_mem>>)
        %dma_wait3A_158 = arith.constant 0 : i32
        %dma_wait3A_159 = tpu.memref_slice %arg7[%add3A_100, %dma_wait3A_158] : memref<336000x16xf32, #tpu.memory_space<hbm>> -> memref<128x16xf32, #tpu.memory_space<hbm>>
        %dma_wait3A_160 = arith.constant 0 : i32
        %dma_wait3A_161 = tpu.memref_slice %arg7[%add3A_100, %dma_wait3A_160] : memref<336000x16xf32, #tpu.memory_space<hbm>> -> memref<128x16xf32, #tpu.memory_space<hbm>>
        tpu.wait_dma2 semaphore(%run_scoped3A_153 : memref<!tpu.dma_semaphore, #tpu.memory_space<semaphore_mem>>) src(%arg15 : memref<128x16xf32, #tpu.memory_space<vmem>>) dst(%dma_wait3A_161 : memref<128x16xf32, #tpu.memory_space<hbm>>)
        tpu.yield
      }) : () -> ()
      "tpu.region"() ({
        %run_scoped3A_153 = tpu.sem_alloc : memref<!tpu.dma_semaphore, #tpu.memory_space<semaphore_mem>>
        %dma_start3A_154 = arith.constant 0 : i32
        %dma_start3A_155 = tpu.memref_slice %arg10[%add3A_78, %dma_start3A_154] : memref<84x128xi32, #tpu.memory_space<vmem>> -> memref<1x128xi32, #tpu.memory_space<vmem>>
        %dma_start3A_156 = tpu.memref_squeeze %dma_start3A_155 : memref<1x128xi32, #tpu.memory_space<vmem>> -> memref<128xi32, #tpu.memory_space<vmem>>
        %dma_start3A_157 = arith.constant 0 : i32
        %dma_start3A_158 = arith.constant 0 : i32
        %dma_start3A_159 = tpu.memref_slice %arg18[%dma_start3A_157, %dma_start3A_158] : memref<10240x16xf32, #tpu.memory_space<vmem_shared>> -> memref<10240x16xf32, #tpu.memory_space<vmem_shared>>
        tpu.enqueue_indirect_dma source(%arg15 : memref<128x16xf32, #tpu.memory_space<vmem>>) target(%dma_start3A_159 : memref<10240x16xf32, #tpu.memory_space<vmem_shared>>) offsets(%dma_start3A_156 : memref<128xi32, #tpu.memory_space<vmem>>) semaphore(%run_scoped3A_153 : memref<!tpu.dma_semaphore, #tpu.memory_space<semaphore_mem>>) {add = true}
        %dma_wait3A_160 = arith.constant 0 : i32
        %dma_wait3A_161 = tpu.memref_slice %arg10[%add3A_78, %dma_wait3A_160] : memref<84x128xi32, #tpu.memory_space<vmem>> -> memref<1x128xi32, #tpu.memory_space<vmem>>
        %dma_wait3A_162 = tpu.memref_squeeze %dma_wait3A_161 : memref<1x128xi32, #tpu.memory_space<vmem>> -> memref<128xi32, #tpu.memory_space<vmem>>
        %dma_wait3A_163 = arith.constant 0 : i32
        %dma_wait3A_164 = arith.constant 0 : i32
        %dma_wait3A_165 = tpu.memref_slice %arg18[%dma_wait3A_163, %dma_wait3A_164] : memref<10240x16xf32, #tpu.memory_space<vmem_shared>> -> memref<10240x16xf32, #tpu.memory_space<vmem_shared>>
        tpu.wait_indirect_dma semaphore(%run_scoped3A_153 : memref<!tpu.dma_semaphore, #tpu.memory_space<semaphore_mem>>) src(%arg15 : memref<128x16xf32, #tpu.memory_space<vmem>>) dst(%dma_wait3A_165 : memref<10240x16xf32, #tpu.memory_space<vmem_shared>>)
        tpu.yield
      }) : () -> ()
      %add3A_101 = arith.constant 2 : i32
      %add3A_102 = arith.addi %add3A_78, %add3A_101 : i32
      %dma_start3A_103 = arith.constant 0 : i32
      %dma_start3A_104 = tpu.memref_slice %arg9[%add3A_102, %dma_start3A_103] : memref<84x128xi32, #tpu.memory_space<vmem>> -> memref<1x128xi32, #tpu.memory_space<vmem>>
      %dma_start3A_105 = tpu.memref_squeeze %dma_start3A_104 : memref<1x128xi32, #tpu.memory_space<vmem>> -> memref<128xi32, #tpu.memory_space<vmem>>
      %dma_start3A_106 = arith.constant 0 : i32
      %dma_start3A_107 = arith.constant 0 : i32
      %dma_start3A_108 = tpu.memref_slice %arg4[%dma_start3A_106, %dma_start3A_107] : memref<10240x16xf32, #tpu.memory_space<hbm>> -> memref<10240x16xf32, #tpu.memory_space<hbm>>
      tpu.enqueue_indirect_dma source(%dma_start3A_108 : memref<10240x16xf32, #tpu.memory_space<hbm>>) target(%arg11 : memref<128x16xf32, #tpu.memory_space<vmem>>) offsets(%dma_start3A_105 : memref<128xi32, #tpu.memory_space<vmem>>) semaphore(%arg19 : memref<!tpu.dma_semaphore, #tpu.memory_space<semaphore_mem>>)
      %dma_start3A_109 = arith.constant 0 : i32
      %dma_start3A_110 = tpu.memref_slice %arg10[%add3A_102, %dma_start3A_109] : memref<84x128xi32, #tpu.memory_space<vmem>> -> memref<1x128xi32, #tpu.memory_space<vmem>>
      %dma_start3A_111 = tpu.memref_squeeze %dma_start3A_110 : memref<1x128xi32, #tpu.memory_space<vmem>> -> memref<128xi32, #tpu.memory_space<vmem>>
      %dma_start3A_112 = arith.constant 0 : i32
      %dma_start3A_113 = arith.constant 0 : i32
      %dma_start3A_114 = tpu.memref_slice %arg5[%dma_start3A_112, %dma_start3A_113] : memref<10240x16xf32, #tpu.memory_space<hbm>> -> memref<10240x16xf32, #tpu.memory_space<hbm>>
      tpu.enqueue_indirect_dma source(%dma_start3A_114 : memref<10240x16xf32, #tpu.memory_space<hbm>>) target(%arg13 : memref<128x16xf32, #tpu.memory_space<vmem>>) offsets(%dma_start3A_111 : memref<128xi32, #tpu.memory_space<vmem>>) semaphore(%arg19 : memref<!tpu.dma_semaphore, #tpu.memory_space<semaphore_mem>>)
      %add3A_115 = arith.constant 1 : i32
      %add3A_116 = arith.addi %add3A_76, %add3A_115 : i32
      %dma_wait3A_117 = arith.constant 0 : i32
      %dma_wait3A_118 = arith.constant 0 : i32
      %dma_wait3A_119 = tpu.memref_slice %arg4[%dma_wait3A_117, %dma_wait3A_118] : memref<10240x16xf32, #tpu.memory_space<hbm>> -> memref<128x16xf32, #tpu.memory_space<hbm>>
      %dma_wait3A_120 = arith.constant 0 : i32
      %dma_wait3A_121 = arith.constant 0 : i32
      %dma_wait3A_122 = tpu.memref_slice %arg4[%dma_wait3A_120, %dma_wait3A_121] : memref<10240x16xf32, #tpu.memory_space<hbm>> -> memref<128x16xf32, #tpu.memory_space<hbm>>
      tpu.wait_dma2 semaphore(%arg20 : memref<!tpu.dma_semaphore, #tpu.memory_space<semaphore_mem>>) src(%dma_wait3A_122 : memref<128x16xf32, #tpu.memory_space<hbm>>) dst(%arg12 : memref<128x16xf32, #tpu.memory_space<vmem>>)
      %dma_wait3A_123 = arith.constant 0 : i32
      %dma_wait3A_124 = arith.constant 0 : i32
      %dma_wait3A_125 = tpu.memref_slice %arg5[%dma_wait3A_123, %dma_wait3A_124] : memref<10240x16xf32, #tpu.memory_space<hbm>> -> memref<128x16xf32, #tpu.memory_space<hbm>>
      %dma_wait3A_126 = arith.constant 0 : i32
      %dma_wait3A_127 = arith.constant 0 : i32
      %dma_wait3A_128 = tpu.memref_slice %arg5[%dma_wait3A_126, %dma_wait3A_127] : memref<10240x16xf32, #tpu.memory_space<hbm>> -> memref<128x16xf32, #tpu.memory_space<hbm>>
      tpu.wait_dma2 semaphore(%arg20 : memref<!tpu.dma_semaphore, #tpu.memory_space<semaphore_mem>>) src(%dma_wait3A_128 : memref<128x16xf32, #tpu.memory_space<hbm>>) dst(%arg14 : memref<128x16xf32, #tpu.memory_space<vmem>>)
      %scan3A_129 = arith.constant 0 : i32
      %scan3A_130 = arith.constant 128 : i32
      %scan3A_131 = arith.addi %scan3A_129, %scan3A_130 : i32
      %scan3A_132 = arith.constant 1 : i32
      scf.for %scan3A_153 = %scan3A_129 to %scan3A_131 step %scan3A_132  : i32 {
        %mul3A_154 = arith.constant 1 : i32
        %mul3A_155 = arith.muli %scan3A_153, %mul3A_154 : i32
        %add3A_156 = arith.constant 0 : i32
        %add3A_157 = arith.addi %add3A_156, %mul3A_155 : i32
        %get3A_158 = arith.index_cast %add3A_157 : i32 to index
        %get3A_159 = arith.constant 0 : index
        %get3A_160 = tpu.vector_load %arg12[%get3A_158, %get3A_159] {strides = array<i32>} : memref<128x16xf32, #tpu.memory_space<vmem>>, vector<1x16xf32>,
        %get3A_161 = vector.shape_cast %get3A_160 : vector<1x16xf32> to vector<16xf32>
        %get3A_162 = arith.index_cast %add3A_157 : i32 to index
        %get3A_163 = arith.constant 0 : index
        %get3A_164 = tpu.vector_load %arg14[%get3A_162, %get3A_163] {strides = array<i32>} : memref<128x16xf32, #tpu.memory_space<vmem>>, vector<1x16xf32>,
        %get3A_165 = vector.shape_cast %get3A_164 : vector<1x16xf32> to vector<16xf32>
        %add3A_166 = arith.addf %get3A_161, %get3A_165 : vector<16xf32>
        %gt3A = arith.constant 0.000000e+00 : f32
        %gt3A_167 = vector.broadcast %gt3A : f32 to vector<16xf32>
        %gt3A_168 = arith.cmpf ogt, %add3A_166, %gt3A_167 : vector<16xf32>
        %mul3A_169 = arith.constant 2.000000e-01 : f32
        %mul3A_170 = vector.broadcast %mul3A_169 : f32 to vector<16xf32>
        %mul3A_171 = arith.mulf %mul3A_170, %add3A_166 : vector<16xf32>
        %select_n3A = arith.select %gt3A_168, %add3A_166, %mul3A_171 : vector<16xi1>, vector<16xf32>
        %sub3A = arith.subf %select_n3A, %get3A_38 : vector<16xf32>
        %exp3A = math.exp %sub3A : vector<16xf32>
        %swap3A = arith.index_cast %add3A_157 : i32 to index
        %swap3A_172 = arith.constant 0 : index
        %swap3A_173 = tpu.vector_load %arg16[%swap3A, %swap3A_172] {strides = array<i32>} : memref<128x16xf32, #tpu.memory_space<vmem>>, vector<1x16xf32>,
        %swap3A_174 = vector.shape_cast %swap3A_173 : vector<1x16xf32> to vector<16xf32>
        %swap3A_175 = vector.shape_cast %exp3A : vector<16xf32> to vector<1x16xf32>
        tpu.vector_store %arg16[%swap3A, %swap3A_172], %swap3A_175 {strides = array<i32>} : memref<128x16xf32, #tpu.memory_space<vmem>>, vector<1x16xf32>,
      }
      %scan3A_133 = arith.constant 128 : i32
      %mul3A_134 = arith.constant 10496 : i32
      %mul3A_135 = arith.muli %add3A, %mul3A_134 : i32
      %mul3A_136 = arith.constant 128 : i32
      %mul3A_137 = arith.muli %add3A_116, %mul3A_136 : i32
      %add3A_138 = arith.addi %mul3A_135, %mul3A_137 : i32
      "tpu.region"() ({
        %run_scoped3A_153 = tpu.sem_alloc : memref<!tpu.dma_semaphore, #tpu.memory_space<semaphore_mem>>
        %dma_start3A_154 = arith.constant 0 : i32
        %dma_start3A_155 = tpu.memref_slice %arg7[%add3A_138, %dma_start3A_154] : memref<336000x16xf32, #tpu.memory_space<hbm>> -> memref<128x16xf32, #tpu.memory_space<hbm>>
        %dma_start3A_156 = arith.constant 0 : i32
        %dma_start3A_157 = tpu.memref_slice %arg7[%add3A_138, %dma_start3A_156] : memref<336000x16xf32, #tpu.memory_space<hbm>> -> memref<128x16xf32, #tpu.memory_space<hbm>>
        tpu.enqueue_dma source(%arg16 : memref<128x16xf32, #tpu.memory_space<vmem>>) target(%dma_start3A_157 : memref<128x16xf32, #tpu.memory_space<hbm>>) target_semaphore(%run_scoped3A_153 : memref<!tpu.dma_semaphore, #tpu.memory_space<semaphore_mem>>)
        %dma_wait3A_158 = arith.constant 0 : i32
        %dma_wait3A_159 = tpu.memref_slice %arg7[%add3A_138, %dma_wait3A_158] : memref<336000x16xf32, #tpu.memory_space<hbm>> -> memref<128x16xf32, #tpu.memory_space<hbm>>
        %dma_wait3A_160 = arith.constant 0 : i32
        %dma_wait3A_161 = tpu.memref_slice %arg7[%add3A_138, %dma_wait3A_160] : memref<336000x16xf32, #tpu.memory_space<hbm>> -> memref<128x16xf32, #tpu.memory_space<hbm>>
        tpu.wait_dma2 semaphore(%run_scoped3A_153 : memref<!tpu.dma_semaphore, #tpu.memory_space<semaphore_mem>>) src(%arg16 : memref<128x16xf32, #tpu.memory_space<vmem>>) dst(%dma_wait3A_161 : memref<128x16xf32, #tpu.memory_space<hbm>>)
        tpu.yield
      }) : () -> ()
      "tpu.region"() ({
        %run_scoped3A_153 = tpu.sem_alloc : memref<!tpu.dma_semaphore, #tpu.memory_space<semaphore_mem>>
        %dma_start3A_154 = arith.constant 0 : i32
        %dma_start3A_155 = tpu.memref_slice %arg10[%add3A_116, %dma_start3A_154] : memref<84x128xi32, #tpu.memory_space<vmem>> -> memref<1x128xi32, #tpu.memory_space<vmem>>
        %dma_start3A_156 = tpu.memref_squeeze %dma_start3A_155 : memref<1x128xi32, #tpu.memory_space<vmem>> -> memref<128xi32, #tpu.memory_space<vmem>>
        %dma_start3A_157 = arith.constant 0 : i32
        %dma_start3A_158 = arith.constant 0 : i32
        %dma_start3A_159 = tpu.memref_slice %arg18[%dma_start3A_157, %dma_start3A_158] : memref<10240x16xf32, #tpu.memory_space<vmem_shared>> -> memref<10240x16xf32, #tpu.memory_space<vmem_shared>>
        tpu.enqueue_indirect_dma source(%arg16 : memref<128x16xf32, #tpu.memory_space<vmem>>) target(%dma_start3A_159 : memref<10240x16xf32, #tpu.memory_space<vmem_shared>>) offsets(%dma_start3A_156 : memref<128xi32, #tpu.memory_space<vmem>>) semaphore(%run_scoped3A_153 : memref<!tpu.dma_semaphore, #tpu.memory_space<semaphore_mem>>) {add = true}
        %dma_wait3A_160 = arith.constant 0 : i32
        %dma_wait3A_161 = tpu.memref_slice %arg10[%add3A_116, %dma_wait3A_160] : memref<84x128xi32, #tpu.memory_space<vmem>> -> memref<1x128xi32, #tpu.memory_space<vmem>>
        %dma_wait3A_162 = tpu.memref_squeeze %dma_wait3A_161 : memref<1x128xi32, #tpu.memory_space<vmem>> -> memref<128xi32, #tpu.memory_space<vmem>>
        %dma_wait3A_163 = arith.constant 0 : i32
        %dma_wait3A_164 = arith.constant 0 : i32
        %dma_wait3A_165 = tpu.memref_slice %arg18[%dma_wait3A_163, %dma_wait3A_164] : memref<10240x16xf32, #tpu.memory_space<vmem_shared>> -> memref<10240x16xf32, #tpu.memory_space<vmem_shared>>
        tpu.wait_indirect_dma semaphore(%run_scoped3A_153 : memref<!tpu.dma_semaphore, #tpu.memory_space<semaphore_mem>>) src(%arg16 : memref<128x16xf32, #tpu.memory_space<vmem>>) dst(%dma_wait3A_165 : memref<10240x16xf32, #tpu.memory_space<vmem_shared>>)
        tpu.yield
      }) : () -> ()
      %add3A_139 = arith.constant 2 : i32
      %add3A_140 = arith.addi %add3A_116, %add3A_139 : i32
      %dma_start3A_141 = arith.constant 0 : i32
      %dma_start3A_142 = tpu.memref_slice %arg9[%add3A_140, %dma_start3A_141] : memref<84x128xi32, #tpu.memory_space<vmem>> -> memref<1x128xi32, #tpu.memory_space<vmem>>
      %dma_start3A_143 = tpu.memref_squeeze %dma_start3A_142 : memref<1x128xi32, #tpu.memory_space<vmem>> -> memref<128xi32, #tpu.memory_space<vmem>>
      %dma_start3A_144 = arith.constant 0 : i32
      %dma_start3A_145 = arith.constant 0 : i32
      %dma_start3A_146 = tpu.memref_slice %arg4[%dma_start3A_144, %dma_start3A_145] : memref<10240x16xf32, #tpu.memory_space<hbm>> -> memref<10240x16xf32, #tpu.memory_space<hbm>>
      tpu.enqueue_indirect_dma source(%dma_start3A_146 : memref<10240x16xf32, #tpu.memory_space<hbm>>) target(%arg12 : memref<128x16xf32, #tpu.memory_space<vmem>>) offsets(%dma_start3A_143 : memref<128xi32, #tpu.memory_space<vmem>>) semaphore(%arg20 : memref<!tpu.dma_semaphore, #tpu.memory_space<semaphore_mem>>)
      %dma_start3A_147 = arith.constant 0 : i32
      %dma_start3A_148 = tpu.memref_slice %arg10[%add3A_140, %dma_start3A_147] : memref<84x128xi32, #tpu.memory_space<vmem>> -> memref<1x128xi32, #tpu.memory_space<vmem>>
      %dma_start3A_149 = tpu.memref_squeeze %dma_start3A_148 : memref<1x128xi32, #tpu.memory_space<vmem>> -> memref<128xi32, #tpu.memory_space<vmem>>
      %dma_start3A_150 = arith.constant 0 : i32
      %dma_start3A_151 = arith.constant 0 : i32
      %dma_start3A_152 = tpu.memref_slice %arg5[%dma_start3A_150, %dma_start3A_151] : memref<10240x16xf32, #tpu.memory_space<hbm>> -> memref<10240x16xf32, #tpu.memory_space<hbm>>
      tpu.enqueue_indirect_dma source(%dma_start3A_152 : memref<10240x16xf32, #tpu.memory_space<hbm>>) target(%arg14 : memref<128x16xf32, #tpu.memory_space<vmem>>) offsets(%dma_start3A_149 : memref<128xi32, #tpu.memory_space<vmem>>) semaphore(%arg20 : memref<!tpu.dma_semaphore, #tpu.memory_space<semaphore_mem>>)
    }
    %scan3A_43 = arith.constant 41 : i32
    %dma_wait3A = arith.constant 0 : i32
    %dma_wait3A_44 = arith.constant 0 : i32
    %dma_wait3A_45 = tpu.memref_slice %arg4[%dma_wait3A, %dma_wait3A_44] : memref<10240x16xf32, #tpu.memory_space<hbm>> -> memref<128x16xf32, #tpu.memory_space<hbm>>
    %dma_wait3A_46 = arith.constant 0 : i32
    %dma_wait3A_47 = arith.constant 0 : i32
    %dma_wait3A_48 = tpu.memref_slice %arg4[%dma_wait3A_46, %dma_wait3A_47] : memref<10240x16xf32, #tpu.memory_space<hbm>> -> memref<128x16xf32, #tpu.memory_space<hbm>>
    tpu.wait_dma2 semaphore(%arg19 : memref<!tpu.dma_semaphore, #tpu.memory_space<semaphore_mem>>) src(%dma_wait3A_48 : memref<128x16xf32, #tpu.memory_space<hbm>>) dst(%arg11 : memref<128x16xf32, #tpu.memory_space<vmem>>)
    %dma_wait3A_49 = arith.constant 0 : i32
    %dma_wait3A_50 = arith.constant 0 : i32
    %dma_wait3A_51 = tpu.memref_slice %arg5[%dma_wait3A_49, %dma_wait3A_50] : memref<10240x16xf32, #tpu.memory_space<hbm>> -> memref<128x16xf32, #tpu.memory_space<hbm>>
    %dma_wait3A_52 = arith.constant 0 : i32
    %dma_wait3A_53 = arith.constant 0 : i32
    %dma_wait3A_54 = tpu.memref_slice %arg5[%dma_wait3A_52, %dma_wait3A_53] : memref<10240x16xf32, #tpu.memory_space<hbm>> -> memref<128x16xf32, #tpu.memory_space<hbm>>
    tpu.wait_dma2 semaphore(%arg19 : memref<!tpu.dma_semaphore, #tpu.memory_space<semaphore_mem>>) src(%dma_wait3A_54 : memref<128x16xf32, #tpu.memory_space<hbm>>) dst(%arg13 : memref<128x16xf32, #tpu.memory_space<vmem>>)
    %dma_wait3A_55 = arith.constant 0 : i32
    %dma_wait3A_56 = arith.constant 0 : i32
    %dma_wait3A_57 = tpu.memref_slice %arg4[%dma_wait3A_55, %dma_wait3A_56] : memref<10240x16xf32, #tpu.memory_space<hbm>> -> memref<128x16xf32, #tpu.memory_space<hbm>>
    %dma_wait3A_58 = arith.constant 0 : i32
    %dma_wait3A_59 = arith.constant 0 : i32
    %dma_wait3A_60 = tpu.memref_slice %arg4[%dma_wait3A_58, %dma_wait3A_59] : memref<10240x16xf32, #tpu.memory_space<hbm>> -> memref<128x16xf32, #tpu.memory_space<hbm>>
    tpu.wait_dma2 semaphore(%arg20 : memref<!tpu.dma_semaphore, #tpu.memory_space<semaphore_mem>>) src(%dma_wait3A_60 : memref<128x16xf32, #tpu.memory_space<hbm>>) dst(%arg12 : memref<128x16xf32, #tpu.memory_space<vmem>>)
    %dma_wait3A_61 = arith.constant 0 : i32
    %dma_wait3A_62 = arith.constant 0 : i32
    %dma_wait3A_63 = tpu.memref_slice %arg5[%dma_wait3A_61, %dma_wait3A_62] : memref<10240x16xf32, #tpu.memory_space<hbm>> -> memref<128x16xf32, #tpu.memory_space<hbm>>
    %dma_wait3A_64 = arith.constant 0 : i32
    %dma_wait3A_65 = arith.constant 0 : i32
    %dma_wait3A_66 = tpu.memref_slice %arg5[%dma_wait3A_64, %dma_wait3A_65] : memref<10240x16xf32, #tpu.memory_space<hbm>> -> memref<128x16xf32, #tpu.memory_space<hbm>>
    tpu.wait_dma2 semaphore(%arg20 : memref<!tpu.dma_semaphore, #tpu.memory_space<semaphore_mem>>) src(%dma_wait3A_66 : memref<128x16xf32, #tpu.memory_space<hbm>>) dst(%arg14 : memref<128x16xf32, #tpu.memory_space<vmem>>)
    %barrier3A_67 = arith.constant 0 : index
    tpu.barrier barrier_id(%barrier3A_67)
    %mul3A_68 = arith.constant 640 : i32
    %mul3A_69 = arith.muli %arg1, %mul3A_68 : i32
    %mul3A_70 = arith.constant 640 : i32
    %mul3A_71 = arith.muli %arg1, %mul3A_70 : i32
    "tpu.region"() ({
      %run_scoped3A_72 = tpu.sem_alloc : memref<!tpu.dma_semaphore, #tpu.memory_space<semaphore_mem>>
      %dma_start3A_73 = arith.constant 0 : i32
      %dma_start3A_74 = tpu.memref_slice %arg8[%arg0, %mul3A_71, %dma_start3A_73] : memref<2x10240x16xf32, #tpu.memory_space<hbm>> -> memref<1x640x16xf32, #tpu.memory_space<hbm>>
      %dma_start3A_75 = tpu.memref_squeeze %dma_start3A_74 : memref<1x640x16xf32, #tpu.memory_space<hbm>> -> memref<640x16xf32, #tpu.memory_space<hbm>>
      %dma_start3A_76 = arith.constant 0 : i32
      %dma_start3A_77 = tpu.memref_slice %arg18[%mul3A_69, %dma_start3A_76] : memref<10240x16xf32, #tpu.memory_space<vmem_shared>> -> memref<640x16xf32, #tpu.memory_space<vmem_shared>>
      tpu.enqueue_dma source(%dma_start3A_77 : memref<640x16xf32, #tpu.memory_space<vmem_shared>>) target(%dma_start3A_75 : memref<640x16xf32, #tpu.memory_space<hbm>>) target_semaphore(%run_scoped3A_72 : memref<!tpu.dma_semaphore, #tpu.memory_space<semaphore_mem>>)
      %dma_wait3A_78 = arith.constant 0 : i32
      %dma_wait3A_79 = tpu.memref_slice %arg8[%arg0, %mul3A_71, %dma_wait3A_78] : memref<2x10240x16xf32, #tpu.memory_space<hbm>> -> memref<1x640x16xf32, #tpu.memory_space<hbm>>
      %dma_wait3A_80 = tpu.memref_squeeze %dma_wait3A_79 : memref<1x640x16xf32, #tpu.memory_space<hbm>> -> memref<640x16xf32, #tpu.memory_space<hbm>>
      %dma_wait3A_81 = arith.constant 0 : i32
      %dma_wait3A_82 = tpu.memref_slice %arg18[%mul3A_69, %dma_wait3A_81] : memref<10240x16xf32, #tpu.memory_space<vmem_shared>> -> memref<640x16xf32, #tpu.memory_space<vmem_shared>>
      tpu.wait_dma2 semaphore(%run_scoped3A_72 : memref<!tpu.dma_semaphore, #tpu.memory_space<semaphore_mem>>) src(%dma_wait3A_82 : memref<640x16xf32, #tpu.memory_space<vmem_shared>>) dst(%dma_wait3A_80 : memref<640x16xf32, #tpu.memory_space<hbm>>)
      tpu.yield
    }) : () -> ()
    return
  }
}

module attributes {stable_mosaic.version = 14 : i64} {
  func.func @_k1_body(%arg0: i32, %arg1: memref<1024x128xf32, #tpu.memory_space<vmem>>, %arg2: memref<128x128xf32, #tpu.memory_space<vmem>>, %arg3: memref<1x128xf32, #tpu.memory_space<vmem>>, %arg4: memref<128x16xf32, #tpu.memory_space<vmem>>, %arg5: memref<128x16xf32, #tpu.memory_space<vmem>>, %arg6: memref<1024x128xf32, #tpu.memory_space<vmem>>, %arg7: memref<1024x16xf32, #tpu.memory_space<vmem>>, %arg8: memref<1024x16xf32, #tpu.memory_space<vmem>>, %arg9: memref<8x128xf32, #tpu.memory_space<vmem>>, %arg10: memref<1xf32, #tpu.memory_space<smem>>, %arg11: memref<1xf32, #tpu.memory_space<smem>>) attributes {dimension_semantics = [#tpu.dimension_semantics<arbitrary>], iteration_bounds = array<i64: 10>, scalar_prefetch = 0 : i64, scratch_operands = 2 : i64, tpu.core_type = #tpu.core_type<tc>, window_params = [{transform_indices = @transform_0, window_bounds = array<i64: 1024, 128>}, {pipeline_mode = #tpu.pipeline_mode<synchronous>, transform_indices = @transform_1, window_bounds = array<i64: 128, 128>}, {pipeline_mode = #tpu.pipeline_mode<synchronous>, transform_indices = @transform_2, window_bounds = array<i64: 1, 128>}, {pipeline_mode = #tpu.pipeline_mode<synchronous>, transform_indices = @transform_3, window_bounds = array<i64: 128, 16>}, {pipeline_mode = #tpu.pipeline_mode<synchronous>, transform_indices = @transform_4, window_bounds = array<i64: 128, 16>}, {transform_indices = @transform_5, window_bounds = array<i64: 1024, 128>}, {transform_indices = @transform_6, window_bounds = array<i64: 1024, 16>}, {transform_indices = @transform_7, window_bounds = array<i64: 1024, 16>}, {pipeline_mode = #tpu.pipeline_mode<synchronous>, transform_indices = @transform_8, window_bounds = array<i64: 8, 128>}]} {
    %get3A = arith.constant 0 : index
    %get3A_0 = arith.constant 0 : index
    %get3A_1 = vector.load %arg1[%get3A, %get3A_0] : memref<1024x128xf32, #tpu.memory_space<vmem>>, vector<1024x128xf32>
    %get3A_2 = arith.constant 0 : index
    %get3A_3 = arith.constant 0 : index
    %get3A_4 = vector.load %arg2[%get3A_2, %get3A_3] : memref<128x128xf32, #tpu.memory_space<vmem>>, vector<128x128xf32>
    %dot_general3A = arith.constant dense<0.000000e+00> : vector<1024x128xf32>
    %dot_general3A_5 = tpu.matmul %get3A_1, %get3A_4, %dot_general3A {dimension_numbers = #tpu.dot_dimension_numbers<[1], [0], [0], [1], [0, 0, 1, 1], [], []>, transpose_lhs_hint = false} : vector<1024x128xf32>, vector<128x128xf32>, vector<1024x128xf32> -> vector<1024x128xf32>
    %get3A_6 = arith.constant 0 : index
    %get3A_7 = arith.constant 0 : index
    %get3A_8 = vector.load %arg3[%get3A_6, %get3A_7] : memref<1x128xf32, #tpu.memory_space<vmem>>, vector<1x128xf32>
    %add3A = vector.broadcast %get3A_8 : vector<1x128xf32> to vector<1024x128xf32>
    %add3A_9 = arith.addf %dot_general3A_5, %add3A : vector<1024x128xf32>
    %swap3A = arith.constant 0 : index
    %swap3A_10 = arith.constant 0 : index
    %swap3A_11 = vector.load %arg6[%swap3A, %swap3A_10] : memref<1024x128xf32, #tpu.memory_space<vmem>>, vector<1024x128xf32>
    tpu.vector_store %arg6[%swap3A, %swap3A_10], %add3A_9 {strides = array<i32>} : memref<1024x128xf32, #tpu.memory_space<vmem>>, vector<1024x128xf32>,
    %get3A_12 = arith.constant 0 : index
    %get3A_13 = arith.constant 0 : index
    %get3A_14 = vector.load %arg4[%get3A_12, %get3A_13] : memref<128x16xf32, #tpu.memory_space<vmem>>, vector<128x16xf32>
    %dot_general3A_15 = arith.constant dense<0.000000e+00> : vector<1024x16xf32>
    %dot_general3A_16 = tpu.matmul %add3A_9, %get3A_14, %dot_general3A_15 {dimension_numbers = #tpu.dot_dimension_numbers<[1], [0], [0], [1], [0, 0, 1, 1], [], []>, transpose_lhs_hint = false} : vector<1024x128xf32>, vector<128x16xf32>, vector<1024x16xf32> -> vector<1024x16xf32>
    %get3A_17 = arith.constant 0 : index
    %get3A_18 = arith.constant 0 : index
    %get3A_19 = vector.load %arg5[%get3A_17, %get3A_18] : memref<128x16xf32, #tpu.memory_space<vmem>>, vector<128x16xf32>
    %dot_general3A_20 = arith.constant dense<0.000000e+00> : vector<1024x16xf32>
    %dot_general3A_21 = tpu.matmul %add3A_9, %get3A_19, %dot_general3A_20 {dimension_numbers = #tpu.dot_dimension_numbers<[1], [0], [0], [1], [0, 0, 1, 1], [], []>, transpose_lhs_hint = false} : vector<1024x128xf32>, vector<128x16xf32>, vector<1024x16xf32> -> vector<1024x16xf32>
    %swap3A_22 = arith.constant 0 : index
    %swap3A_23 = arith.constant 0 : index
    %swap3A_24 = vector.load %arg7[%swap3A_22, %swap3A_23] : memref<1024x16xf32, #tpu.memory_space<vmem>>, vector<1024x16xf32>
    tpu.vector_store %arg7[%swap3A_22, %swap3A_23], %dot_general3A_16 {strides = array<i32>} : memref<1024x16xf32, #tpu.memory_space<vmem>>, vector<1024x16xf32>,
    %swap3A_25 = arith.constant 0 : index
    %swap3A_26 = arith.constant 0 : index
    %swap3A_27 = vector.load %arg8[%swap3A_25, %swap3A_26] : memref<1024x16xf32, #tpu.memory_space<vmem>>, vector<1024x16xf32>
    tpu.vector_store %arg8[%swap3A_25, %swap3A_26], %dot_general3A_21 {strides = array<i32>} : memref<1024x16xf32, #tpu.memory_space<vmem>>, vector<1024x16xf32>,
    %reduce_max3A = vector.shape_cast %dot_general3A_16 : vector<1024x16xf32> to vector<1x1024x16xf32>
    %reduce_max3A_28 = arith.constant dense<0xFF800000> : vector<1xf32>
    %reduce_max3A_29 = vector.multi_reduction <maximumf>, %reduce_max3A, %reduce_max3A_28 [1, 2] : vector<1x1024x16xf32> to vector<1xf32>
    %reduce_max3A_30 = vector.shape_cast %reduce_max3A_29 : vector<1xf32> to vector<1x1x1xf32>
    %reduce_max3A_31 = vector.extract %reduce_max3A_30[0, 0, 0] : f32 from vector<1x1x1xf32>
    %reduce_max3A_32 = vector.shape_cast %dot_general3A_21 : vector<1024x16xf32> to vector<1x1024x16xf32>
    %reduce_max3A_33 = arith.constant dense<0xFF800000> : vector<1xf32>
    %reduce_max3A_34 = vector.multi_reduction <maximumf>, %reduce_max3A_32, %reduce_max3A_33 [1, 2] : vector<1x1024x16xf32> to vector<1xf32>
    %reduce_max3A_35 = vector.shape_cast %reduce_max3A_34 : vector<1xf32> to vector<1x1x1xf32>
    %reduce_max3A_36 = vector.extract %reduce_max3A_35[0, 0, 0] : f32 from vector<1x1x1xf32>
    %eq3A = arith.constant 0 : i32
    %eq3A_37 = arith.cmpi eq, %arg0, %eq3A : i32
    %convert_element_type3A = arith.extui %eq3A_37 : i1 to i32
    %cond3A = arith.constant 0 : i32
    %cond3A_38 = arith.cmpi ne, %convert_element_type3A, %cond3A : i32
    scf.if %cond3A_38 {
      %swap3A_52 = arith.constant 0 : index
      %swap3A_53 = memref.load %arg10[%swap3A_52] : memref<1xf32, #tpu.memory_space<smem>>
      memref.store %reduce_max3A_31, %arg10[%swap3A_52] : memref<1xf32, #tpu.memory_space<smem>>
      %swap3A_54 = arith.constant 0 : index
      %swap3A_55 = memref.load %arg11[%swap3A_54] : memref<1xf32, #tpu.memory_space<smem>>
      memref.store %reduce_max3A_36, %arg11[%swap3A_54] : memref<1xf32, #tpu.memory_space<smem>>
    } else {
    }
    %gt3A = arith.constant 0 : i32
    %gt3A_39 = arith.cmpi sgt, %arg0, %gt3A : i32
    %convert_element_type3A_40 = arith.extui %gt3A_39 : i1 to i32
    %cond3A_41 = arith.constant 0 : i32
    %cond3A_42 = arith.cmpi ne, %convert_element_type3A_40, %cond3A_41 : i32
    scf.if %cond3A_42 {
      %get3A_52 = arith.constant 0 : index
      %get3A_53 = memref.load %arg10[%get3A_52] : memref<1xf32, #tpu.memory_space<smem>>
      %max3A_54 = arith.maximumf %get3A_53, %reduce_max3A_31 : f32
      %swap3A_55 = arith.constant 0 : index
      %swap3A_56 = memref.load %arg10[%swap3A_55] : memref<1xf32, #tpu.memory_space<smem>>
      memref.store %max3A_54, %arg10[%swap3A_55] : memref<1xf32, #tpu.memory_space<smem>>
      %get3A_57 = arith.constant 0 : index
      %get3A_58 = memref.load %arg11[%get3A_57] : memref<1xf32, #tpu.memory_space<smem>>
      %max3A_59 = arith.maximumf %get3A_58, %reduce_max3A_36 : f32
      %swap3A_60 = arith.constant 0 : index
      %swap3A_61 = memref.load %arg11[%swap3A_60] : memref<1xf32, #tpu.memory_space<smem>>
      memref.store %max3A_59, %arg11[%swap3A_60] : memref<1xf32, #tpu.memory_space<smem>>
    } else {
    }
    %get3A_43 = arith.constant 0 : index
    %get3A_44 = memref.load %arg10[%get3A_43] : memref<1xf32, #tpu.memory_space<smem>>
    %get3A_45 = arith.constant 0 : index
    %get3A_46 = memref.load %arg11[%get3A_45] : memref<1xf32, #tpu.memory_space<smem>>
    %add3A_47 = arith.addf %get3A_44, %get3A_46 : f32
    %max3A = arith.constant 0.000000e+00 : f32
    %max3A_48 = arith.maximumf %add3A_47, %max3A : f32
    %broadcast_in_dim3A = vector.broadcast %max3A_48 : f32 to vector<8x128xf32>
    %swap3A_49 = arith.constant 0 : index
    %swap3A_50 = arith.constant 0 : index
    %swap3A_51 = vector.load %arg9[%swap3A_49, %swap3A_50] : memref<8x128xf32, #tpu.memory_space<vmem>>, vector<8x128xf32>
    tpu.vector_store %arg9[%swap3A_49, %swap3A_50], %broadcast_in_dim3A {strides = array<i32>} : memref<8x128xf32, #tpu.memory_space<vmem>>, vector<8x128xf32>,
    return
  }
  func.func @transform_0(%arg0: i32) -> (i32, i32) {
    %c0_i32 = arith.constant 0 : i32
    %c0_i32_0 = arith.constant 0 : i32
    return %arg0, %c0_i32 : i32, i32
  }
  func.func @transform_1(%arg0: i32) -> (i32, i32) {
    %c0_i32 = arith.constant 0 : i32
    %c0_i32_0 = arith.constant 0 : i32
    %c0_i32_1 = arith.constant 0 : i32
    return %c0_i32, %c0_i32_0 : i32, i32
  }
  func.func @transform_2(%arg0: i32) -> (i32, i32) {
    %c0_i32 = arith.constant 0 : i32
    %c0_i32_0 = arith.constant 0 : i32
    %c0_i32_1 = arith.constant 0 : i32
    return %c0_i32, %c0_i32_0 : i32, i32
  }
  func.func @transform_3(%arg0: i32) -> (i32, i32) {
    %c0_i32 = arith.constant 0 : i32
    %c0_i32_0 = arith.constant 0 : i32
    %c0_i32_1 = arith.constant 0 : i32
    return %c0_i32, %c0_i32_0 : i32, i32
  }
  func.func @transform_4(%arg0: i32) -> (i32, i32) {
    %c0_i32 = arith.constant 0 : i32
    %c0_i32_0 = arith.constant 0 : i32
    %c0_i32_1 = arith.constant 0 : i32
    return %c0_i32, %c0_i32_0 : i32, i32
  }
  func.func @transform_5(%arg0: i32) -> (i32, i32) {
    %c0_i32 = arith.constant 0 : i32
    %c0_i32_0 = arith.constant 0 : i32
    return %arg0, %c0_i32 : i32, i32
  }
  func.func @transform_6(%arg0: i32) -> (i32, i32) {
    %c0_i32 = arith.constant 0 : i32
    %c0_i32_0 = arith.constant 0 : i32
    return %arg0, %c0_i32 : i32, i32
  }
  func.func @transform_7(%arg0: i32) -> (i32, i32) {
    %c0_i32 = arith.constant 0 : i32
    %c0_i32_0 = arith.constant 0 : i32
    return %arg0, %c0_i32 : i32, i32
  }
  func.func @transform_8(%arg0: i32) -> (i32, i32) {
    %c0_i32 = arith.constant 0 : i32
    %c0_i32_0 = arith.constant 0 : i32
    %c0_i32_1 = arith.constant 0 : i32
    return %c0_i32, %c0_i32_0 : i32, i32
  }
}

module attributes {stable_mosaic.version = 14 : i64} {
  func.func @_k3_body(%arg0: memref<2x10240x16xf32, #tpu.memory_space<vmem>>, %arg1: memref<10240x16xf32, #tpu.memory_space<vmem>>) attributes {dimension_semantics = [], scalar_prefetch = 0 : i64, scratch_operands = 0 : i64, tpu.core_type = #tpu.core_type<tc>} {
    %get3A = arith.constant 0 : index
    %get3A_0 = arith.constant 0 : index
    %get3A_1 = arith.constant 0 : index
    %get3A_2 = vector.load %arg0[%get3A, %get3A_0, %get3A_1] : memref<2x10240x16xf32, #tpu.memory_space<vmem>>, vector<1x10240x16xf32>
    %get3A_3 = vector.shape_cast %get3A_2 : vector<1x10240x16xf32> to vector<10240x16xf32>
    %get3A_4 = arith.constant 1 : index
    %get3A_5 = arith.constant 0 : index
    %get3A_6 = arith.constant 0 : index
    %get3A_7 = vector.load %arg0[%get3A_4, %get3A_5, %get3A_6] : memref<2x10240x16xf32, #tpu.memory_space<vmem>>, vector<1x10240x16xf32>
    %get3A_8 = vector.shape_cast %get3A_7 : vector<1x10240x16xf32> to vector<10240x16xf32>
    %add3A = arith.addf %get3A_3, %get3A_8 : vector<10240x16xf32>
    %add3A_9 = arith.constant 1.000000e-10 : f32
    %add3A_10 = vector.broadcast %add3A_9 : f32 to vector<10240x16xf32>
    %add3A_11 = arith.addf %add3A, %add3A_10 : vector<10240x16xf32>
    %div3A = arith.constant 1.000000e+00 : f32
    %div3A_12 = vector.broadcast %div3A : f32 to vector<10240x16xf32>
    %div3A_13 = arith.divf %div3A_12, %add3A_11 : vector<10240x16xf32>
    %swap3A = arith.constant 0 : index
    %swap3A_14 = arith.constant 0 : index
    %swap3A_15 = vector.load %arg1[%swap3A, %swap3A_14] : memref<10240x16xf32, #tpu.memory_space<vmem>>, vector<10240x16xf32>
    tpu.vector_store %arg1[%swap3A, %swap3A_14], %div3A_13 {strides = array<i32>} : memref<10240x16xf32, #tpu.memory_space<vmem>>, vector<10240x16xf32>,
    return
  }
}

module attributes {stable_mosaic.version = 14 : i64} {
  func.func @_k5_body(%arg0: i32, %arg1: memref<2x1024x128xf32, #tpu.memory_space<vmem>>, %arg2: memref<1024x128xf32, #tpu.memory_space<vmem>>) attributes {dimension_semantics = [#tpu.dimension_semantics<arbitrary>], iteration_bounds = array<i64: 10>, scalar_prefetch = 0 : i64, scratch_operands = 0 : i64, tpu.core_type = #tpu.core_type<tc>, window_params = [{transform_indices = @transform_0, window_bounds = array<i64: 2, 1024, 128>}, {transform_indices = @transform_1, window_bounds = array<i64: 1024, 128>}]} {
    %get3A = arith.constant 0 : index
    %get3A_0 = arith.constant 0 : index
    %get3A_1 = arith.constant 0 : index
    %get3A_2 = vector.load %arg1[%get3A, %get3A_0, %get3A_1] : memref<2x1024x128xf32, #tpu.memory_space<vmem>>, vector<1x1024x128xf32>
    %get3A_3 = vector.shape_cast %get3A_2 : vector<1x1024x128xf32> to vector<1024x128xf32>
    %get3A_4 = arith.constant 1 : index
    %get3A_5 = arith.constant 0 : index
    %get3A_6 = arith.constant 0 : index
    %get3A_7 = vector.load %arg1[%get3A_4, %get3A_5, %get3A_6] : memref<2x1024x128xf32, #tpu.memory_space<vmem>>, vector<1x1024x128xf32>
    %get3A_8 = vector.shape_cast %get3A_7 : vector<1x1024x128xf32> to vector<1024x128xf32>
    %add3A = arith.addf %get3A_3, %get3A_8 : vector<1024x128xf32>
    %swap3A = arith.constant 0 : index
    %swap3A_9 = arith.constant 0 : index
    %swap3A_10 = vector.load %arg2[%swap3A, %swap3A_9] : memref<1024x128xf32, #tpu.memory_space<vmem>>, vector<1024x128xf32>
    tpu.vector_store %arg2[%swap3A, %swap3A_9], %add3A {strides = array<i32>} : memref<1024x128xf32, #tpu.memory_space<vmem>>, vector<1024x128xf32>,
    return
  }
  func.func @transform_0(%arg0: i32) -> (i32, i32, i32) {
    %c0_i32 = arith.constant 0 : i32
    %c0_i32_0 = arith.constant 0 : i32
    %c0_i32_1 = arith.constant 0 : i32
    return %c0_i32, %arg0, %c0_i32_0 : i32, i32, i32
  }
  func.func @transform_1(%arg0: i32) -> (i32, i32) {
    %c0_i32 = arith.constant 0 : i32
    %c0_i32_0 = arith.constant 0 : i32
    return %arg0, %c0_i32 : i32, i32
  }
}

</mosaic_0001>

<sc_bundles>
// kernel: kernel.10.cloned.1.call-start
scs
__scs_entry_jumppad:
0x0: {  	(pc) =	sbr.rel $0x88, $3  }
0x1: {  	(tag) =	ssettag $0x0;
	lr =	simm.s32 $0x1  }
0x2: {  	[smem:$0x3F9B] =	sst lr;
	_ =	strace $0xD0000000  }
0x3: {  	_ = 	snop  }
0x4: {  	_ = 	snop  }
0x5: {  	_ = 	snop  }
0x6: {  	_ = 	snop  }
0x7: {  	_ = 	snop  }
__scs_overlays_trampoline_lowered:
0x8: {  	[smem:$0x3FAA] =	sst s0  }
0x9: {  	[smem:$0x3FAB] =	sst s1  }
0xa: {  	[smem:$0x3FAC] =	sst s2  }
0xb: {  	[smem:$0x3FAD] =	sst s3  }
0xc: {  	[smem:$0x3FAE] =	sst s4  }
0xd: {  	[smem:$0x3FAF] =	sst s5  }
0xe: {  	[smem:$0x3FB0] =	sst s6  }
0xf: {  	[smem:$0x3FB1] =	sst s7  }
0x10: {  	[smem:$0x3FB2] =	sst s8  }
0x11: {  	[smem:$0x3FB3] =	sst s9;
	s0 =	simm.s32 @!p0 $0x0  }
0x12: {  	s1 =	sld [smem:$0x3F99];
	s0 =	simm.s32 @p0 $0x1  }
0x13: {  	[smem:$0x3FB4] =	sst s0;
	s0 =	simm.s32 @!p1 $0x0  }
0x14: {  	s2 =	sld [smem:$0x3F98];
	s0 =	simm.s32 @p1 $0x1  }
0x15: {  	[smem:$0x3FB5] =	sst s0;
	s0 =	simm.s32 @!p2 $0x0  }
0x16: {  	s3 =	sld [smem:$0x3FDB];
	s0 =	simm.s32 @p2 $0x1  }
0x17: {  	s4 =	simm.s32 $0x1BF5;
	[smem:$0x3FB7] =	sst s0  }
0x18: {  	s0 =	sld [smem:$0x3F9A];
	_ =	swait.ge [sflag:s4], $0x0  }
0x19: {  	s7 =	sld [smem:$0x3F9B]  }
0x1a: {  	s8 =	sadd.s32 $0xFFFFE003, lr  }
0x1b: {  	s9 =	sadd.s32 $0xFFFFFEF7, lr;
	s5 =	simm.s32 $0xFFFFFFFF;
	p2 =	slt.u32 s8, $0xFFFFF086  }
0x1c: {  	p1 =	slt.u32 s9, $0xF7A;
	s5 =	simm.s32 @!p2 $0x0  }
0x1d: {  	s5 =	simm.s32 @p1 $0x1;
	p0 =	seq.s32 s7, s2  }
0x1e: {  	s7 =	smul.u32 @!p0 $0xF7A, s2;
	p2 =	seq.s32 @!p0 s5, $0x0  }
0x1f: {  	s9 =	smul.u32 $0xF7A, s1;
	s8 =	simm.s32 @!p0 $0x1BF5;
	p2 =	por !p2, p0  }
0x20: {  	[sflag:s8] =	ssyncset.s32 @!p0 $0xFFFFF086;
	s6 =	sadd.s32 @!p0 s3, s7;
	s7 =	simm.s32 @!p0 $0x108  }
0x21: {  	s3 =	sadd.s32 s3, s9;
	s6 =	sadd.s32 @!p0 $0x88, s6;
	s7 =	simm.s32 @p2 $0x1082  }
0x22: {  	[simem:s7], [sflag:s8] =	dma.local @!p0 [hbm:s6], $0xF7A  }
0x23: {  	s9 =	sor.u32 $0xD0000000, s2;
	s6 =	simm.s32 $0x108;
	_ =	swait.ge @!p0 [sflag:s8], $0x0  }
0x24: {  	s3 =	sadd.s32 $0x88, s3;
	s6 =	simm.s32 @!p1 $0x1082;
	[sflag:s4] =	ssyncset.s32 $0xFFFFF086  }
0x25: {  	[simem:s6], [sflag:s4] =	dma.local [hbm:s3], $0xF7A  }
0x26: {  	[smem:$0x3F9B] =	sst s1;
	(tag) =	ssettag s2;
	_ =	strace s9  }
0x27: {  	s1 =	sld [smem:$0x3FAB]  }
0x28: {  	s2 =	sld [smem:$0x3FAC]  }
0x29: {  	s4 =	sld [smem:$0x3FAE]  }
0x2a: {  	p0 =	seq.s32 s5, $0x0;
	s5 =	sld [smem:$0x3FAF]  }
0x2b: {  	s6 =	sld [smem:$0x3FB0]  }
0x2c: {  	s7 =	sld [smem:$0x3FB1]  }
0x2d: {  	s3 =	simm.s32 $0x108;
	s8 =	sld [smem:$0x3FB2]  }
0x2e: {  	s3 =	simm.s32 @!p0 $0x1082;
	s9 =	sld [smem:$0x3FB3]  }
0x2f: {  	lr =	sadd.s32 s0, s3;
	s0 =	sld [smem:$0x3FAA]  }
0x30: {  	s3 =	sld [smem:$0x3FAD]  }
0x31: {  	[smem:$0x3FB6] =	sst s10  }
0x32: {  	s10 =	sld [smem:$0x3FB4];
	_ =	sdelay $0x3  }
0x33: {  	p0 =	seq.s32 s10, $0x1;
	s10 =	sld [smem:$0x3FB6];
	_ =	sdelay $0x3  }
0x34: {  	[smem:$0x3FB6] =	sst s10  }
0x35: {  	s10 =	sld [smem:$0x3FB5];
	_ =	sdelay $0x3  }
0x36: {  	p1 =	seq.s32 s10, $0x1;
	s10 =	sld [smem:$0x3FB6];
	_ =	sdelay $0x3  }
0x37: {  	[smem:$0x3FB6] =	sst s10  }
0x38: {  	s10 =	sld [smem:$0x3FB7]  }
0x39: {  	_ = 	snop;
	(pc) =	sbr.ind lr, $3  }
0x3a: {  	_ = 	snop  }
0x3b: {  	_ = 	snop  }
0x3c: {  	p2 =	seq.s32 s10, $0x1;
	s10 =	sld [smem:$0x3FB6]  }
0x3d: {  	_ =	shalt  }
0x3e: {  	_ =	shalt  }
0x3f: {  	_ =	shalt  }
0x40: {  	_ =	shalt  }
0x41: {  	_ =	shalt  }
0x42: {  	_ =	shalt  }
0x43: {  	_ =	shalt  }
0x44: {  	_ =	shalt  }
0x45: {  	_ =	shalt  }
0x46: {  	_ =	shalt  }
0x47: {  	_ =	shalt  }
0x48: {  	_ =	shalt  }
0x49: {  	_ =	shalt  }
0x4a: {  	_ =	shalt  }
0x4b: {  	_ =	shalt  }
0x4c: {  	_ =	shalt  }
0x4d: {  	_ =	shalt  }
0x4e: {  	_ =	shalt  }
0x4f: {  	_ =	shalt  }
0x50: {  	_ =	shalt  }
0x51: {  	_ =	shalt  }
0x52: {  	_ =	shalt  }
0x53: {  	_ =	shalt  }
0x54: {  	_ =	shalt  }
0x55: {  	_ =	shalt  }
0x56: {  	_ =	shalt  }
0x57: {  	_ =	shalt  }
0x58: {  	_ =	shalt  }
0x59: {  	_ =	shalt  }
0x5a: {  	_ =	shalt  }
0x5b: {  	_ =	shalt  }
0x5c: {  	_ =	shalt  }
0x5d: {  	_ =	shalt  }
0x5e: {  	_ =	shalt  }
0x5f: {  	_ =	shalt  }
0x60: {  	_ =	shalt  }
0x61: {  	_ =	shalt  }
0x62: {  	_ =	shalt  }
0x63: {  	_ =	shalt  }
0x64: {  	_ =	shalt  }
0x65: {  	_ =	shalt  }
0x66: {  	_ =	shalt  }
0x67: {  	_ =	shalt  }
0x68: {  	_ =	shalt  }
0x69: {  	_ =	shalt  }
0x6a: {  	_ =	shalt  }
0x6b: {  	_ =	shalt  }
0x6c: {  	_ =	shalt  }
0x6d: {  	_ =	shalt  }
0x6e: {  	_ =	shalt  }
0x6f: {  	_ =	shalt  }
0x70: {  	_ =	shalt  }
0x71: {  	_ =	shalt  }
0x72: {  	_ =	shalt  }
0x73: {  	_ =	shalt  }
0x74: {  	_ =	shalt  }
0x75: {  	_ =	shalt  }
0x76: {  	_ =	shalt  }
0x77: {  	_ =	shalt  }
0x78: {  	_ =	shalt  }
0x79: {  	_ =	shalt  }
0x7a: {  	_ =	shalt  }
0x7b: {  	_ =	shalt  }
0x7c: {  	_ =	shalt  }
0x7d: {  	_ =	shalt  }
0x7e: {  	_ =	shalt  }
0x7f: {  	_ =	shalt  }
0x80: {  	_ =	shalt  }
0x81: {  	_ =	shalt  }
0x82: {  	_ =	shalt  }
0x83: {  	_ =	shalt  }
0x84: {  	_ =	shalt  }
0x85: {  	_ =	shalt  }
0x86: {  	_ =	shalt  }
0x87: {  	_ =	shalt  }
.Lfunc_end0:
.L_simem_size_0:
called_computation.1_lowered:
.L_overlay_start_0:
0x88: {  	s2 =	sld [smem:$0x3FD9]  }
0x89: {  	s3 =	sld [smem:$0x3FFE];
	_ =	sdelay $0x1  }
0x8a: {  	s1 =	srdreg.scid  }
0x8b: {  	s0 =	sand.u32 $0x1, s1  }
0x8c: {  	s17 =	sshll.u32 s0, $0xA;
	s2 =	sadd.s32 s3, s2  }
0x8d: {  	s2 =	sadd.s32 s2, s17  }
0x8e: {  	[smem:$0x3FC2] =	sst s2  }
0x8f: {  	_ = 	snop  }
0x90: {  	s2 =	sld [smem:$0x3FD0];
	(tm) =	ssettm $0x1  }
0x91: {  	s18 =	sld [smem:$0x3FFB];
	_ =	sdelay $0x3  }
0x92: {  	_ =	strace s18  }
0x93: {  	s3 =	sld [smem:$0x3FFC];
	_ =	sdelay $0x3  }
0x94: {  	_ =	strace s3  }
0x95: {  	s3 =	sld [smem:$0x3FFD];
	_ =	sdelay $0x3  }
0x96: {  	_ =	strace s3  }
0x97: {  	_ =	strace $0x8FFFFFFF  }
0x98: {  	s19 =	sld [smem:$0x3FDB];
	_ =	sdelay $0x1  }
0x99: {  	s4 =	simm.s32 $_scs_section_size  }
0x9a: {  	s5 =	simm.s32 $_size__tile_overlayer_lowered;
	s6 =	simm.s32 $_tile_overlayer_lowered  }
0x9b: {  	s22 =	simm.s32 $0x1BFF;
	s21 =	sshll.u32 s6, $0x1;
	s3 =	sadd.s32 s4, s19  }
0x9c: {  	s7 =	simm.s32 $0x0;
	s20 =	sshll.u32 s5, $0x1;
	s5 =	sadd.s32 s21, s3  }
0x9d: {  	[timem:s7], [sflag:s22] =	dma.local [hbm:s5], s20  }
0x9e: {  	_ =	swait.ge [sflag:s22], s20  }
0x9f: {  	s4 =	ssub.s32 $0x0, s20;
	[sflag:s22] =	ssyncset.done $0x0  }
0xa0: {  	[sflag:s22] =	ssyncadd.s32 s4;
	_ =	sdelay $0x1  }
0xa1: {  	s23 =	simm.s32 $0x1B8B  }
0xa2: {  	_ =	swait.ge [sflag:s23], $0x1  }
0xa3: {  	[sflag:s23] =	ssyncset.done $0x0  }
0xa4: {  	s25 =	simm.s32 $0x1B8E;
	s24 =	sld [smem:$0x3FFE];
	[sflag:s23] =	ssyncadd.s32 $0xFFFFFFFF  }
0xa5: {  	s26 =	simm.s32 $execute0_lowered;
	[smem:$0x3FD2] =	sst s25  }
0xa6: {  	s5 =	sshll.u32 s26, $0x1;
	_ =	strace $0x80000049;
	[dreg:$0x1] =	wrdreg $0xFFFFFFFF  }
0xa7: {  	s28 =	simm.s32 $_size_execute0_lowered;
	s3 =	sadd.s32 s3, s5;
	[dreg:$0x0] =	wrdreg $0x0  }
0xa8: {  	s5 =	sshll.u32 s28, $0x1;
	[dreg:$0x2] =	wrdreg s3  }
0xa9: {  	[dreg:$0x3] =	wrdreg s5  }
0xaa: {  	[dreg:$0x4] =	wrdreg $0xC0  }
0xab: {  	_ =	task [dreg:s7], $0x5FFFF  }
0xac: {  	[dreg:$0x1] =	wrdreg $0xFFFFFFFF  }
0xad: {  	[dreg:$0x0] =	wrdreg $0x60  }
0xae: {  	[dreg:$0x2] =	wrdreg s2  }
0xaf: {  	[dreg:$0x3] =	wrdreg s24  }
0xb0: {  	[dreg:$0x4] =	wrdreg $0xAC000  }
0xb1: {  	[dreg:$0x5] =	wrdreg $0x9  }
0xb2: {  	_ =	task.clear_ibuf [dreg:s7], $0x6FFFF;
	_ =	strace $0x90000049  }
0xb3: {  	s29 =	simm.s32 $0x9;
	_ =	strace $0x8000004B  }
0xb4: {  	_ =	swait.ge [sflag:s29], $0x1  }
0xb5: {  	[sflag:s29] =	ssyncadd.s32 $0xFFFFFFFF  }
0xb6: {  	_ =	strace $0x9000004B  }
0xb7: {  	_ =	sfence  }
0xb8: {  	s30 =	sld [smem:$0x0];
	_ =	sdelay $0x2  }
0xb9: {  	s31 =	sshll.u32 s1, $0xD;
	s1 =	sshrl.u32 s1, $0x2  }
0xba: {  	s3 =	sand.u32 $0x4000, s31;
	s1 =	sadd.s32 s1, s30  }
0xbb: {  	s0 =	sor.u32 s3, s0;
	s1 =	sshll.u32 s1, $0x11  }
0xbc: {  	s0 =	sor.u32 s1, s0  }
0xbd: {  	s0 =	sadd.s32 $0x8F2B, s0  }
0xbe: {  	[sflag:s0] =	ssyncadd.remote.s32 $0x1  }
0xbf: {  	_ =	sfence.sel $0xFFFF  }
0xc0: {  	[dreg:$0x0] =	wrdreg $0xFFFFFFFF;
	(pc) =	sbr.abs _section_cstart, $3  }
0xc1: {  	[dreg:$0x1] =	wrdreg $0xFFFFFFFF  }
0xc2: {  	_ =	task.clear_ibuf [dreg:s7], $0x2FFFF;
	_ =	strace $0x9FFFFFFF  }
0xc3: {  	(tm) =	ssettm $0x7FFFFFFF  }
tec
execute0_lowered:
.L_overlay_start_1:
0x0: {  	(tag) =	ssettag $0x1  }
0x1: {  	s0 =	srdreg.scid;
	s1 =	rddreg [dreg:$0x0]  }
0x2: {  	s8 =	rddreg [dreg:$0x1];
	s16 =	stileid.u32  }
0x3: {  	s2 =	rddreg [dreg:$0x2];
	s28 =	simm.s32 $0x3;
	s11 =	smul.u32 $0x14000, s16  }
0x4: {  	s30 =	simm.s32 $0x40;
	s31 =	simm.s32 $0x5C00;
	s10 =	smul.u32 $0x92, s16  }
0x5: {  	s0 =	sand.u32 $0x1, s0;
	s5 =	sadd.s32 $0x28C00, s8;
	s15 =	smul.u32 $0xB6, s16  }
0x6: {  	s6 =	sadd.s32 $0xC00, s8;
	s26 =	smul.u32 $0x50000, s16;
	s3 =	sshll.u32 s0, $0x4  }
0x7: {  	s7 =	smul.u32 $0x140000, s0;
	s14 =	ssub.s32 $0x2, s0;
	p0 =	seq.s32 s0, $0x0  }
0x8: {  	s4 =	sor.u32 s16, s3;
	s3 =	simm.s32 $0x0;
	s0 =	sshrl.u32 s26, $0x2  }
0x9: {  	s20 =	sadd.s32 s11, s2;
	s9 =	smul.u32 $0x5C0, s4;
	[smem:$0x7FF] =	sst s3  }
0xa: {  	s4 =	sadd.s32 $0x5C200, s8;
	s7 =	sadd.s32 s11, s7;
	s11 =	simm.s32 $0x8C00  }
0xb: {  	_ =	strace $0x8000004A;
	s13 =	sshrl.u32 s7, $0x3;
	s7 =	sadd.s32 $0xB60, s10  }
0xc: {  	s10 =	sshrl.u32 s14, $0x1;
	s12 =	sadd.s32 s9, s8;
	s29 =	sadd.s32 s13, s8  }
0xd: {  	s7 =	smov.u32 @p0 s15;
	s14 =	ssub.s32 s14, s10;
	s8 =	sadd.s32 s0, s2  }
0xe: {  	s15 =	sadd.s32 s1, s9;
	s1 =	simm.s32 $0x6400;
	s0 =	simm.s32 $0x6000  }
0xf: {  	s9 =	simm.s32 $0x6800;
	[dreg:$0x4] =	wrdreg s15;
	s17 =	sadd.s32 $0x100400, s12  }
0x10: {  	s13 =	sshll.u32 s7, $0x7;
	s19 =	sadd.s32 $0x10BC00, s29;
	[dreg:$0x5] =	wrdreg s17  }
0x11: {  	s22 =	smax.u32 s14, $0x1;
	s23 =	sadd.s32 $0x2000, s8;
	[dreg:$0x7] =	wrdreg s19  }
0x12: {  	s24 =	sadd.s32 $0x4000, s8;
	s25 =	sadd.s32 $0x6000, s8;
	[dreg:$0x8] =	wrdreg s22  }
0x13: {  	s26 =	sadd.s32 $0x8000, s8;
	s29 =	sadd.s32 $0xA000, s8;
	[dreg:$0x9] =	wrdreg s23  }
0x14: {  	s21 =	sadd.s32 $0xC000, s8;
	s12 =	simm.s32 $0x1;
	[dreg:$0xa] =	wrdreg s24  }
0x15: {  	s14 =	simm.s32 $0x2;
	s15 =	simm.s32 $0x0;
	[dreg:$0xb] =	wrdreg s25  }
0x16: {  	s10 =	sadd.s32 s4, s13;
	s13 =	simm.s32 $0x5B;
	[dreg:$0xc] =	wrdreg s26  }
0x17: {  	v0 =	vimm.f32 $0.0e+00;
	v1 =	vimm.s32 $0x0;
	v2 =	vimm.s32 $0x1;
	[dreg:$0xd] =	wrdreg s29;
	s22 =	sadd.s32 $0xE000, s8;
	s23 =	sadd.s32 $0x10000, s8  }
0x18: {  	v3 =	vimm.s32 $0x2;
	v4 =	vimm.s32 $0x3;
	v5 =	vimm.s32 $0x4;
	s24 =	sadd.s32 $0x12000, s8;
	s25 =	sshrl.u32 s20, $0x3;
	s18 =	sadd.s32 $0x80, s10  }
0x19: {  	v6 =	vimm.s32 $0x5;
	v7 =	vimm.s32 $0x6;
	v8 =	vimm.s32 $0x7;
	s26 =	simm.s32 $0x6C00;
	s13 =	simm.s32 @!p0 $0x49;
	[dreg:$0x6] =	wrdreg s18  }
.LBB2_1:
0x1a: {  	s16 =	simm.s32 $0x0;
	s17 =	simm.s32 $0x200  }
.LBB2_2:
0x1b: {  	p0 =	sne.s32 s17, $0x7E00;
	[tilespmem:s16+$0x6C70] =	vst v0  }
0x1c: {  	[tilespmem:s16+$0x6C00] =	vst v0  }
0x1d: {  	[tilespmem:s16+$0x6C10] =	vst v0  }
.Ltmp0:
0x1e: {  	[tilespmem:s16+$0x6C20] =	vst v0;
	(pc) =	sbr.rel @p0 .LBB2_2-.Ltmp0, $4  }
0x1f: {  	[tilespmem:s16+$0x6C30] =	vst v0  }
0x20: {  	[tilespmem:s16+$0x6C40] =	vst v0  }
0x21: {  	[tilespmem:s16+$0x6C50] =	vst v0  }
0x22: {  	[tilespmem:s16+$0x6C60] =	vst v0;
	s16 =	sshra.s32 s17, $0x2;
	s17 =	sadd.s32 $0x200, s17  }
0x23: {  	[tilespmem:s16+$0x6C70] =	vst v0  }
0x24: {  	[tilespmem:s16+$0x6C00] =	vst v0  }
0x25: {  	[tilespmem:s16+$0x6C10] =	vst v0  }
0x26: {  	[tilespmem:s16+$0x6C20] =	vst v0  }
0x27: {  	[tilespmem:s16+$0x6C30] =	vst v0  }
0x28: {  	[tilespmem:s16+$0x6C40] =	vst v0  }
0x29: {  	[tilespmem:s16+$0x6C50] =	vst v0  }
0x2a: {  	[tilespmem:s16+$0x6C60] =	vst v0  }
0x2b: {  	[spmem:s8] =	stream.linear.scatter [tilespmem:s26], [sflag:$0x3], $0x2000, $0x38;
	[tilespmem:$0x1EC00] =	vst v63  }
0x2c: {  	_ =	swait.ge [sflag:s28], $0x2000  }
0x2d: {  	[sflag:s28] =	ssyncset.done $0x0  }
0x2e: {  	s19 =	rddreg [dreg:$0x9];
	[sflag:s28] =	ssyncadd.s32 $0xFFFFE000  }
0x2f: {  	[spmem:s19] =	stream.linear.scatter [tilespmem:s26], [sflag:$0x3], $0x2000, $0x38;
	[tilespmem:$0x1EC00] =	vst v63  }
0x30: {  	_ =	swait.ge [sflag:s28], $0x2000  }
0x31: {  	[sflag:s28] =	ssyncset.done $0x0  }
0x32: {  	s20 =	rddreg [dreg:$0xa];
	[sflag:s28] =	ssyncadd.s32 $0xFFFFE000  }
0x33: {  	[spmem:s20] =	stream.linear.scatter [tilespmem:s26], [sflag:$0x3], $0x2000, $0x38;
	[tilespmem:$0x1EC00] =	vst v63  }
0x34: {  	_ =	swait.ge [sflag:s28], $0x2000  }
0x35: {  	[sflag:s28] =	ssyncset.done $0x0  }
0x36: {  	s29 =	rddreg [dreg:$0xb];
	[sflag:s28] =	ssyncadd.s32 $0xFFFFE000  }
0x37: {  	[spmem:s29] =	stream.linear.scatter [tilespmem:s26], [sflag:$0x3], $0x2000, $0x38;
	[tilespmem:$0x1EC00] =	vst v63  }
0x38: {  	_ =	swait.ge [sflag:s28], $0x2000  }
0x39: {  	[sflag:s28] =	ssyncset.done $0x0  }
0x3a: {  	s17 =	rddreg [dreg:$0xc];
	[sflag:s28] =	ssyncadd.s32 $0xFFFFE000  }
0x3b: {  	[spmem:s17] =	stream.linear.scatter [tilespmem:s26], [sflag:$0x3], $0x2000, $0x38;
	[tilespmem:$0x1EC00] =	vst v63  }
0x3c: {  	_ =	swait.ge [sflag:s28], $0x2000  }
0x3d: {  	[sflag:s28] =	ssyncset.done $0x0  }
0x3e: {  	s18 =	rddreg [dreg:$0xd];
	[sflag:s28] =	ssyncadd.s32 $0xFFFFE000  }
0x3f: {  	[spmem:s18] =	stream.linear.scatter [tilespmem:s26], [sflag:$0x3], $0x2000, $0x38;
	[tilespmem:$0x1EC00] =	vst v63  }
0x40: {  	_ =	swait.ge [sflag:s28], $0x2000  }
0x41: {  	[sflag:s28] =	ssyncset.done $0x0  }
0x42: {  	[sflag:s28] =	ssyncadd.s32 $0xFFFFE000  }
0x43: {  	[spmem:s21] =	stream.linear.scatter [tilespmem:s26], [sflag:$0x3], $0x2000, $0x38;
	[tilespmem:$0x1EC00] =	vst v63  }
0x44: {  	_ =	swait.ge [sflag:s28], $0x2000  }
0x45: {  	[sflag:s28] =	ssyncset.done $0x0  }
0x46: {  	[sflag:s28] =	ssyncadd.s32 $0xFFFFE000  }
0x47: {  	[spmem:s22] =	stream.linear.scatter [tilespmem:s26], [sflag:$0x3], $0x2000, $0x38;
	[tilespmem:$0x1EC00] =	vst v63  }
0x48: {  	_ =	swait.ge [sflag:s28], $0x2000  }
0x49: {  	[sflag:s28] =	ssyncset.done $0x0  }
0x4a: {  	[sflag:s28] =	ssyncadd.s32 $0xFFFFE000  }
0x4b: {  	[spmem:s23] =	stream.linear.scatter [tilespmem:s26], [sflag:$0x3], $0x2000, $0x38;
	[tilespmem:$0x1EC00] =	vst v63  }
0x4c: {  	_ =	swait.ge [sflag:s28], $0x2000  }
0x4d: {  	[sflag:s28] =	ssyncset.done $0x0  }
0x4e: {  	[sflag:s28] =	ssyncadd.s32 $0xFFFFE000  }
0x4f: {  	[spmem:s24] =	stream.linear.scatter [tilespmem:s26], [sflag:$0x3], $0x2000, $0x38;
	[tilespmem:$0x1EC00] =	vst v63  }
0x50: {  	_ =	swait.ge [sflag:s28], $0x2000  }
0x51: {  	[sflag:s28] =	ssyncset.done $0x0  }
0x52: {  	s16 =	simm.s32 $0x0;
	s17 =	rddreg [dreg:$0x4];
	[sflag:s28] =	ssyncadd.s32 $0xFFFFE000  }
0x53: {  	[tilespmem:s16], [sflag:$0x3] =	stream.linear.gather [hbm4b:s17+s16], $0x2E00, $0x38;
	[tilespmem:$0x1EC00] =	vst v63  }
0x54: {  	_ =	swait.ge [sflag:s28], $0x2E00  }
0x55: {  	[sflag:s28] =	ssyncset.done $0x0  }
0x56: {  	s18 =	simm.s32 $0x2E00;
	s19 =	rddreg [dreg:$0x5];
	[sflag:s28] =	ssyncadd.s32 $0xFFFFD200  }
0x57: {  	[tilespmem:s18], [sflag:$0x3] =	stream.linear.gather [hbm4b:s19+s16], $0x2E00, $0x38;
	[tilespmem:$0x1EC00] =	vst v63  }
0x58: {  	_ =	swait.ge [sflag:s28], $0x2E00  }
0x59: {  	[sflag:s28] =	ssyncset.done $0x0  }
0x5a: {  	[sflag:s28] =	ssyncadd.s32 $0xFFFFD200  }
0x5b: {  	[bflag:$0x0] =	sbarrier.arrive $0xFFFF  }
0x5c: {  	[tilespmem:s31], [sflag:$0x1] =	stream.indirect.gather [hbm4b:s5+s30], $0x10, s18, s30, $0xb8;
	[tilespmem:$0x1EC00] =	vst v63  }
0x5d: {  	_ = 	snop  }
0x5e: {  	[tilespmem:s1], [sflag:$0x1] =	stream.linear.gather [hbm4b:s10+s16], $0x400, $0x38;
	[tilespmem:$0x1EC00] =	vst v63  }
0x5f: {  	_ = 	snop  }
0x60: {  	[tilespmem:s26], [sflag:$0x1] =	stream.indirect.gather [hbm4b:s6+s30], $0x80, s16, s30, $0xb8;
	[tilespmem:$0x1EC00] =	vst v63  }
0x61: {  	s20 =	simm.s32 $0x2E40  }
0x62: {  	[tilespmem:s0], [sflag:$0x2] =	stream.indirect.gather [hbm4b:s5+s30], $0x10, s20, s30, $0xb8;
	[tilespmem:$0x1EC00] =	vst v63  }
0x63: {  	s29 =	rddreg [dreg:$0x6]  }
0x64: {  	[tilespmem:s9], [sflag:$0x2] =	stream.linear.gather [hbm4b:s29+s16], $0x400, $0x38;
	[tilespmem:$0x1EC00] =	vst v63  }
0x65: {  	_ = 	snop  }
0x66: {  	[tilespmem:s11], [sflag:$0x2] =	stream.indirect.gather [hbm4b:s6+s30], $0x80, s30, s30, $0xb8;
	[tilespmem:$0x1EC00] =	vst v63  }
.LBB2_4:
0x67: {  	_ =	swait.ge [sflag:s12], $0x400  }
0x68: {  	[sflag:s12] =	ssyncset.done $0x0  }
0x69: {  	[sflag:s12] =	ssyncadd.s32 $0xFFFFFC00  }
0x6a: {  	_ =	swait.ge [sflag:s12], $0x400  }
0x6b: {  	[sflag:s12] =	ssyncset.done $0x0  }
0x6c: {  	[sflag:s12] =	ssyncadd.s32 $0xFFFFFC00  }
0x6d: {  	_ =	swait.ge [sflag:s12], $0x2000  }
0x6e: {  	[sflag:s12] =	ssyncset.done $0x0  }
0x6f: {  	s17 =	simm.s32 $0x0;
	[sflag:s12] =	ssyncadd.s32 $0xFFFFE000  }
0x70: {  	v9 =	vld [tilespmem:s17+$0x6400]  }
0x71: {  	v10 =	vld [tilespmem:s17+$0x5C00];
	_ =	sdelay $0x2  }
0x72: {  	s17 =	simm.s32 $0x6C40  }
0x73: {  	v11 =	vld [tilespmem:s17+$0xFFFFFFC0]  }
0x74: {  	v12 =	vld [tilespmem:s17+$0xFFFFFFD0];
	v9 =	vmul.f32 v9, v10  }
0x75: {  	v13 =	vld [tilespmem:s17+$0xFFFFFFF0]  }
0x76: {  	v10 =	vld [tilespmem:s17+$0xFFFFFFE0];
	v14 =	vperm.xlane v9, v1  }
0x77: {  	v61 =	vld [tilespmem:s17+$0x20];
	v15 =	vperm.xlane v9, v2  }
0x78: {  	v16 =	vld [tilespmem:s17+$0x0];
	v60 =	vperm.xlane v9, v4;
	v11 =	vmul.f32 v11, v14  }
0x79: {  	v17 =	vld [tilespmem:s17+$0x10];
	v18 =	vperm.xlane v9, v3;
	v12 =	vmul.f32 v12, v15  }
0x7a: {  	v19 =	vld [tilespmem:s17+$0x30];
	v63 =	vperm.xlane v9, v7;
	v13 =	vmul.f32 v13, v60;
	[tilespmem:s17+$0xFFFFFFC0] =	vst v11  }
0x7b: {  	v10 =	vmul.f32 v10, v18;
	v11 =	vperm.xlane v9, v5;
	[tilespmem:s17+$0xFFFFFFD0] =	vst v12  }
0x7c: {  	v62 =	vperm.xlane v9, v6;
	[tilespmem:s17+$0xFFFFFFF0] =	vst v13;
	v12 =	vmul.f32 v61, v63  }
0x7d: {  	v9 =	vperm.xlane v9, v8;
	[tilespmem:s17+$0xFFFFFFE0] =	vst v10;
	v10 =	vmul.f32 v16, v11  }
0x7e: {  	v11 =	vmul.f32 v17, v62;
	[tilespmem:s17+$0x20] =	vst v12  }
0x7f: {  	v9 =	vmul.f32 v19, v9;
	[tilespmem:s17+$0x0] =	vst v10  }
0x80: {  	[tilespmem:s17+$0x10] =	vst v11  }
0x81: {  	s19 =	simm.s32 $0x10;
	[tilespmem:s17+$0x30] =	vst v9  }
0x82: {  	s18 =	simm.s32 $0x80;
	v9 =	vld [tilespmem:s19+$0x6400]  }
.LBB2_5:
0x83: {  	p0 =	sne.s32 s18, $0xFC0;
	v10 =	vld [tilespmem:s19+$0x5C00]  }
0x84: {  	s17 =	sadd.s32 $0x80, s17  }
0x85: {  	v11 =	vld [tilespmem:s17+$0xFFFFFFF0]  }
0x86: {  	v12 =	vld [tilespmem:s17+$0xFFFFFFD0]  }
0x87: {  	v13 =	vld [tilespmem:s17+$0xFFFFFFC0]  }
0x88: {  	v9 =	vmul.f32 v9, v10;
	v10 =	vld [tilespmem:s17+$0xFFFFFFE0]  }
0x89: {  	v14 =	vld [tilespmem:s17+$0x30]  }
0x8a: {  	v15 =	vperm.xlane v9, v1;
	v16 =	vperm.xlane v9, v2;
	v17 =	vld [tilespmem:s17+$0x10]  }
0x8b: {  	v18 =	vperm.xlane v9, v3;
	v19 =	vperm.xlane v9, v4;
	v20 =	vld [tilespmem:s17+$0x0]  }
0x8c: {  	v13 =	vmul.f32 v13, v15;
	v12 =	vmul.f32 v12, v16;
	v15 =	vld [tilespmem:s17+$0x20]  }
0x8d: {  	v11 =	vmul.f32 v11, v19;
	v10 =	vmul.f32 v10, v18  }
0x8e: {  	v16 =	vperm.xlane v9, v6;
	[tilespmem:s17+$0xFFFFFFC0] =	vst v13;
	v13 =	vperm.xlane v9, v5  }
0x8f: {  	[tilespmem:s17+$0xFFFFFFD0] =	vst v12;
	v12 =	vperm.xlane v9, v7;
	v9 =	vperm.xlane v9, v8  }
0x90: {  	[tilespmem:s17+$0xFFFFFFE0] =	vst v10;
	v10 =	vmul.f32 v20, v13;
	v13 =	vmul.f32 v17, v16  }
0x91: {  	[tilespmem:s17+$0xFFFFFFF0] =	vst v11;
	v11 =	vmul.f32 v15, v12;
	v9 =	vmul.f32 v14, v9  }
.Ltmp1:
0x92: {  	[tilespmem:s17+$0x0] =	vst v10;
	(pc) =	sbr.rel @p0 .LBB2_5-.Ltmp1, $4  }
0x93: {  	[tilespmem:s17+$0x10] =	vst v13  }
0x94: {  	[tilespmem:s17+$0x20] =	vst v11  }
0x95: {  	s19 =	sshra.s32 s18, $0x2;
	[tilespmem:s17+$0x30] =	vst v9  }
0x96: {  	s18 =	sadd.s32 $0x40, s18;
	v9 =	vld [tilespmem:s19+$0x6400]  }
0x97: {  	v10 =	vld [tilespmem:s19+$0x5C00];
	_ =	sdelay $0x2  }
0x98: {  	s17 =	sadd.s32 $0x80, s17  }
0x99: {  	v11 =	vld [tilespmem:s17+$0xFFFFFFC0]  }
0x9a: {  	v12 =	vld [tilespmem:s17+$0xFFFFFFD0];
	v9 =	vmul.f32 v9, v10  }
0x9b: {  	v13 =	vld [tilespmem:s17+$0xFFFFFFF0]  }
0x9c: {  	v10 =	vld [tilespmem:s17+$0xFFFFFFE0];
	v14 =	vperm.xlane v9, v1  }
0x9d: {  	v49 =	vld [tilespmem:s17+$0x20];
	v15 =	vperm.xlane v9, v2  }
0x9e: {  	v16 =	vld [tilespmem:s17+$0x0];
	v48 =	vperm.xlane v9, v4;
	v11 =	vmul.f32 v11, v14  }
0x9f: {  	v17 =	vld [tilespmem:s17+$0x10];
	v18 =	vperm.xlane v9, v3;
	v12 =	vmul.f32 v12, v15  }
0xa0: {  	v19 =	vld [tilespmem:s17+$0x30];
	v51 =	vperm.xlane v9, v7;
	v13 =	vmul.f32 v13, v48;
	[tilespmem:s17+$0xFFFFFFC0] =	vst v11  }
0xa1: {  	v10 =	vmul.f32 v10, v18;
	v11 =	vperm.xlane v9, v5;
	[tilespmem:s17+$0xFFFFFFD0] =	vst v12  }
0xa2: {  	v50 =	vperm.xlane v9, v6;
	[tilespmem:s17+$0xFFFFFFF0] =	vst v13;
	v12 =	vmul.f32 v49, v51  }
0xa3: {  	v9 =	vperm.xlane v9, v8;
	[tilespmem:s17+$0xFFFFFFE0] =	vst v10;
	v10 =	vmul.f32 v16, v11  }
0xa4: {  	v11 =	vmul.f32 v17, v50;
	[tilespmem:s17+$0x20] =	vst v12  }
0xa5: {  	s18 =	sshll.u32 s16, $0x9;
	v9 =	vmul.f32 v19, v9;
	[tilespmem:s17+$0x0] =	vst v10  }
0xa6: {  	s18 =	sshra.s32 s18, $0x2;
	[tilespmem:s17+$0x10] =	vst v11  }
0xa7: {  	s20 =	sadd.s32 $0x2E00, s18;
	[tilespmem:s17+$0x30] =	vst v9;
	s17 =	sshll.u32 s16, $0x1  }
0xa8: {  	[spmem:s2] =	stream.indirect.scatter.add.f32 [tilespmem:s26], [sflag:$0x3], $0x80, s20, s30, $0xb8;
	[tilespmem:$0x1EC00] =	vst v63  }
0xa9: {  	s19 =	sadd.s32 $0x2, s17;
	_ =	swait.ge [sflag:s28], $0x2000  }
0xaa: {  	s20 =	sshll.u32 s19, $0x6;
	s19 =	sadd.s32 s7, s19;
	[sflag:s28] =	ssyncset.done $0x0  }
0xab: {  	s29 =	sadd.s32 $0x2E00, s20;
	s19 =	sshll.u32 s19, $0x7;
	[sflag:s28] =	ssyncadd.s32 $0xFFFFE000  }
0xac: {  	[tilespmem:s31], [sflag:$0x1] =	stream.indirect.gather [hbm4b:s5+s30], $0x10, s29, s30, $0xb8;
	[tilespmem:$0x1EC00] =	vst v63  }
0xad: {  	s19 =	sadd.s32 s4, s19;
	s29 =	simm.s32 $0x0  }
0xae: {  	[tilespmem:s1], [sflag:$0x1] =	stream.linear.gather [hbm4b:s19+s29], $0x400, $0x38;
	[tilespmem:$0x1EC00] =	vst v63  }
0xaf: {  	_ = 	snop  }
0xb0: {  	[tilespmem:s26], [sflag:$0x1] =	stream.indirect.gather [hbm4b:s6+s30], $0x80, s20, s30, $0xb8;
	[tilespmem:$0x1EC00] =	vst v63  }
0xb1: {  	_ =	swait.ge [sflag:s14], $0x400  }
0xb2: {  	[sflag:s14] =	ssyncset.done $0x0  }
0xb3: {  	[sflag:s14] =	ssyncadd.s32 $0xFFFFFC00  }
0xb4: {  	_ =	swait.ge [sflag:s14], $0x400  }
0xb5: {  	[sflag:s14] =	ssyncset.done $0x0  }
0xb6: {  	[sflag:s14] =	ssyncadd.s32 $0xFFFFFC00  }
0xb7: {  	_ =	swait.ge [sflag:s14], $0x2000  }
0xb8: {  	[sflag:s14] =	ssyncset.done $0x0  }
0xb9: {  	s20 =	simm.s32 $0x0;
	[sflag:s14] =	ssyncadd.s32 $0xFFFFE000  }
0xba: {  	v9 =	vld [tilespmem:s20+$0x6800]  }
0xbb: {  	v10 =	vld [tilespmem:s20+$0x6000];
	_ =	sdelay $0x2  }
0xbc: {  	s19 =	simm.s32 $0x8C40  }
0xbd: {  	v11 =	vld [tilespmem:s19+$0xFFFFFFC0]  }
0xbe: {  	v52 =	vld [tilespmem:s19+$0xFFFFFFD0];
	v9 =	vmul.f32 v9, v10  }
0xbf: {  	v53 =	vld [tilespmem:s19+$0xFFFFFFF0]  }
0xc0: {  	v10 =	vld [tilespmem:s19+$0xFFFFFFE0];
	v54 =	vperm.xlane v9, v1  }
0xc1: {  	v60 =	vld [tilespmem:s19+$0x20];
	v55 =	vperm.xlane v9, v2  }
0xc2: {  	v56 =	vld [tilespmem:s19+$0x0];
	v59 =	vperm.xlane v9, v4;
	v11 =	vmul.f32 v11, v54  }
0xc3: {  	v57 =	vld [tilespmem:s19+$0x10];
	v58 =	vperm.xlane v9, v3;
	v12 =	vmul.f32 v52, v55  }
0xc4: {  	v61 =	vld [tilespmem:s19+$0x30];
	v63 =	vperm.xlane v9, v7;
	v13 =	vmul.f32 v53, v59;
	[tilespmem:s19+$0xFFFFFFC0] =	vst v11  }
0xc5: {  	v10 =	vmul.f32 v10, v58;
	v11 =	vperm.xlane v9, v5;
	[tilespmem:s19+$0xFFFFFFD0] =	vst v12  }
0xc6: {  	v62 =	vperm.xlane v9, v6;
	[tilespmem:s19+$0xFFFFFFF0] =	vst v13;
	v12 =	vmul.f32 v60, v63  }
0xc7: {  	v9 =	vperm.xlane v9, v8;
	[tilespmem:s19+$0xFFFFFFE0] =	vst v10;
	v10 =	vmul.f32 v56, v11  }
0xc8: {  	v11 =	vmul.f32 v57, v62;
	[tilespmem:s19+$0x20] =	vst v12  }
0xc9: {  	v9 =	vmul.f32 v61, v9;
	[tilespmem:s19+$0x0] =	vst v10  }
0xca: {  	[tilespmem:s19+$0x10] =	vst v11  }
0xcb: {  	s29 =	simm.s32 $0x10;
	[tilespmem:s19+$0x30] =	vst v9  }
0xcc: {  	s20 =	simm.s32 $0x80;
	v9 =	vld [tilespmem:s29+$0x6800]  }
.LBB2_7:
0xcd: {  	p0 =	sne.s32 s20, $0xFC0;
	v10 =	vld [tilespmem:s29+$0x6000]  }
0xce: {  	s19 =	sadd.s32 $0x80, s19  }
0xcf: {  	v11 =	vld [tilespmem:s19+$0xFFFFFFF0]  }
0xd0: {  	v12 =	vld [tilespmem:s19+$0xFFFFFFD0]  }
0xd1: {  	v13 =	vld [tilespmem:s19+$0xFFFFFFC0]  }
0xd2: {  	v9 =	vmul.f32 v9, v10;
	v10 =	vld [tilespmem:s19+$0xFFFFFFE0]  }
0xd3: {  	v14 =	vld [tilespmem:s19+$0x30]  }
0xd4: {  	v15 =	vperm.xlane v9, v1;
	v16 =	vperm.xlane v9, v2;
	v17 =	vld [tilespmem:s19+$0x10]  }
0xd5: {  	v18 =	vperm.xlane v9, v3;
	v19 =	vperm.xlane v9, v4;
	v20 =	vld [tilespmem:s19+$0x0]  }
0xd6: {  	v13 =	vmul.f32 v13, v15;
	v12 =	vmul.f32 v12, v16;
	v15 =	vld [tilespmem:s19+$0x20]  }
0xd7: {  	v11 =	vmul.f32 v11, v19;
	v10 =	vmul.f32 v10, v18  }
0xd8: {  	v16 =	vperm.xlane v9, v6;
	[tilespmem:s19+$0xFFFFFFC0] =	vst v13;
	v13 =	vperm.xlane v9, v5  }
0xd9: {  	[tilespmem:s19+$0xFFFFFFD0] =	vst v12;
	v12 =	vperm.xlane v9, v7;
	v9 =	vperm.xlane v9, v8  }
0xda: {  	[tilespmem:s19+$0xFFFFFFE0] =	vst v10;
	v10 =	vmul.f32 v20, v13;
	v13 =	vmul.f32 v17, v16  }
0xdb: {  	[tilespmem:s19+$0xFFFFFFF0] =	vst v11;
	v11 =	vmul.f32 v15, v12;
	v9 =	vmul.f32 v14, v9  }
.Ltmp2:
0xdc: {  	[tilespmem:s19+$0x0] =	vst v10;
	(pc) =	sbr.rel @p0 .LBB2_7-.Ltmp2, $4  }
0xdd: {  	[tilespmem:s19+$0x10] =	vst v13  }
0xde: {  	[tilespmem:s19+$0x20] =	vst v11  }
0xdf: {  	s29 =	sshra.s32 s20, $0x2;
	[tilespmem:s19+$0x30] =	vst v9  }
0xe0: {  	s20 =	sadd.s32 $0x40, s20;
	v9 =	vld [tilespmem:s29+$0x6800]  }
0xe1: {  	v10 =	vld [tilespmem:s29+$0x6000];
	_ =	sdelay $0x2  }
0xe2: {  	s19 =	sadd.s32 $0x80, s19  }
0xe3: {  	v11 =	vld [tilespmem:s19+$0xFFFFFFC0]  }
0xe4: {  	v12 =	vld [tilespmem:s19+$0xFFFFFFD0];
	v9 =	vmul.f32 v9, v10  }
0xe5: {  	v13 =	vld [tilespmem:s19+$0xFFFFFFF0]  }
0xe6: {  	v10 =	vld [tilespmem:s19+$0xFFFFFFE0];
	v14 =	vperm.xlane v9, v1  }
0xe7: {  	v61 =	vld [tilespmem:s19+$0x20];
	v15 =	vperm.xlane v9, v2  }
0xe8: {  	v16 =	vld [tilespmem:s19+$0x0];
	v60 =	vperm.xlane v9, v4;
	v11 =	vmul.f32 v11, v14  }
0xe9: {  	v17 =	vld [tilespmem:s19+$0x10];
	v18 =	vperm.xlane v9, v3;
	v12 =	vmul.f32 v12, v15  }
0xea: {  	v19 =	vld [tilespmem:s19+$0x30];
	v63 =	vperm.xlane v9, v7;
	v13 =	vmul.f32 v13, v60;
	[tilespmem:s19+$0xFFFFFFC0] =	vst v11  }
0xeb: {  	v10 =	vmul.f32 v10, v18;
	v11 =	vperm.xlane v9, v5;
	[tilespmem:s19+$0xFFFFFFD0] =	vst v12  }
0xec: {  	v62 =	vperm.xlane v9, v6;
	[tilespmem:s19+$0xFFFFFFF0] =	vst v13;
	v12 =	vmul.f32 v61, v63  }
0xed: {  	v9 =	vperm.xlane v9, v8;
	[tilespmem:s19+$0xFFFFFFE0] =	vst v10;
	v10 =	vmul.f32 v16, v11  }
0xee: {  	v11 =	vmul.f32 v17, v62;
	[tilespmem:s19+$0x20] =	vst v12  }
0xef: {  	v9 =	vmul.f32 v19, v9;
	[tilespmem:s19+$0x0] =	vst v10  }
0xf0: {  	[tilespmem:s19+$0x10] =	vst v11  }
0xf1: {  	s18 =	sadd.s32 $0x2E40, s18;
	[tilespmem:s19+$0x30] =	vst v9  }
0xf2: {  	[spmem:s2] =	stream.indirect.scatter.add.f32 [tilespmem:s11], [sflag:$0x3], $0x80, s18, s30, $0xb8;
	[tilespmem:$0x1EC00] =	vst v63  }
0xf3: {  	s17 =	sadd.s32 $0x3, s17;
	s16 =	sadd.s32 $0x1, s16;
	_ =	swait.ge [sflag:s28], $0x2000  }
0xf4: {  	s20 =	sshll.u32 s17, $0x6;
	s17 =	sadd.s32 s7, s17;
	[sflag:s28] =	ssyncset.done $0x0  }
0xf5: {  	p0 =	sne.s32 s16, s13;
	s29 =	sadd.s32 $0x2E00, s20;
	[sflag:s28] =	ssyncadd.s32 $0xFFFFE000  }
0xf6: {  	[tilespmem:s0], [sflag:$0x2] =	stream.indirect.gather [hbm4b:s5+s30], $0x10, s29, s30, $0xb8;
	[tilespmem:$0x1EC00] =	vst v63  }
.Ltmp3:
0xf7: {  	s17 =	sshll.u32 s17, $0x7;
	(pc) =	sbr.rel @p0 .LBB2_4-.Ltmp3, $4  }
0xf8: {  	s17 =	sadd.s32 s4, s17  }
0xf9: {  	[tilespmem:s9], [sflag:$0x2] =	stream.linear.gather [hbm4b:s17+s3], $0x400, $0x38;
	[tilespmem:$0x1EC00] =	vst v63  }
0xfa: {  	_ = 	snop  }
0xfb: {  	[tilespmem:s11], [sflag:$0x2] =	stream.indirect.gather [hbm4b:s6+s30], $0x80, s20, s30, $0xb8;
	[tilespmem:$0x1EC00] =	vst v63  }
0xfc: {  	_ =	swait.ge [sflag:s12], $0x400  }
0xfd: {  	[sflag:s12] =	ssyncset.done $0x0  }
0xfe: {  	[sflag:s12] =	ssyncadd.s32 $0xFFFFFC00  }
0xff: {  	_ =	swait.ge [sflag:s12], $0x400  }
0x100: {  	[sflag:s12] =	ssyncset.done $0x0  }
0x101: {  	[sflag:s12] =	ssyncadd.s32 $0xFFFFFC00  }
0x102: {  	_ =	swait.ge [sflag:s12], $0x2000  }
0x103: {  	[sflag:s12] =	ssyncset.done $0x0  }
0x104: {  	[sflag:s12] =	ssyncadd.s32 $0xFFFFE000  }
0x105: {  	_ =	swait.ge [sflag:s14], $0x400  }
0x106: {  	[sflag:s14] =	ssyncset.done $0x0  }
0x107: {  	[sflag:s14] =	ssyncadd.s32 $0xFFFFFC00  }
0x108: {  	_ =	swait.ge [sflag:s14], $0x400  }
0x109: {  	[sflag:s14] =	ssyncset.done $0x0  }
0x10a: {  	[sflag:s14] =	ssyncadd.s32 $0xFFFFFC00  }
0x10b: {  	_ =	swait.ge [sflag:s14], $0x2000  }
0x10c: {  	[sflag:s14] =	ssyncset.done $0x0  }
0x10d: {  	s16 =	stileid.u32;
	[sflag:s14] =	ssyncadd.s32 $0xFFFFE000  }
0x10e: {  	s16 =	sshll.u32 s16, $0x6;
	[bflag:$0x0] =	sbarrier.arrive $0xFFFF  }
0x10f: {  	s16 =	sor.u32 $0x1C03, s16;
	s17 =	rddreg [dreg:$0x7]  }
0x110: {  	[hbm:s17], [sflag:s16] =	dma.local [spmem:s25], $0x2800  }
0x111: {  	_ =	swait.ge [sflag:s28], $0x2800  }
0x112: {  	s15 =	sadd.s32 $0x1, s15;
	s29 =	rddreg [dreg:$0x8]  }
0x113: {  	p0 =	sne.s32 s15, s29  }
.Ltmp4:
0x114: {  	_ = 	snop;
	(pc) =	sbr.rel @p0 .LBB2_1-.Ltmp4, $3  }
0x115: {  	_ =	sdelay $0x1  }
0x116: {  	[sflag:s28] =	ssyncset.done $0x0  }
0x117: {  	[sflag:s28] =	ssyncadd.s32 $0xFFFFD800  }
0x118: {  	_ =	sfence.sel $0x180000  }
0x119: {  	[bflag:$0x0] =	sbarrier.arrive $0xFFFF  }
0x11a: {  	_ =	strace $0x9000004A  }
0x11b: {  	s0 =	stileid.u32;
	[bflag:$0x2] =	sbarrier.arrive $0xFFFF  }
0x11c: {  	p0 =	sne.s32 s0, $0x0;
	s0 =	rddreg [dreg:$0x3]  }
0x11d: {  	s0 =	sadd.s32 @!p0 $0x100000, s0  }
0x11e: {  	[sflag:s0] =	ssyncadd.tile.s32 @!p0 $0x1;
	_ =	shalt  }
.Lfunc_end2:
_tile_overlayer_lowered:
.L_overlay_start_2:
0x11f: {  	(tag) =	ssettag $0x2  }
0x120: {  	s0 =	rddreg [dreg:$0x0];
	s2 =	stileid.u32  }
0x121: {  	s1 =	rddreg [dreg:$0x1];
	p0 =	sne.s32 s2, $0x0  }
0x122: {  	s3 =	rddreg [dreg:$0x2];
	[bflag:$0x3] =	sbarrier.arrive $0xFFFF;
	s2 =	simm.s32 @!p0 $0x1C03  }
0x123: {  	[timem:s3], [sflag:s2] =	dma.local @!p0 [hbm:s0], s1  }
0x124: {  	s0 =	simm.s32 @!p0 $0x3  }
0x125: {  	_ =	swait.ge @!p0 [sflag:s0], s1  }
0x126: {  	s1 =	ssub.s32 @!p0 $0x0, s1;
	[sflag:s0] =	ssyncset.done @!p0 $0x0  }
0x127: {  	[sflag:s0] =	ssyncadd.s32 @!p0 s1  }
0x128: {  	[bflag:$0x3] =	sbarrier.arrive $0xFFFF  }
0x129: {  	_ =	shalt  }

// kernel: kernel.7.cloned.1.call-start
scs
__scs_entry_jumppad:
0x0: {  	(pc) =	sbr.rel $0x88, $3  }
0x1: {  	(tag) =	ssettag $0x0;
	lr =	simm.s32 $0x1  }
0x2: {  	[smem:$0x3F9B] =	sst lr;
	_ =	strace $0xD0000000  }
0x3: {  	_ = 	snop  }
0x4: {  	_ = 	snop  }
0x5: {  	_ = 	snop  }
0x6: {  	_ = 	snop  }
0x7: {  	_ = 	snop  }
__scs_overlays_trampoline_lowered:
0x8: {  	[smem:$0x3FAA] =	sst s0  }
0x9: {  	[smem:$0x3FAB] =	sst s1  }
0xa: {  	[smem:$0x3FAC] =	sst s2  }
0xb: {  	[smem:$0x3FAD] =	sst s3  }
0xc: {  	[smem:$0x3FAE] =	sst s4  }
0xd: {  	[smem:$0x3FAF] =	sst s5  }
0xe: {  	[smem:$0x3FB0] =	sst s6  }
0xf: {  	[smem:$0x3FB1] =	sst s7  }
0x10: {  	[smem:$0x3FB2] =	sst s8  }
0x11: {  	[smem:$0x3FB3] =	sst s9;
	s0 =	simm.s32 @!p0 $0x0  }
0x12: {  	s1 =	sld [smem:$0x3F99];
	s0 =	simm.s32 @p0 $0x1  }
0x13: {  	[smem:$0x3FB4] =	sst s0;
	s0 =	simm.s32 @!p1 $0x0  }
0x14: {  	s2 =	sld [smem:$0x3F98];
	s0 =	simm.s32 @p1 $0x1  }
0x15: {  	[smem:$0x3FB5] =	sst s0;
	s0 =	simm.s32 @!p2 $0x0  }
0x16: {  	s3 =	sld [smem:$0x3FDB];
	s0 =	simm.s32 @p2 $0x1  }
0x17: {  	s4 =	simm.s32 $0x1BF5;
	[smem:$0x3FB7] =	sst s0  }
0x18: {  	s0 =	sld [smem:$0x3F9A];
	_ =	swait.ge [sflag:s4], $0x0  }
0x19: {  	s7 =	sld [smem:$0x3F9B]  }
0x1a: {  	s8 =	sadd.s32 $0xFFFFE003, lr  }
0x1b: {  	s9 =	sadd.s32 $0xFFFFFEF7, lr;
	s5 =	simm.s32 $0xFFFFFFFF;
	p2 =	slt.u32 s8, $0xFFFFF086  }
0x1c: {  	p1 =	slt.u32 s9, $0xF7A;
	s5 =	simm.s32 @!p2 $0x0  }
0x1d: {  	s5 =	simm.s32 @p1 $0x1;
	p0 =	seq.s32 s7, s2  }
0x1e: {  	s7 =	smul.u32 @!p0 $0xF7A, s2;
	p2 =	seq.s32 @!p0 s5, $0x0  }
0x1f: {  	s9 =	smul.u32 $0xF7A, s1;
	s8 =	simm.s32 @!p0 $0x1BF5;
	p2 =	por !p2, p0  }
0x20: {  	[sflag:s8] =	ssyncset.s32 @!p0 $0xFFFFF086;
	s6 =	sadd.s32 @!p0 s3, s7;
	s7 =	simm.s32 @!p0 $0x108  }
0x21: {  	s3 =	sadd.s32 s3, s9;
	s6 =	sadd.s32 @!p0 $0x88, s6;
	s7 =	simm.s32 @p2 $0x1082  }
0x22: {  	[simem:s7], [sflag:s8] =	dma.local @!p0 [hbm:s6], $0xF7A  }
0x23: {  	s9 =	sor.u32 $0xD0000000, s2;
	s6 =	simm.s32 $0x108;
	_ =	swait.ge @!p0 [sflag:s8], $0x0  }
0x24: {  	s3 =	sadd.s32 $0x88, s3;
	s6 =	simm.s32 @!p1 $0x1082;
	[sflag:s4] =	ssyncset.s32 $0xFFFFF086  }
0x25: {  	[simem:s6], [sflag:s4] =	dma.local [hbm:s3], $0xF7A  }
0x26: {  	[smem:$0x3F9B] =	sst s1;
	(tag) =	ssettag s2;
	_ =	strace s9  }
0x27: {  	s1 =	sld [smem:$0x3FAB]  }
0x28: {  	s2 =	sld [smem:$0x3FAC]  }
0x29: {  	s4 =	sld [smem:$0x3FAE]  }
0x2a: {  	p0 =	seq.s32 s5, $0x0;
	s5 =	sld [smem:$0x3FAF]  }
0x2b: {  	s6 =	sld [smem:$0x3FB0]  }
0x2c: {  	s7 =	sld [smem:$0x3FB1]  }
0x2d: {  	s3 =	simm.s32 $0x108;
	s8 =	sld [smem:$0x3FB2]  }
0x2e: {  	s3 =	simm.s32 @!p0 $0x1082;
	s9 =	sld [smem:$0x3FB3]  }
0x2f: {  	lr =	sadd.s32 s0, s3;
	s0 =	sld [smem:$0x3FAA]  }
0x30: {  	s3 =	sld [smem:$0x3FAD]  }
0x31: {  	[smem:$0x3FB6] =	sst s10  }
0x32: {  	s10 =	sld [smem:$0x3FB4];
	_ =	sdelay $0x3  }
0x33: {  	p0 =	seq.s32 s10, $0x1;
	s10 =	sld [smem:$0x3FB6];
	_ =	sdelay $0x3  }
0x34: {  	[smem:$0x3FB6] =	sst s10  }
0x35: {  	s10 =	sld [smem:$0x3FB5];
	_ =	sdelay $0x3  }
0x36: {  	p1 =	seq.s32 s10, $0x1;
	s10 =	sld [smem:$0x3FB6];
	_ =	sdelay $0x3  }
0x37: {  	[smem:$0x3FB6] =	sst s10  }
0x38: {  	s10 =	sld [smem:$0x3FB7]  }
0x39: {  	_ = 	snop;
	(pc) =	sbr.ind lr, $3  }
0x3a: {  	_ = 	snop  }
0x3b: {  	_ = 	snop  }
0x3c: {  	p2 =	seq.s32 s10, $0x1;
	s10 =	sld [smem:$0x3FB6]  }
0x3d: {  	_ =	shalt  }
0x3e: {  	_ =	shalt  }
0x3f: {  	_ =	shalt  }
0x40: {  	_ =	shalt  }
0x41: {  	_ =	shalt  }
0x42: {  	_ =	shalt  }
0x43: {  	_ =	shalt  }
0x44: {  	_ =	shalt  }
0x45: {  	_ =	shalt  }
0x46: {  	_ =	shalt  }
0x47: {  	_ =	shalt  }
0x48: {  	_ =	shalt  }
0x49: {  	_ =	shalt  }
0x4a: {  	_ =	shalt  }
0x4b: {  	_ =	shalt  }
0x4c: {  	_ =	shalt  }
0x4d: {  	_ =	shalt  }
0x4e: {  	_ =	shalt  }
0x4f: {  	_ =	shalt  }
0x50: {  	_ =	shalt  }
0x51: {  	_ =	shalt  }
0x52: {  	_ =	shalt  }
0x53: {  	_ =	shalt  }
0x54: {  	_ =	shalt  }
0x55: {  	_ =	shalt  }
0x56: {  	_ =	shalt  }
0x57: {  	_ =	shalt  }
0x58: {  	_ =	shalt  }
0x59: {  	_ =	shalt  }
0x5a: {  	_ =	shalt  }
0x5b: {  	_ =	shalt  }
0x5c: {  	_ =	shalt  }
0x5d: {  	_ =	shalt  }
0x5e: {  	_ =	shalt  }
0x5f: {  	_ =	shalt  }
0x60: {  	_ =	shalt  }
0x61: {  	_ =	shalt  }
0x62: {  	_ =	shalt  }
0x63: {  	_ =	shalt  }
0x64: {  	_ =	shalt  }
0x65: {  	_ =	shalt  }
0x66: {  	_ =	shalt  }
0x67: {  	_ =	shalt  }
0x68: {  	_ =	shalt  }
0x69: {  	_ =	shalt  }
0x6a: {  	_ =	shalt  }
0x6b: {  	_ =	shalt  }
0x6c: {  	_ =	shalt  }
0x6d: {  	_ =	shalt  }
0x6e: {  	_ =	shalt  }
0x6f: {  	_ =	shalt  }
0x70: {  	_ =	shalt  }
0x71: {  	_ =	shalt  }
0x72: {  	_ =	shalt  }
0x73: {  	_ =	shalt  }
0x74: {  	_ =	shalt  }
0x75: {  	_ =	shalt  }
0x76: {  	_ =	shalt  }
0x77: {  	_ =	shalt  }
0x78: {  	_ =	shalt  }
0x79: {  	_ =	shalt  }
0x7a: {  	_ =	shalt  }
0x7b: {  	_ =	shalt  }
0x7c: {  	_ =	shalt  }
0x7d: {  	_ =	shalt  }
0x7e: {  	_ =	shalt  }
0x7f: {  	_ =	shalt  }
0x80: {  	_ =	shalt  }
0x81: {  	_ =	shalt  }
0x82: {  	_ =	shalt  }
0x83: {  	_ =	shalt  }
0x84: {  	_ =	shalt  }
0x85: {  	_ =	shalt  }
0x86: {  	_ =	shalt  }
0x87: {  	_ =	shalt  }
.Lfunc_end0:
.L_simem_size_0:
called_computation_lowered:
.L_overlay_start_0:
0x88: {  	s2 =	sld [smem:$0x3FD9]  }
0x89: {  	s3 =	sld [smem:$0x3FFE];
	_ =	sdelay $0x1  }
0x8a: {  	s1 =	srdreg.scid  }
0x8b: {  	s0 =	sand.u32 $0x1, s1  }
0x8c: {  	s16 =	sshll.u32 s0, $0xA;
	s2 =	sadd.s32 s3, s2  }
0x8d: {  	s2 =	sadd.s32 s2, s16  }
0x8e: {  	[smem:$0x3FC2] =	sst s2  }
0x8f: {  	_ = 	snop  }
0x90: {  	(tm) =	ssettm $0x1  }
0x91: {  	s17 =	sld [smem:$0x3FFB];
	_ =	sdelay $0x3  }
0x92: {  	_ =	strace s17  }
0x93: {  	s2 =	sld [smem:$0x3FFC];
	_ =	sdelay $0x3  }
0x94: {  	_ =	strace s2  }
0x95: {  	s2 =	sld [smem:$0x3FFD];
	_ =	sdelay $0x3  }
0x96: {  	_ =	strace s2  }
0x97: {  	_ =	strace $0x8FFFFFFF  }
0x98: {  	s18 =	sld [smem:$0x3FDB];
	_ =	sdelay $0x1  }
0x99: {  	s19 =	simm.s32 $_scs_section_size  }
0x9a: {  	s4 =	simm.s32 $_size__tile_overlayer_lowered;
	s5 =	simm.s32 $_tile_overlayer_lowered  }
0x9b: {  	s22 =	simm.s32 $0x1BFF;
	s21 =	sshll.u32 s5, $0x1;
	s2 =	sadd.s32 s19, s18  }
0x9c: {  	s6 =	simm.s32 $0x0;
	s20 =	sshll.u32 s4, $0x1;
	s4 =	sadd.s32 s21, s2  }
0x9d: {  	[timem:s6], [sflag:s22] =	dma.local [hbm:s4], s20  }
0x9e: {  	_ =	swait.ge [sflag:s22], s20  }
0x9f: {  	s3 =	ssub.s32 $0x0, s20;
	[sflag:s22] =	ssyncset.done $0x0  }
0xa0: {  	[sflag:s22] =	ssyncadd.s32 s3;
	_ =	sdelay $0x1  }
0xa1: {  	s23 =	simm.s32 $0x1B8B  }
0xa2: {  	_ =	swait.ge [sflag:s23], $0x1  }
0xa3: {  	[sflag:s23] =	ssyncset.done $0x0  }
0xa4: {  	s25 =	simm.s32 $0x1B8E;
	s24 =	sld [smem:$0x3FFE];
	[sflag:s23] =	ssyncadd.s32 $0xFFFFFFFF  }
0xa5: {  	s26 =	simm.s32 $execute0_lowered;
	[smem:$0x3FD2] =	sst s25  }
0xa6: {  	s4 =	sshll.u32 s26, $0x1;
	_ =	strace $0x80000046;
	[dreg:$0x1] =	wrdreg $0xFFFFFFFF  }
0xa7: {  	s28 =	simm.s32 $_size_execute0_lowered;
	s2 =	sadd.s32 s2, s4;
	[dreg:$0x0] =	wrdreg $0x0  }
0xa8: {  	s4 =	sshll.u32 s28, $0x1;
	[dreg:$0x2] =	wrdreg s2  }
0xa9: {  	[dreg:$0x3] =	wrdreg s4  }
0xaa: {  	[dreg:$0x4] =	wrdreg $0xC0  }
0xab: {  	_ =	task [dreg:s6], $0x5FFFF  }
0xac: {  	[dreg:$0x1] =	wrdreg $0xFFFFFFFF  }
0xad: {  	[dreg:$0x0] =	wrdreg $0x60  }
0xae: {  	[dreg:$0x2] =	wrdreg s24  }
0xaf: {  	[dreg:$0x3] =	wrdreg $0x84100  }
0xb0: {  	[dreg:$0x4] =	wrdreg $0x9  }
0xb1: {  	_ =	task.clear_ibuf [dreg:s6], $0x5FFFF;
	_ =	strace $0x90000046  }
0xb2: {  	s29 =	simm.s32 $0x9;
	_ =	strace $0x80000048  }
0xb3: {  	_ =	swait.ge [sflag:s29], $0x1  }
0xb4: {  	[sflag:s29] =	ssyncadd.s32 $0xFFFFFFFF  }
0xb5: {  	_ =	strace $0x90000048  }
0xb6: {  	_ =	sfence  }
0xb7: {  	s30 =	sld [smem:$0x0];
	_ =	sdelay $0x2  }
0xb8: {  	s31 =	sshll.u32 s1, $0xD;
	s1 =	sshrl.u32 s1, $0x2  }
0xb9: {  	s3 =	sand.u32 $0x4000, s31;
	s1 =	sadd.s32 s1, s30  }
0xba: {  	s0 =	sor.u32 s3, s0;
	s1 =	sshll.u32 s1, $0x11  }
0xbb: {  	s0 =	sor.u32 s1, s0  }
0xbc: {  	s0 =	sadd.s32 $0x8F2B, s0  }
0xbd: {  	[sflag:s0] =	ssyncadd.remote.s32 $0x1  }
0xbe: {  	_ =	sfence.sel $0xFFFF  }
0xbf: {  	[dreg:$0x0] =	wrdreg $0xFFFFFFFF;
	(pc) =	sbr.abs _section_cstart, $3  }
0xc0: {  	[dreg:$0x1] =	wrdreg $0xFFFFFFFF  }
0xc1: {  	_ =	task.clear_ibuf [dreg:s6], $0x2FFFF;
	_ =	strace $0x9FFFFFFF  }
0xc2: {  	(tm) =	ssettm $0x7FFFFFFF  }
0xc3: {  	_ =	shalt  }
tec
execute0_lowered:
.L_overlay_start_1:
0x0: {  	(tag) =	ssettag $0x1  }
0x1: {  	s0 =	srdreg.scid;
	s1 =	rddreg [dreg:$0x0]  }
0x2: {  	s10 =	stileid.u32;
	s2 =	rddreg [dreg:$0x1]  }
0x3: {  	s19 =	simm.s32 $0x7400;
	s20 =	simm.s32 $0x3;
	s28 =	simm.s32 $0x5C00  }
0x4: {  	s30 =	simm.s32 $0x6C00;
	s31 =	simm.s32 $0x1;
	s21 =	simm.s32 $0x0  }
0x5: {  	s0 =	sand.u32 $0x1, s0;
	s11 =	smul.u32 $0x2800, s10;
	s5 =	sadd.s32 $0x28E00, s1  }
0x6: {  	s8 =	sadd.s32 $0x28C00, s1;
	s3 =	sshll.u32 s0, $0x4;
	s7 =	smul.u32 $0x28000, s0  }
0x7: {  	s0 =	ssub.s32 $0x2, s0;
	s6 =	sor.u32 s10, s3;
	s3 =	simm.s32 $0x0  }
0x8: {  	s10 =	smul.u32 $0xA000, s10;
	s12 =	sshrl.u32 s0, $0x1;
	s25 =	sadd.s32 s11, s2  }
0x9: {  	s4 =	smul.u32 $0x540, s6;
	[smem:$0x7FF] =	sst s3;
	s22 =	sadd.s32 s11, s7  }
0xa: {  	s7 =	sadd.s32 $0x5C200, s1;
	s0 =	ssub.s32 s0, s12;
	s12 =	smul.u32 $0x29000, s6  }
0xb: {  	s25 =	sshrl.u32 s25, $0x3;
	_ =	strace $0x80000047;
	[dreg:$0x3] =	wrdreg s8  }
0xc: {  	s8 =	sshrl.u32 s22, $0x3;
	s23 =	sshrl.u32 s10, $0x2;
	s10 =	smul.u32 $0x2900, s6  }
0xd: {  	s0 =	smax.u32 s0, $0x1;
	s22 =	simm.s32 $0x2A00;
	s9 =	sadd.s32 s4, s1  }
0xe: {  	s4 =	sadd.s32 $0x2DE00, s1;
	[dreg:$0x7] =	wrdreg s0;
	s24 =	sadd.s32 $0x47A00, s9  }
0xf: {  	s1 =	sadd.s32 s8, s1;
	s9 =	sadd.s32 $0x3D200, s9;
	[dreg:$0x4] =	wrdreg s24  }
0x10: {  	s8 =	sadd.s32 s23, s2;
	s1 =	sadd.s32 $0x52200, s1;
	[dreg:$0x5] =	wrdreg s9  }
0x11: {  	s23 =	simm.s32 $0x80;
	s26 =	sadd.s32 $0x800, s8;
	[dreg:$0x6] =	wrdreg s1  }
0x12: {  	s0 =	simm.s32 $0x7C00;
	s29 =	sadd.s32 $0x1000, s8;
	[dreg:$0x8] =	wrdreg s26  }
0x13: {  	s17 =	sadd.s32 $0x1800, s8;
	s18 =	sadd.s32 $0x2000, s8;
	[dreg:$0x9] =	wrdreg s29  }
0x14: {  	v0 =	vimm.f32 $0.0e+00;
	s24 =	simm.s32 $0x5400;
	s26 =	simm.s32 $0x6400;
	s1 =	simm.s32 $0x2  }
.LBB2_1:
0x15: {  	s6 =	simm.s32 $0x40;
	s9 =	simm.s32 $0x0  }
.LBB2_2:
0x16: {  	p0 =	sne.s32 s6, $0x1FC0;
	[tilespmem:s9+$0x7400] =	vst v0;
	s9 =	smov.u32 s6;
	s6 =	sadd.s32 $0x40, s6  }
.Ltmp0:
0x17: {  	(pc) =	sbr.rel @p0 .LBB2_2-.Ltmp0, $2  }
0x18: {  	_ =	sdelay $0x2  }
0x19: {  	s9 =	sshra.s32 s9, $0x2  }
0x1a: {  	[tilespmem:s9+$0x7400] =	vst v0  }
0x1b: {  	[spmem:s8] =	stream.linear.scatter [tilespmem:s19], [sflag:$0x3], $0x800, $0x38;
	[tilespmem:$0xAC10] =	vst v63  }
0x1c: {  	_ =	swait.ge [sflag:s20], $0x800  }
0x1d: {  	[sflag:s20] =	ssyncset.done $0x0  }
0x1e: {  	s6 =	rddreg [dreg:$0x8];
	[sflag:s20] =	ssyncadd.s32 $0xFFFFF800  }
0x1f: {  	[spmem:s6] =	stream.linear.scatter [tilespmem:s19], [sflag:$0x3], $0x800, $0x38;
	[tilespmem:$0xAC10] =	vst v63  }
0x20: {  	_ =	swait.ge [sflag:s20], $0x800  }
0x21: {  	[sflag:s20] =	ssyncset.done $0x0  }
0x22: {  	s9 =	rddreg [dreg:$0x9];
	[sflag:s20] =	ssyncadd.s32 $0xFFFFF800  }
0x23: {  	[spmem:s9] =	stream.linear.scatter [tilespmem:s19], [sflag:$0x3], $0x800, $0x38;
	[tilespmem:$0xAC10] =	vst v63  }
0x24: {  	_ =	swait.ge [sflag:s20], $0x800  }
0x25: {  	[sflag:s20] =	ssyncset.done $0x0  }
0x26: {  	[sflag:s20] =	ssyncadd.s32 $0xFFFFF800  }
0x27: {  	[spmem:s17] =	stream.linear.scatter [tilespmem:s19], [sflag:$0x3], $0x800, $0x38;
	[tilespmem:$0xAC10] =	vst v63  }
0x28: {  	_ =	swait.ge [sflag:s20], $0x800  }
0x29: {  	[sflag:s20] =	ssyncset.done $0x0  }
0x2a: {  	[sflag:s20] =	ssyncadd.s32 $0xFFFFF800  }
0x2b: {  	[spmem:s18] =	stream.linear.scatter [tilespmem:s19], [sflag:$0x3], $0x800, $0x38;
	[tilespmem:$0xAC10] =	vst v63  }
0x2c: {  	_ =	swait.ge [sflag:s20], $0x800  }
0x2d: {  	s29 =	simm.s32 $0x0;
	[sflag:s20] =	ssyncset.done $0x0  }
0x2e: {  	s13 =	simm.s32 $0x8400;
	s11 =	rddreg [dreg:$0x3];
	[sflag:s20] =	ssyncadd.s32 $0xFFFFF800  }
0x2f: {  	[tilespmem:s13], [sflag:$0x3] =	stream.linear.gather [hbm4b:s11+s29], $0x10, $0x38;
	[tilespmem:$0xAC10] =	vst v63  }
0x30: {  	_ =	swait.ge [sflag:s20], $0x10  }
0x31: {  	[sflag:s20] =	ssyncset.done $0x0  }
0x32: {  	s14 =	rddreg [dreg:$0x4];
	[sflag:s20] =	ssyncadd.s32 $0xFFFFFFF0  }
0x33: {  	[tilespmem:s29], [sflag:$0x3] =	stream.linear.gather [hbm4b:s14+s29], $0x2A00, $0x38;
	[tilespmem:$0xAC10] =	vst v63  }
0x34: {  	_ =	swait.ge [sflag:s20], $0x2A00  }
0x35: {  	[sflag:s20] =	ssyncset.done $0x0  }
0x36: {  	s15 =	rddreg [dreg:$0x5];
	[sflag:s20] =	ssyncadd.s32 $0xFFFFD600  }
0x37: {  	[tilespmem:s22], [sflag:$0x3] =	stream.linear.gather [hbm4b:s15+s29], $0x2A00, $0x38;
	[tilespmem:$0xAC10] =	vst v63  }
0x38: {  	_ =	swait.ge [sflag:s20], $0x2A00  }
0x39: {  	[sflag:s20] =	ssyncset.done $0x0  }
0x3a: {  	[sflag:s20] =	ssyncadd.s32 $0xFFFFD600  }
0x3b: {  	[bflag:$0x0] =	sbarrier.arrive $0xFFFF  }
0x3c: {  	[tilespmem:s24], [sflag:$0x1] =	stream.indirect.gather [hbm4b:s4+s23], $0x10, s29, s23, $0xb8;
	[tilespmem:$0xAC10] =	vst v63  }
0x3d: {  	_ = 	snop  }
0x3e: {  	[tilespmem:s26], [sflag:$0x1] =	stream.indirect.gather [hbm4b:s5+s23], $0x10, s22, s23, $0xb8;
	[tilespmem:$0xAC10] =	vst v63  }
0x3f: {  	_ = 	snop  }
0x40: {  	[tilespmem:s28], [sflag:$0x2] =	stream.indirect.gather [hbm4b:s4+s23], $0x10, s23, s23, $0xb8;
	[tilespmem:$0xAC10] =	vst v63  }
0x41: {  	s16 =	simm.s32 $0x2A80  }
0x42: {  	[tilespmem:s30], [sflag:$0x2] =	stream.indirect.gather [hbm4b:s5+s23], $0x10, s16, s23, $0xb8;
	[tilespmem:$0xAC10] =	vst v63  }
0x43: {  	v1 =	vld [tilespmem:$0x8400]  }
.LBB2_4:
0x44: {  	_ =	swait.ge [sflag:s31], $0x800  }
0x45: {  	[sflag:s31] =	ssyncset.done $0x0  }
0x46: {  	[sflag:s31] =	ssyncadd.s32 $0xFFFFF800  }
0x47: {  	_ =	swait.ge [sflag:s31], $0x800  }
0x48: {  	[sflag:s31] =	ssyncset.done $0x0  }
0x49: {  	s6 =	simm.s32 $0x0;
	[sflag:s31] =	ssyncadd.s32 $0xFFFFF800  }
0x4a: {  	v2 =	vld [tilespmem:s6+$0x5400]  }
0x4b: {  	v3 =	vld [tilespmem:s6+$0x6400];
	_ =	sdelay $0x1  }
0x4c: {  	s9 =	simm.s32 $0x10  }
0x4d: {  	v4 =	vld [tilespmem:s9+$0x5400]  }
0x4e: {  	v5 =	vld [tilespmem:s9+$0x6400]  }
0x4f: {  	v2 =	vadd.f32 v3, v2;
	_ =	sdelay $0x1  }
0x50: {  	v6 =	vmul.f32 $2.000000030e-01, v2  }
0x51: {  	vm0 =	vgt.f32 v2, $0.0e+00  }
0x52: {  	v4 =	vadd.f32 v5, v4;
	v2 =	vsel vm0, v2, v6  }
0x53: {  	s11 =	simm.s32 $0x20;
	v2 =	vsub.f32 v2, v1  }
0x54: {  	v3 =	vld [tilespmem:s11+$0x5400];
	v7 =	vmul.f32 $2.000000030e-01, v4  }
0x55: {  	v5 =	vld [tilespmem:s11+$0x6400];
	vm14 =	vgt.f32 v4, $0.0e+00;
	v2 =	vmul.f32 $1.442695020e+00, v2  }
0x56: {  	v4 =	vsel vm14, v4, v7  }
0x57: {  	v4 =	vsub.f32 v4, v1;
	(erf) = vpow2.f32 v2;
	_ =	sdelay $0x1  }
0x58: {  	s13 =	simm.s32 $0x30;
	v4 =	vmul.f32 $1.442695020e+00, v4  }
0x59: {  	v5 =	vadd.f32 v5, v3;
	v3 =	vld [tilespmem:s13+$0x6400]  }
0x5a: {  	v2 =	vld [tilespmem:s13+$0x5400];
	(erf) = vpow2.f32 v4  }
0x5b: {  	v6 =	vmul.f32 $2.000000030e-01, v5  }
0x5c: {  	vm15 =	vgt.f32 v5, $0.0e+00  }
0x5d: {  	s14 =	simm.s32 $0x100;
	v4 =	vsel vm15, v5, v6  }
.LBB2_5:
0x5e: {  	s15 =	sshra.s32 s14, $0x2;
	v4 =	vsub.f32 v4, v1;
	p0 =	sne.s32 s14, $0x1FC0  }
.Ltmp1:
0x5f: {  	s14 =	sadd.s32 $0x40, s14;
	v5 =	vadd.f32 v3, v2;
	v2 =	vld [tilespmem:s15+$0x5400];
	v6 =	vpop (erf);
	(pc) =	sbr.rel @p0 .LBB2_5-.Ltmp1, $4  }
0x60: {  	v3 =	vld [tilespmem:s15+$0x6400];
	v4 =	vmul.f32 $1.442695020e+00, v4;
	[tilespmem:s6+$0x7400] =	vst v6;
	s6 =	smov.u32 s9;
	s9 =	smov.u32 s11;
	s11 =	smov.u32 s13  }
0x61: {  	s13 =	smov.u32 s15;
	v6 =	vmul.f32 $2.000000030e-01, v5  }
0x62: {  	vm0 =	vgt.f32 v5, $0.0e+00;
	(erf) = vpow2.f32 v4  }
0x63: {  	v4 =	vsel vm0, v5, v6  }
0x64: {  	_ = 	snop  }
0x65: {  	v2 =	vadd.f32 v3, v2;
	_ =	sdelay $0x1  }
0x66: {  	v3 =	vmul.f32 $2.000000030e-01, v2  }
0x67: {  	vm0 =	vgt.f32 v2, $0.0e+00  }
0x68: {  	v4 =	vsub.f32 v4, v1;
	v2 =	vsel vm0, v2, v3  }
0x69: {  	v2 =	vsub.f32 v2, v1  }
0x6a: {  	v3 =	vmul.f32 $1.442695020e+00, v4  }
0x6b: {  	v2 =	vmul.f32 $1.442695020e+00, v2  }
0x6c: {  	(erf) = vpow2.f32 v3  }
0x6d: {  	(erf) = vpow2.f32 v2;
	_ =	sdelay $0x5  }
0x6e: {  	v2 =	vpop (erf)  }
0x6f: {  	s16 =	sshll.u32 s29, $0xC;
	v3 =	vpop (erf);
	[tilespmem:s6+$0x7400] =	vst v2  }
0x70: {  	s6 =	sadd.s32 s12, s16;
	[tilespmem:s9+$0x7400] =	vst v3;
	v2 =	vpop (erf)  }
0x71: {  	s6 =	sshrl.u32 s6, $0x3;
	[tilespmem:s11+$0x7400] =	vst v2;
	v2 =	vpop (erf)  }
0x72: {  	s6 =	sadd.s32 s7, s6;
	[tilespmem:s13+$0x7400] =	vst v2;
	s13 =	simm.s32 $0x0  }
0x73: {  	[hbm4b:s6+s13] =	stream.linear.scatter [tilespmem:s19], [sflag:$0x3], $0x800, $0x38;
	[tilespmem:$0xAC10] =	vst v63  }
0x74: {  	s6 =	sshll.u32 s29, $0x8;
	_ =	swait.ge [sflag:s20], $0x800  }
0x75: {  	s14 =	sand.u32 $0x3FFFFF00, s6;
	[sflag:s20] =	ssyncset.done $0x0  }
0x76: {  	s9 =	sadd.s32 $0x2A00, s14;
	[sflag:s20] =	ssyncadd.s32 $0xFFFFF800  }
0x77: {  	[spmem:s2] =	stream.indirect.scatter.add.f32 [tilespmem:s19], [sflag:$0x3], $0x10, s9, s23, $0xb8;
	[tilespmem:$0xAC10] =	vst v63  }
0x78: {  	_ =	swait.ge [sflag:s20], $0x800  }
0x79: {  	[sflag:s20] =	ssyncset.done $0x0  }
0x7a: {  	s15 =	sadd.s32 $0x100, s6;
	[sflag:s20] =	ssyncadd.s32 $0xFFFFF800  }
0x7b: {  	[tilespmem:s24], [sflag:$0x1] =	stream.indirect.gather [hbm4b:s4+s23], $0x10, s15, s23, $0xb8;
	[tilespmem:$0xAC10] =	vst v63  }
0x7c: {  	s16 =	sadd.s32 $0x2B00, s6  }
0x7d: {  	[tilespmem:s26], [sflag:$0x1] =	stream.indirect.gather [hbm4b:s5+s23], $0x10, s16, s23, $0xb8;
	[tilespmem:$0xAC10] =	vst v63  }
0x7e: {  	_ =	swait.ge [sflag:s1], $0x800  }
0x7f: {  	[sflag:s1] =	ssyncset.done $0x0  }
0x80: {  	[sflag:s1] =	ssyncadd.s32 $0xFFFFF800  }
0x81: {  	_ =	swait.ge [sflag:s1], $0x800  }
0x82: {  	[sflag:s1] =	ssyncset.done $0x0  }
0x83: {  	s9 =	simm.s32 $0x0;
	[sflag:s1] =	ssyncadd.s32 $0xFFFFF800  }
0x84: {  	v2 =	vld [tilespmem:s9+$0x5C00]  }
0x85: {  	v3 =	vld [tilespmem:s9+$0x6C00];
	_ =	sdelay $0x1  }
0x86: {  	s11 =	simm.s32 $0x10  }
0x87: {  	v4 =	vld [tilespmem:s11+$0x5C00]  }
0x88: {  	v5 =	vld [tilespmem:s11+$0x6C00]  }
0x89: {  	v2 =	vadd.f32 v3, v2;
	_ =	sdelay $0x1  }
0x8a: {  	v6 =	vmul.f32 $2.000000030e-01, v2  }
0x8b: {  	vm13 =	vgt.f32 v2, $0.0e+00  }
0x8c: {  	v4 =	vadd.f32 v5, v4;
	v2 =	vsel vm13, v2, v6  }
0x8d: {  	s13 =	simm.s32 $0x20;
	v2 =	vsub.f32 v2, v1  }
0x8e: {  	v3 =	vld [tilespmem:s13+$0x5C00];
	v7 =	vmul.f32 $2.000000030e-01, v4  }
0x8f: {  	v5 =	vld [tilespmem:s13+$0x6C00];
	vm14 =	vgt.f32 v4, $0.0e+00;
	v2 =	vmul.f32 $1.442695020e+00, v2  }
0x90: {  	v4 =	vsel vm14, v4, v7  }
0x91: {  	v4 =	vsub.f32 v4, v1;
	(erf) = vpow2.f32 v2;
	_ =	sdelay $0x1  }
0x92: {  	s14 =	simm.s32 $0x30;
	v4 =	vmul.f32 $1.442695020e+00, v4  }
0x93: {  	v5 =	vadd.f32 v5, v3;
	v3 =	vld [tilespmem:s14+$0x6C00]  }
0x94: {  	v2 =	vld [tilespmem:s14+$0x5C00];
	(erf) = vpow2.f32 v4  }
0x95: {  	v6 =	vmul.f32 $2.000000030e-01, v5  }
0x96: {  	vm15 =	vgt.f32 v5, $0.0e+00  }
0x97: {  	s15 =	simm.s32 $0x100;
	v4 =	vsel vm15, v5, v6  }
.LBB2_7:
0x98: {  	s16 =	sshra.s32 s15, $0x2;
	v4 =	vsub.f32 v4, v1;
	p0 =	sne.s32 s15, $0x1FC0  }
.Ltmp2:
0x99: {  	s15 =	sadd.s32 $0x40, s15;
	v5 =	vadd.f32 v3, v2;
	v2 =	vld [tilespmem:s16+$0x5C00];
	v6 =	vpop (erf);
	(pc) =	sbr.rel @p0 .LBB2_7-.Ltmp2, $4  }
0x9a: {  	v3 =	vld [tilespmem:s16+$0x6C00];
	v4 =	vmul.f32 $1.442695020e+00, v4;
	[tilespmem:s9+$0x7C00] =	vst v6;
	s9 =	smov.u32 s11;
	s11 =	smov.u32 s13;
	s13 =	smov.u32 s14  }
0x9b: {  	s14 =	smov.u32 s16;
	v6 =	vmul.f32 $2.000000030e-01, v5  }
0x9c: {  	vm0 =	vgt.f32 v5, $0.0e+00;
	(erf) = vpow2.f32 v4  }
0x9d: {  	v4 =	vsel vm0, v5, v6  }
0x9e: {  	_ = 	snop  }
0x9f: {  	v2 =	vadd.f32 v3, v2;
	_ =	sdelay $0x1  }
0xa0: {  	v3 =	vmul.f32 $2.000000030e-01, v2  }
0xa1: {  	vm0 =	vgt.f32 v2, $0.0e+00  }
0xa2: {  	v4 =	vsub.f32 v4, v1;
	v2 =	vsel vm0, v2, v3  }
0xa3: {  	v2 =	vsub.f32 v2, v1  }
0xa4: {  	v3 =	vmul.f32 $1.442695020e+00, v4  }
0xa5: {  	v2 =	vmul.f32 $1.442695020e+00, v2  }
0xa6: {  	(erf) = vpow2.f32 v3  }
0xa7: {  	(erf) = vpow2.f32 v2;
	_ =	sdelay $0x5  }
0xa8: {  	s15 =	sadd.s32 s6, s10;
	v2 =	vpop (erf)  }
0xa9: {  	s16 =	sshll.u32 s15, $0x1;
	[tilespmem:s9+$0x7C00] =	vst v2;
	v2 =	vpop (erf)  }
0xaa: {  	s9 =	sadd.s32 $0x100, s16;
	[tilespmem:s11+$0x7C00] =	vst v2;
	v2 =	vpop (erf)  }
0xab: {  	s9 =	sand.u32 $0x1FFFFF00, s9;
	[tilespmem:s13+$0x7C00] =	vst v2;
	v2 =	vpop (erf)  }
0xac: {  	s9 =	sadd.s32 s7, s9;
	[tilespmem:s14+$0x7C00] =	vst v2  }
0xad: {  	[hbm4b:s9+s3] =	stream.linear.scatter [tilespmem:s0], [sflag:$0x3], $0x800, $0x38;
	[tilespmem:$0xAC10] =	vst v63  }
0xae: {  	_ =	swait.ge [sflag:s20], $0x800  }
0xaf: {  	[sflag:s20] =	ssyncset.done $0x0  }
0xb0: {  	s29 =	sadd.s32 $0x1, s29;
	s14 =	sadd.s32 $0x2A80, s6;
	[sflag:s20] =	ssyncadd.s32 $0xFFFFF800  }
0xb1: {  	[spmem:s2] =	stream.indirect.scatter.add.f32 [tilespmem:s0], [sflag:$0x3], $0x10, s14, s23, $0xb8;
	[tilespmem:$0xAC10] =	vst v63  }
0xb2: {  	p0 =	sne.s32 s29, $0x29;
	_ =	swait.ge [sflag:s20], $0x800  }
.Ltmp3:
0xb3: {  	[sflag:s20] =	ssyncset.done $0x0;
	(pc) =	sbr.rel @p0 .LBB2_4-.Ltmp3, $4  }
0xb4: {  	s15 =	sadd.s32 $0x180, s6;
	[sflag:s20] =	ssyncadd.s32 $0xFFFFF800  }
0xb5: {  	[tilespmem:s28], [sflag:$0x2] =	stream.indirect.gather [hbm4b:s4+s23], $0x10, s15, s23, $0xb8;
	[tilespmem:$0xAC10] =	vst v63  }
0xb6: {  	s16 =	sadd.s32 $0x2B80, s6  }
0xb7: {  	[tilespmem:s30], [sflag:$0x2] =	stream.indirect.gather [hbm4b:s5+s23], $0x10, s16, s23, $0xb8;
	[tilespmem:$0xAC10] =	vst v63  }
0xb8: {  	_ =	swait.ge [sflag:s31], $0x800  }
0xb9: {  	[sflag:s31] =	ssyncset.done $0x0  }
0xba: {  	[sflag:s31] =	ssyncadd.s32 $0xFFFFF800  }
0xbb: {  	_ =	swait.ge [sflag:s31], $0x800  }
0xbc: {  	[sflag:s31] =	ssyncset.done $0x0  }
0xbd: {  	[sflag:s31] =	ssyncadd.s32 $0xFFFFF800  }
0xbe: {  	_ =	swait.ge [sflag:s1], $0x800  }
0xbf: {  	[sflag:s1] =	ssyncset.done $0x0  }
0xc0: {  	[sflag:s1] =	ssyncadd.s32 $0xFFFFF800  }
0xc1: {  	_ =	swait.ge [sflag:s1], $0x800  }
0xc2: {  	[sflag:s1] =	ssyncset.done $0x0  }
0xc3: {  	s6 =	stileid.u32;
	[sflag:s1] =	ssyncadd.s32 $0xFFFFF800  }
0xc4: {  	s6 =	sshll.u32 s6, $0x6;
	[bflag:$0x0] =	sbarrier.arrive $0xFFFF  }
0xc5: {  	s6 =	sor.u32 $0x1C03, s6;
	s9 =	rddreg [dreg:$0x6]  }
0xc6: {  	[hbm:s9], [sflag:s6] =	dma.local [spmem:s25], $0x500  }
0xc7: {  	_ =	swait.ge [sflag:s20], $0x500  }
0xc8: {  	s21 =	sadd.s32 $0x1, s21;
	s29 =	rddreg [dreg:$0x7]  }
0xc9: {  	p0 =	sne.s32 s21, s29  }
.Ltmp4:
0xca: {  	_ = 	snop;
	(pc) =	sbr.rel @p0 .LBB2_1-.Ltmp4, $3  }
0xcb: {  	_ =	sdelay $0x1  }
0xcc: {  	[sflag:s20] =	ssyncset.done $0x0  }
0xcd: {  	[sflag:s20] =	ssyncadd.s32 $0xFFFFFB00  }
0xce: {  	_ =	sfence.sel $0x180000  }
0xcf: {  	[bflag:$0x0] =	sbarrier.arrive $0xFFFF  }
0xd0: {  	_ =	strace $0x90000047  }
0xd1: {  	s0 =	stileid.u32;
	[bflag:$0x2] =	sbarrier.arrive $0xFFFF  }
0xd2: {  	p0 =	sne.s32 s0, $0x0;
	s0 =	rddreg [dreg:$0x2]  }
0xd3: {  	s0 =	sadd.s32 @!p0 $0x100000, s0  }
0xd4: {  	[sflag:s0] =	ssyncadd.tile.s32 @!p0 $0x1;
	_ =	shalt  }
.Lfunc_end2:
_tile_overlayer_lowered:
.L_overlay_start_2:
0xd5: {  	(tag) =	ssettag $0x2  }
0xd6: {  	s0 =	rddreg [dreg:$0x0];
	s2 =	stileid.u32  }
0xd7: {  	s1 =	rddreg [dreg:$0x1];
	p0 =	sne.s32 s2, $0x0  }
0xd8: {  	s3 =	rddreg [dreg:$0x2];
	[bflag:$0x3] =	sbarrier.arrive $0xFFFF;
	s2 =	simm.s32 @!p0 $0x1C03  }
0xd9: {  	[timem:s3], [sflag:s2] =	dma.local @!p0 [hbm:s0], s1  }
0xda: {  	s0 =	simm.s32 @!p0 $0x3  }
0xdb: {  	_ =	swait.ge @!p0 [sflag:s0], s1  }
0xdc: {  	s1 =	ssub.s32 @!p0 $0x0, s1;
	[sflag:s0] =	ssyncset.done @!p0 $0x0  }
0xdd: {  	[sflag:s0] =	ssyncadd.s32 @!p0 s1  }
0xde: {  	[bflag:$0x3] =	sbarrier.arrive $0xFFFF  }
0xdf: {  	_ =	shalt  }

</sc_bundles>
